<compile_context>
chip_gen: v7x
topology: tpu7x:2x2x1
jax: 0.10.2.dev20260603
libtpu: 0.0.44.dev20260713+nightly
codegen_flags: <defaults>
</compile_context>

<pallas_src>
import functools

import jax
import jax.numpy as jnp
from jax import lax
from jax.experimental import pallas as pl
from jax.experimental.pallas import tpu as pltpu
from jax.experimental.pallas import tpu_sc as plsc

_N = 20000
_PADN = 20480
_PER_TILE = 640
_NBLK = 1280
_NGRP = 80
_PRE_K = 2000
_TOP_K = 100
_KPAD = 112
_NMS_T = 0.3
_THR = 0.1
_F32 = jnp.float32


@functools.cache
def _mesh():
    return plsc.VectorSubcoreMesh(core_axis_name="c", subcore_axis_name="s")


def _round_half_even_nonneg(x):
    i = x.astype(jnp.int32)
    f = x - i.astype(_F32)
    up = (f > 0.5) | ((f == 0.5) & ((i & 1) == 1))
    return jnp.where(up, i + 1, i).astype(_F32)


def _decode_body(x1_h, y1_h, x2_h, y2_h, d0_h, d1_h, d2_h, d3_h, sc_h, dec_h, l1_h,
                 x1_v, y1_v, x2_v, y2_v, d0_v, d1_v, d2_v, d3_v, sc_v,
                 ox1, oy1, ox2, oy2, oar, osc, ol1):
    wid = lax.axis_index("s") * 2 + lax.axis_index("c")
    base = pl.multiple_of(wid * _PER_TILE, 8)
    sl_h = pl.ds(base, _PER_TILE)
    pltpu.sync_copy(x1_h.at[sl_h], x1_v)
    pltpu.sync_copy(y1_h.at[sl_h], y1_v)
    pltpu.sync_copy(x2_h.at[sl_h], x2_v)
    pltpu.sync_copy(y2_h.at[sl_h], y2_v)
    pltpu.sync_copy(d0_h.at[sl_h], d0_v)
    pltpu.sync_copy(d1_h.at[sl_h], d1_v)
    pltpu.sync_copy(d2_h.at[sl_h], d2_v)
    pltpu.sync_copy(d3_h.at[sl_h], d3_v)
    pltpu.sync_copy(sc_h.at[sl_h], sc_v)

    def step(i, _):
        sl = pl.ds(i * 16, 16)
        qx1 = jnp.clip(_round_half_even_nonneg(x1_v[sl] * 4.0), -32768.0, 32767.0) * 0.25
        qy1 = jnp.clip(_round_half_even_nonneg(y1_v[sl] * 4.0), -32768.0, 32767.0) * 0.25
        qx2 = jnp.clip(_round_half_even_nonneg(x2_v[sl] * 4.0), -32768.0, 32767.0) * 0.25
        qy2 = jnp.clip(_round_half_even_nonneg(y2_v[sl] * 4.0), -32768.0, 32767.0) * 0.25
        w = qx2 - qx1
        h = qy2 - qy1
        cx = qx1 + 0.5 * w
        cy = qy1 + 0.5 * h
        pcx = d0_v[sl] * w + cx
        pcy = d1_v[sl] * h + cy
        pw = w * jnp.exp(jnp.clip(d2_v[sl], -10.0, 10.0))
        ph = h * jnp.exp(jnp.clip(d3_v[sl], -10.0, 10.0))
        rx1 = jnp.clip(pcx - 0.5 * pw, 0.0, 1023.0)
        ry1 = jnp.clip(pcy - 0.5 * ph, 0.0, 1023.0)
        rx2 = jnp.clip(pcx + 0.5 * pw, 0.0, 1023.0)
        ry2 = jnp.clip(pcy + 0.5 * ph, 0.0, 1023.0)
        ox1[sl] = rx1
        oy1[sl] = ry1
        ox2[sl] = rx2
        oy2[sl] = ry2
        oar[sl] = jnp.maximum(rx2 - rx1, 0.0) * jnp.maximum(ry2 - ry1, 0.0)
        s = sc_v[sl]
        osc[sl] = jnp.where(s >= _THR, s, -1.0)
        return _

    lax.fori_loop(0, _PER_TILE // 16, step, 0)

    iota = lax.iota(jnp.int32, 16)
    def l1_step(c2, _):
        acc = jnp.full((16,), -2.0, _F32)
        for l in range(16):
            blk = c2 * 16 + l
            if blk < 40:
                m = jnp.max(osc[pl.ds(blk * 16, 16)])
                acc = jnp.where(iota == l, m, acc)
        ol1[pl.ds(c2 * 16, 16)] = acc
        return _

    for c2 in range(3):
        l1_step(c2, 0)

    pltpu.sync_copy(ox1, dec_h.at[0, sl_h])
    pltpu.sync_copy(oy1, dec_h.at[1, sl_h])
    pltpu.sync_copy(ox2, dec_h.at[2, sl_h])
    pltpu.sync_copy(oy2, dec_h.at[3, sl_h])
    pltpu.sync_copy(oar, dec_h.at[4, sl_h])
    pltpu.sync_copy(osc, dec_h.at[5, sl_h])
    pltpu.sync_copy(ol1.at[pl.ds(0, 40)], l1_h.at[pl.ds(pl.multiple_of(wid * 40, 8), 40)])


@functools.cache
def _decode():
    return pl.kernel(
        _decode_body,
        (jax.ShapeDtypeStruct((6, _PADN), _F32),
         jax.ShapeDtypeStruct((_NBLK,), _F32)),
        mesh=_mesh(),
        compiler_params=pltpu.CompilerParams(needs_layout_passes=False),
        scratch_types=[pltpu.VMEM((_PER_TILE,), _F32) for _ in range(15)]
        + [pltpu.VMEM((48,), _F32)],
    )


def _nms_body(dec_h, l1_h, out_h,
              X1v, Y1v, X2v, Y2v, ARv, Sv, L1v, L2v,
              kx1, ky1, kx2, ky2, ks, ka, outv):
    c = lax.axis_index("c")
    s = lax.axis_index("s")

    @pl.when((c == 0) & (s == 0))
    def _run():
        pltpu.sync_copy(dec_h.at[0], X1v)
        pltpu.sync_copy(dec_h.at[1], Y1v)
        pltpu.sync_copy(dec_h.at[2], X2v)
        pltpu.sync_copy(dec_h.at[3], Y2v)
        pltpu.sync_copy(dec_h.at[4], ARv)
        pltpu.sync_copy(dec_h.at[5], Sv)
        pltpu.sync_copy(l1_h, L1v)

        iota = lax.iota(jnp.int32, 16)
        big = jnp.int32(1 << 30)

        def l2_step(gg, _):
            acc = jnp.full((16,), -2.0, _F32)
            for l in range(16):
                m = jnp.max(L1v[pl.ds(gg * 256 + l * 16, 16)])
                acc = jnp.where(iota == l, m, acc)
            L2v[pl.ds(gg * 16, 16)] = acc
            return _

        lax.fori_loop(0, _NGRP // 16, l2_step, 0)

        def cond(st):
            return jnp.logical_not(st[0])

        def body(st):
            done, k, p = st
            v0 = L2v[pl.ds(0, 16)]
            v1 = L2v[pl.ds(16, 16)]
            v2 = L2v[pl.ds(32, 16)]
            v3 = L2v[pl.ds(48, 16)]
            v4 = L2v[pl.ds(64, 16)]
            gm = jnp.max(jnp.maximum(jnp.maximum(jnp.maximum(v0, v1),
                                                 jnp.maximum(v2, v3)), v4))
            c0 = jnp.where(v0 == gm, iota, big)
            c1 = jnp.where(v1 == gm, 16 + iota, big)
            c2 = jnp.where(v2 == gm, 32 + iota, big)
            c3 = jnp.where(v3 == gm, 48 + iota, big)
            c4 = jnp.where(v4 == gm, 64 + iota, big)
            g = jnp.min(jnp.minimum(jnp.minimum(jnp.minimum(c0, c1),
                                                jnp.minimum(c2, c3)), c4))
            vL1 = L1v[pl.ds(g * 16, 16)]
            b = jnp.min(jnp.where(vL1 == gm, g * 16 + iota, big))
            vS = Sv[pl.ds(b * 16, 16)]
            l = jnp.min(jnp.where(vS == gm, iota, big))
            lane = iota == l
            valid = gm >= _THR

            jvec = jnp.zeros((16,), jnp.int32) + (b * 16 + l)
            cx1 = plsc.load_gather(X1v, [jvec])
            cy1 = plsc.load_gather(Y1v, [jvec])
            cx2 = plsc.load_gather(X2v, [jvec])
            cy2 = plsc.load_gather(Y2v, [jvec])
            car = plsc.load_gather(ARv, [jvec])

            vS2 = jnp.where(lane, -2.0, vS)
            Sv[pl.ds(b * 16, 16)] = vS2
            vL1n = jnp.where(iota == b - g * 16, jnp.max(vS2), vL1)
            L1v[pl.ds(g * 16, 16)] = vL1n
            g8d = g // 16
            vL2 = L2v[pl.ds(g8d * 16, 16)]
            L2v[pl.ds(g8d * 16, 16)] = jnp.where(
                iota == g - g8d * 16, jnp.max(vL1n), vL2)

            supv = jnp.zeros((16,), _F32)
            for c7 in range(7):
                slk = pl.ds(c7 * 16, 16)
                ix1 = jnp.maximum(kx1[slk], cx1)
                iy1 = jnp.maximum(ky1[slk], cy1)
                ix2 = jnp.minimum(kx2[slk], cx2)
                iy2 = jnp.minimum(ky2[slk], cy2)
                inter = jnp.maximum(ix2 - ix1, 0.0) * jnp.maximum(iy2 - iy1, 0.0)
                iou = inter / jnp.maximum(ka[slk] + car - inter, 1e-9)
                supv = jnp.maximum(supv, jnp.where(c7 * 16 + iota < k, iou, 0.0))
            keep = valid & (jnp.max(supv) <= _NMS_T)

            kc = k // 16
            slot = (iota == k - kc * 16) & keep
            slk = pl.ds(kc * 16, 16)
            kx1[slk] = jnp.where(slot, cx1, kx1[slk])
            ky1[slk] = jnp.where(slot, cy1, ky1[slk])
            kx2[slk] = jnp.where(slot, cx2, kx2[slk])
            ky2[slk] = jnp.where(slot, cy2, ky2[slk])
            ks[slk] = jnp.where(slot, gm, ks[slk])
            ka[slk] = jnp.where(slot, car, ka[slk])

            k = jnp.where(keep, k + 1, k)
            p = p + 1
            done = (jnp.logical_not(valid) | (k >= _TOP_K) | (p >= _PRE_K))
            return done, k, p

        _, kfin, _ = lax.while_loop(
            cond, body, (jnp.bool_(False), jnp.int32(0), jnp.int32(0)))

        neg = jnp.full((16,), -1.0, _F32)
        for r, arr in enumerate([kx1, ky1, kx2, ky2, ks]):
            for c7 in range(7):
                live = c7 * 16 + iota < kfin
                outv[pl.ds(r * _KPAD + c7 * 16, 16)] = jnp.where(
                    live, arr[pl.ds(c7 * 16, 16)], neg)
        for c7 in range(7):
            live = c7 * 16 + iota < kfin
            outv[pl.ds(5 * _KPAD + c7 * 16, 16)] = jnp.where(live, 1.0, neg)
        pltpu.sync_copy(outv, out_h)


@functools.cache
def _nms():
    return pl.kernel(
        _nms_body,
        jax.ShapeDtypeStruct((6 * _KPAD,), _F32),
        mesh=_mesh(),
        compiler_params=pltpu.CompilerParams(needs_layout_passes=False),
        scratch_types=(
            [pltpu.VMEM((_PADN,), _F32) for _ in range(6)]
            + [pltpu.VMEM((_NBLK,), _F32), pltpu.VMEM((_NGRP,), _F32)]
            + [pltpu.VMEM((_KPAD,), _F32) for _ in range(6)]
            + [pltpu.VMEM((6 * _KPAD,), _F32)]),
    )


def kernel(boxes, scores, deltas):
    pad = _PADN - _N
    sc = jnp.pad(scores.reshape(_N, 2)[:, 1], (0, pad), constant_values=-1.0)
    dl = jnp.pad(deltas.reshape(_N, 2, 4)[:, 1, :], ((0, pad), (0, 0)))
    bx = jnp.pad(boxes, ((0, pad), (0, 0)))
    dec, l1 = _decode()(bx[:, 0], bx[:, 1], bx[:, 2], bx[:, 3],
                        dl[:, 0], dl[:, 1], dl[:, 2], dl[:, 3], sc)
    out = _nms()(dec, l1)
    return out.reshape(6, _KPAD)[:, :_TOP_K].T[None, :, :]

# --- scband reference (transcript-rebuilt; emitter-appended) ---
"""Pipeline reference for scband-rcnn-post-process-82884278879271 (READ-ONLY COPY).

The authoritative reference and input builder live on the scoring server;
editing this copy changes nothing except your own understanding.
"""

import jax, jax.numpy as jnp
import numpy as np

IMG_H, IMG_W = 1024, 1024
NMS_THRESHOLD = 0.3
BOX_FILTER_THRESHOLD = 0.1
NUM_CLASSES = 1
POST_NMS_TOP_K = 100
DELTA_MEAN = np.array([0.0, 0.0, 0.0, 0.0], dtype=np.float32)
DELTA_STD = np.array([1.0, 1.0, 1.0, 1.0], dtype=np.float32)
PRE_NMS_K = 2000
N_BOXES = 20000


def setup_inputs(seed: int = 0):
    key = jax.random.key(seed)
    k1, k1b, k2, k3 = jax.random.split(key, 4)
    xy = jax.random.uniform(k1, (N_BOXES, 2), dtype=jnp.float32) * 900.0
    wh = jax.random.uniform(k1b, (N_BOXES, 2), dtype=jnp.float32) * 120.0 + 4.0
    boxes = jnp.concatenate([xy, xy + wh], axis=1)
    scores = jax.random.uniform(k2, (N_BOXES, NUM_CLASSES + 1, 1, 1), dtype=jnp.float32)
    deltas = jax.random.normal(k3, (N_BOXES, (NUM_CLASSES + 1) * 4, 1, 1), dtype=jnp.float32) * 0.1
    return {"boxes": boxes, "scores": scores, "deltas": deltas}


def _pairwise_iou(b):
    x1, y1, x2, y2 = b[:, 0], b[:, 1], b[:, 2], b[:, 3]
    area = jnp.maximum(x2 - x1, 0.0) * jnp.maximum(y2 - y1, 0.0)
    xx1 = jnp.maximum(x1[:, None], x1[None, :])
    yy1 = jnp.maximum(y1[:, None], y1[None, :])
    xx2 = jnp.minimum(x2[:, None], x2[None, :])
    yy2 = jnp.minimum(y2[:, None], y2[None, :])
    inter = jnp.maximum(xx2 - xx1, 0.0) * jnp.maximum(yy2 - yy1, 0.0)
    union = area[:, None] + area[None, :] - inter
    return inter / jnp.maximum(union, 1e-9)


def _forward(boxes, scores, deltas):
    n = boxes.shape[0]
    # emulate quantize(box, scale=0.25, zero_point=0, 'qint16') -> int_repr -> implicit dequant
    q = jnp.clip(jnp.round(boxes / 0.25), -32768.0, 32767.0)
    boxes_f = q * 0.25
    # argmax over multi-class (foreground) scores
    s = scores.reshape(n, NUM_CLASSES + 1)
    fg = s[:, 1:]
    cls_idx = jnp.argmax(fg, axis=1) + 1
    best_score = jnp.max(fg, axis=1)
    # gather per-class deltas, denormalize
    d = deltas.reshape(n, NUM_CLASSES + 1, 4)
    dsel = jnp.take_along_axis(d, cls_idx[:, None, None], axis=1)[:, 0, :]
    dsel = dsel * DELTA_STD[None, :] + DELTA_MEAN[None, :]
    # non-linear transform: decode deltas to image coordinates
    w = boxes_f[:, 2] - boxes_f[:, 0]
    h = boxes_f[:, 3] - boxes_f[:, 1]
    cx = boxes_f[:, 0] + 0.5 * w
    cy = boxes_f[:, 1] + 0.5 * h
    dx, dy, dw, dh = dsel[:, 0], dsel[:, 1], dsel[:, 2], dsel[:, 3]
    pcx = dx * w + cx
    pcy = dy * h + cy
    pw = w * jnp.exp(jnp.clip(dw, -10.0, 10.0))
    ph = h * jnp.exp(jnp.clip(dh, -10.0, 10.0))
    x1 = jnp.clip(pcx - 0.5 * pw, 0.0, IMG_W - 1.0)
    y1 = jnp.clip(pcy - 0.5 * ph, 0.0, IMG_H - 1.0)
    x2 = jnp.clip(pcx + 0.5 * pw, 0.0, IMG_W - 1.0)
    y2 = jnp.clip(pcy + 0.5 * ph, 0.0, IMG_H - 1.0)
    dec = jnp.stack([x1, y1, x2, y2], axis=1)
    # score filtering + bin-sort (top_k on masked scores)
    valid = best_score >= BOX_FILTER_THRESHOLD
    masked_score = jnp.where(valid, best_score, -1.0)
    pre_k = min(PRE_NMS_K, n)
    top_sc, top_idx = jax.lax.top_k(masked_score, pre_k)
    tb = dec[top_idx]
    tc = cls_idx[top_idx]
    # class-aware NMS: offset boxes per class so different classes never overlap
    off = tc.astype(jnp.float32) * (float(max(IMG_H, IMG_W)) + 1.0)
    iou = _pairwise_iou(tb + off[:, None])
    idxs = jnp.arange(pre_k)
    keep0 = top_sc >= BOX_FILTER_THRESHOLD

    def body(keep, i):
        suppress = (iou[i] > NMS_THRESHOLD) & keep[i] & (idxs > i)
        return keep & (~suppress), None

    keep, _ = jax.lax.scan(body, keep0, jnp.arange(pre_k))
    rank = jnp.cumsum(keep.astype(jnp.int32)) - 1
    slot = jnp.where(keep & (rank < POST_NMS_TOP_K), rank, POST_NMS_TOP_K)
    rows = jnp.concatenate([tb, top_sc[:, None], tc.astype(jnp.float32)[:, None]], axis=1)
    out = jnp.full((POST_NMS_TOP_K + 1, 6), -1.0, dtype=jnp.float32)
    out = out.at[slot].set(rows)
    return out[:POST_NMS_TOP_K][None, :, :]


def reference(boxes, scores, deltas):
    return _forward(boxes, scores, deltas)

if __name__ == "__main__":
    import jax
    _d = setup_inputs()
    print(jax.jit(kernel)(*tuple(_d.values())))

</pallas_src>

<mosaic_0001>
#map = affine_map<(d0, d1) -> (0, 0)>
#map1 = affine_map<(d0, d1) -> (0)>
module attributes {stable_mosaic.version = 14 : i64} {
  func.func @_nms_body(%arg0: i32, %arg1: i32, %arg2: memref<6x20480xf32, #tpu.memory_space<hbm>>, %arg3: memref<1280xf32, #tpu.memory_space<hbm>>, %arg4: memref<672xf32, #tpu.memory_space<hbm>>, %arg5: memref<20480xf32, #tpu.memory_space<vmem>>, %arg6: memref<20480xf32, #tpu.memory_space<vmem>>, %arg7: memref<20480xf32, #tpu.memory_space<vmem>>, %arg8: memref<20480xf32, #tpu.memory_space<vmem>>, %arg9: memref<20480xf32, #tpu.memory_space<vmem>>, %arg10: memref<20480xf32, #tpu.memory_space<vmem>>, %arg11: memref<1280xf32, #tpu.memory_space<vmem>>, %arg12: memref<80xf32, #tpu.memory_space<vmem>>, %arg13: memref<112xf32, #tpu.memory_space<vmem>>, %arg14: memref<112xf32, #tpu.memory_space<vmem>>, %arg15: memref<112xf32, #tpu.memory_space<vmem>>, %arg16: memref<112xf32, #tpu.memory_space<vmem>>, %arg17: memref<112xf32, #tpu.memory_space<vmem>>, %arg18: memref<112xf32, #tpu.memory_space<vmem>>, %arg19: memref<672xf32, #tpu.memory_space<vmem>>) attributes {dimension_semantics = [#tpu.dimension_semantics<core_parallel>, #tpu.dimension_semantics<subcore_parallel>], iteration_bounds = array<i64: 2, 16>, scalar_prefetch = 0 : i64, scratch_operands = 15 : i64, tpu.core_type = #tpu.core_type<sc_vector_subcore>, window_params = [{transform_indices = #map}, {transform_indices = #map1}, {transform_indices = #map1}]} {
    %eq3A = arith.constant 0 : i32
    %eq3A_0 = arith.cmpi eq, %arg0, %eq3A : i32
    %eq3A_1 = arith.constant 0 : i32
    %eq3A_2 = arith.cmpi eq, %arg1, %eq3A_1 : i32
    %and3A = arith.andi %eq3A_0, %eq3A_2 : i1
    %convert_element_type3A = arith.extui %and3A : i1 to i32
    %cond3A = arith.constant 0 : i32
    %cond3A_3 = arith.cmpi ne, %convert_element_type3A, %cond3A : i32
    scf.if %cond3A_3 {
      %run_scoped3A = arith.constant 0 : i32
      "tpu.region"() ({
        %run_scoped3A_433 = tpu.sem_alloc : memref<!tpu.dma_semaphore, #tpu.memory_space<semaphore_mem>>
        %dma_start3A = arith.constant 0 : i32
        %dma_start3A_434 = tpu.memref_slice %arg2[%run_scoped3A, %dma_start3A] : memref<6x20480xf32, #tpu.memory_space<hbm>> -> memref<1x20480xf32, #tpu.memory_space<hbm>>
        %dma_start3A_435 = tpu.memref_squeeze %dma_start3A_434 : memref<1x20480xf32, #tpu.memory_space<hbm>> -> memref<20480xf32, #tpu.memory_space<hbm>>
        %dma_start3A_436 = arith.constant 0 : i32
        %dma_start3A_437 = tpu.memref_slice %arg2[%run_scoped3A, %dma_start3A_436] : memref<6x20480xf32, #tpu.memory_space<hbm>> -> memref<1x20480xf32, #tpu.memory_space<hbm>>
        %dma_start3A_438 = tpu.memref_squeeze %dma_start3A_437 : memref<1x20480xf32, #tpu.memory_space<hbm>> -> memref<20480xf32, #tpu.memory_space<hbm>>
        tpu.enqueue_dma source(%dma_start3A_438 : memref<20480xf32, #tpu.memory_space<hbm>>) target(%arg5 : memref<20480xf32, #tpu.memory_space<vmem>>) target_semaphore(%run_scoped3A_433 : memref<!tpu.dma_semaphore, #tpu.memory_space<semaphore_mem>>)
        %dma_wait3A = arith.constant 0 : i32
        %dma_wait3A_439 = tpu.memref_slice %arg2[%run_scoped3A, %dma_wait3A] : memref<6x20480xf32, #tpu.memory_space<hbm>> -> memref<1x20480xf32, #tpu.memory_space<hbm>>
        %dma_wait3A_440 = tpu.memref_squeeze %dma_wait3A_439 : memref<1x20480xf32, #tpu.memory_space<hbm>> -> memref<20480xf32, #tpu.memory_space<hbm>>
        %dma_wait3A_441 = arith.constant 0 : i32
        %dma_wait3A_442 = tpu.memref_slice %arg2[%run_scoped3A, %dma_wait3A_441] : memref<6x20480xf32, #tpu.memory_space<hbm>> -> memref<1x20480xf32, #tpu.memory_space<hbm>>
        %dma_wait3A_443 = tpu.memref_squeeze %dma_wait3A_442 : memref<1x20480xf32, #tpu.memory_space<hbm>> -> memref<20480xf32, #tpu.memory_space<hbm>>
        tpu.wait_dma2 semaphore(%run_scoped3A_433 : memref<!tpu.dma_semaphore, #tpu.memory_space<semaphore_mem>>) src(%dma_wait3A_443 : memref<20480xf32, #tpu.memory_space<hbm>>) dst(%arg5 : memref<20480xf32, #tpu.memory_space<vmem>>)
        tpu.yield
      }) : () -> ()
      %run_scoped3A_4 = arith.constant 1 : i32
      "tpu.region"() ({
        %run_scoped3A_433 = tpu.sem_alloc : memref<!tpu.dma_semaphore, #tpu.memory_space<semaphore_mem>>
        %dma_start3A = arith.constant 0 : i32
        %dma_start3A_434 = tpu.memref_slice %arg2[%run_scoped3A_4, %dma_start3A] : memref<6x20480xf32, #tpu.memory_space<hbm>> -> memref<1x20480xf32, #tpu.memory_space<hbm>>
        %dma_start3A_435 = tpu.memref_squeeze %dma_start3A_434 : memref<1x20480xf32, #tpu.memory_space<hbm>> -> memref<20480xf32, #tpu.memory_space<hbm>>
        %dma_start3A_436 = arith.constant 0 : i32
        %dma_start3A_437 = tpu.memref_slice %arg2[%run_scoped3A_4, %dma_start3A_436] : memref<6x20480xf32, #tpu.memory_space<hbm>> -> memref<1x20480xf32, #tpu.memory_space<hbm>>
        %dma_start3A_438 = tpu.memref_squeeze %dma_start3A_437 : memref<1x20480xf32, #tpu.memory_space<hbm>> -> memref<20480xf32, #tpu.memory_space<hbm>>
        tpu.enqueue_dma source(%dma_start3A_438 : memref<20480xf32, #tpu.memory_space<hbm>>) target(%arg6 : memref<20480xf32, #tpu.memory_space<vmem>>) target_semaphore(%run_scoped3A_433 : memref<!tpu.dma_semaphore, #tpu.memory_space<semaphore_mem>>)
        %dma_wait3A = arith.constant 0 : i32
        %dma_wait3A_439 = tpu.memref_slice %arg2[%run_scoped3A_4, %dma_wait3A] : memref<6x20480xf32, #tpu.memory_space<hbm>> -> memref<1x20480xf32, #tpu.memory_space<hbm>>
        %dma_wait3A_440 = tpu.memref_squeeze %dma_wait3A_439 : memref<1x20480xf32, #tpu.memory_space<hbm>> -> memref<20480xf32, #tpu.memory_space<hbm>>
        %dma_wait3A_441 = arith.constant 0 : i32
        %dma_wait3A_442 = tpu.memref_slice %arg2[%run_scoped3A_4, %dma_wait3A_441] : memref<6x20480xf32, #tpu.memory_space<hbm>> -> memref<1x20480xf32, #tpu.memory_space<hbm>>
        %dma_wait3A_443 = tpu.memref_squeeze %dma_wait3A_442 : memref<1x20480xf32, #tpu.memory_space<hbm>> -> memref<20480xf32, #tpu.memory_space<hbm>>
        tpu.wait_dma2 semaphore(%run_scoped3A_433 : memref<!tpu.dma_semaphore, #tpu.memory_space<semaphore_mem>>) src(%dma_wait3A_443 : memref<20480xf32, #tpu.memory_space<hbm>>) dst(%arg6 : memref<20480xf32, #tpu.memory_space<vmem>>)
        tpu.yield
      }) : () -> ()
      %run_scoped3A_5 = arith.constant 2 : i32
      "tpu.region"() ({
        %run_scoped3A_433 = tpu.sem_alloc : memref<!tpu.dma_semaphore, #tpu.memory_space<semaphore_mem>>
        %dma_start3A = arith.constant 0 : i32
        %dma_start3A_434 = tpu.memref_slice %arg2[%run_scoped3A_5, %dma_start3A] : memref<6x20480xf32, #tpu.memory_space<hbm>> -> memref<1x20480xf32, #tpu.memory_space<hbm>>
        %dma_start3A_435 = tpu.memref_squeeze %dma_start3A_434 : memref<1x20480xf32, #tpu.memory_space<hbm>> -> memref<20480xf32, #tpu.memory_space<hbm>>
        %dma_start3A_436 = arith.constant 0 : i32
        %dma_start3A_437 = tpu.memref_slice %arg2[%run_scoped3A_5, %dma_start3A_436] : memref<6x20480xf32, #tpu.memory_space<hbm>> -> memref<1x20480xf32, #tpu.memory_space<hbm>>
        %dma_start3A_438 = tpu.memref_squeeze %dma_start3A_437 : memref<1x20480xf32, #tpu.memory_space<hbm>> -> memref<20480xf32, #tpu.memory_space<hbm>>
        tpu.enqueue_dma source(%dma_start3A_438 : memref<20480xf32, #tpu.memory_space<hbm>>) target(%arg7 : memref<20480xf32, #tpu.memory_space<vmem>>) target_semaphore(%run_scoped3A_433 : memref<!tpu.dma_semaphore, #tpu.memory_space<semaphore_mem>>)
        %dma_wait3A = arith.constant 0 : i32
        %dma_wait3A_439 = tpu.memref_slice %arg2[%run_scoped3A_5, %dma_wait3A] : memref<6x20480xf32, #tpu.memory_space<hbm>> -> memref<1x20480xf32, #tpu.memory_space<hbm>>
        %dma_wait3A_440 = tpu.memref_squeeze %dma_wait3A_439 : memref<1x20480xf32, #tpu.memory_space<hbm>> -> memref<20480xf32, #tpu.memory_space<hbm>>
        %dma_wait3A_441 = arith.constant 0 : i32
        %dma_wait3A_442 = tpu.memref_slice %arg2[%run_scoped3A_5, %dma_wait3A_441] : memref<6x20480xf32, #tpu.memory_space<hbm>> -> memref<1x20480xf32, #tpu.memory_space<hbm>>
        %dma_wait3A_443 = tpu.memref_squeeze %dma_wait3A_442 : memref<1x20480xf32, #tpu.memory_space<hbm>> -> memref<20480xf32, #tpu.memory_space<hbm>>
        tpu.wait_dma2 semaphore(%run_scoped3A_433 : memref<!tpu.dma_semaphore, #tpu.memory_space<semaphore_mem>>) src(%dma_wait3A_443 : memref<20480xf32, #tpu.memory_space<hbm>>) dst(%arg7 : memref<20480xf32, #tpu.memory_space<vmem>>)
        tpu.yield
      }) : () -> ()
      %run_scoped3A_6 = arith.constant 3 : i32
      "tpu.region"() ({
        %run_scoped3A_433 = tpu.sem_alloc : memref<!tpu.dma_semaphore, #tpu.memory_space<semaphore_mem>>
        %dma_start3A = arith.constant 0 : i32
        %dma_start3A_434 = tpu.memref_slice %arg2[%run_scoped3A_6, %dma_start3A] : memref<6x20480xf32, #tpu.memory_space<hbm>> -> memref<1x20480xf32, #tpu.memory_space<hbm>>
        %dma_start3A_435 = tpu.memref_squeeze %dma_start3A_434 : memref<1x20480xf32, #tpu.memory_space<hbm>> -> memref<20480xf32, #tpu.memory_space<hbm>>
        %dma_start3A_436 = arith.constant 0 : i32
        %dma_start3A_437 = tpu.memref_slice %arg2[%run_scoped3A_6, %dma_start3A_436] : memref<6x20480xf32, #tpu.memory_space<hbm>> -> memref<1x20480xf32, #tpu.memory_space<hbm>>
        %dma_start3A_438 = tpu.memref_squeeze %dma_start3A_437 : memref<1x20480xf32, #tpu.memory_space<hbm>> -> memref<20480xf32, #tpu.memory_space<hbm>>
        tpu.enqueue_dma source(%dma_start3A_438 : memref<20480xf32, #tpu.memory_space<hbm>>) target(%arg8 : memref<20480xf32, #tpu.memory_space<vmem>>) target_semaphore(%run_scoped3A_433 : memref<!tpu.dma_semaphore, #tpu.memory_space<semaphore_mem>>)
        %dma_wait3A = arith.constant 0 : i32
        %dma_wait3A_439 = tpu.memref_slice %arg2[%run_scoped3A_6, %dma_wait3A] : memref<6x20480xf32, #tpu.memory_space<hbm>> -> memref<1x20480xf32, #tpu.memory_space<hbm>>
        %dma_wait3A_440 = tpu.memref_squeeze %dma_wait3A_439 : memref<1x20480xf32, #tpu.memory_space<hbm>> -> memref<20480xf32, #tpu.memory_space<hbm>>
        %dma_wait3A_441 = arith.constant 0 : i32
        %dma_wait3A_442 = tpu.memref_slice %arg2[%run_scoped3A_6, %dma_wait3A_441] : memref<6x20480xf32, #tpu.memory_space<hbm>> -> memref<1x20480xf32, #tpu.memory_space<hbm>>
        %dma_wait3A_443 = tpu.memref_squeeze %dma_wait3A_442 : memref<1x20480xf32, #tpu.memory_space<hbm>> -> memref<20480xf32, #tpu.memory_space<hbm>>
        tpu.wait_dma2 semaphore(%run_scoped3A_433 : memref<!tpu.dma_semaphore, #tpu.memory_space<semaphore_mem>>) src(%dma_wait3A_443 : memref<20480xf32, #tpu.memory_space<hbm>>) dst(%arg8 : memref<20480xf32, #tpu.memory_space<vmem>>)
        tpu.yield
      }) : () -> ()
      %run_scoped3A_7 = arith.constant 4 : i32
      "tpu.region"() ({
        %run_scoped3A_433 = tpu.sem_alloc : memref<!tpu.dma_semaphore, #tpu.memory_space<semaphore_mem>>
        %dma_start3A = arith.constant 0 : i32
        %dma_start3A_434 = tpu.memref_slice %arg2[%run_scoped3A_7, %dma_start3A] : memref<6x20480xf32, #tpu.memory_space<hbm>> -> memref<1x20480xf32, #tpu.memory_space<hbm>>
        %dma_start3A_435 = tpu.memref_squeeze %dma_start3A_434 : memref<1x20480xf32, #tpu.memory_space<hbm>> -> memref<20480xf32, #tpu.memory_space<hbm>>
        %dma_start3A_436 = arith.constant 0 : i32
        %dma_start3A_437 = tpu.memref_slice %arg2[%run_scoped3A_7, %dma_start3A_436] : memref<6x20480xf32, #tpu.memory_space<hbm>> -> memref<1x20480xf32, #tpu.memory_space<hbm>>
        %dma_start3A_438 = tpu.memref_squeeze %dma_start3A_437 : memref<1x20480xf32, #tpu.memory_space<hbm>> -> memref<20480xf32, #tpu.memory_space<hbm>>
        tpu.enqueue_dma source(%dma_start3A_438 : memref<20480xf32, #tpu.memory_space<hbm>>) target(%arg9 : memref<20480xf32, #tpu.memory_space<vmem>>) target_semaphore(%run_scoped3A_433 : memref<!tpu.dma_semaphore, #tpu.memory_space<semaphore_mem>>)
        %dma_wait3A = arith.constant 0 : i32
        %dma_wait3A_439 = tpu.memref_slice %arg2[%run_scoped3A_7, %dma_wait3A] : memref<6x20480xf32, #tpu.memory_space<hbm>> -> memref<1x20480xf32, #tpu.memory_space<hbm>>
        %dma_wait3A_440 = tpu.memref_squeeze %dma_wait3A_439 : memref<1x20480xf32, #tpu.memory_space<hbm>> -> memref<20480xf32, #tpu.memory_space<hbm>>
        %dma_wait3A_441 = arith.constant 0 : i32
        %dma_wait3A_442 = tpu.memref_slice %arg2[%run_scoped3A_7, %dma_wait3A_441] : memref<6x20480xf32, #tpu.memory_space<hbm>> -> memref<1x20480xf32, #tpu.memory_space<hbm>>
        %dma_wait3A_443 = tpu.memref_squeeze %dma_wait3A_442 : memref<1x20480xf32, #tpu.memory_space<hbm>> -> memref<20480xf32, #tpu.memory_space<hbm>>
        tpu.wait_dma2 semaphore(%run_scoped3A_433 : memref<!tpu.dma_semaphore, #tpu.memory_space<semaphore_mem>>) src(%dma_wait3A_443 : memref<20480xf32, #tpu.memory_space<hbm>>) dst(%arg9 : memref<20480xf32, #tpu.memory_space<vmem>>)
        tpu.yield
      }) : () -> ()
      %run_scoped3A_8 = arith.constant 5 : i32
      "tpu.region"() ({
        %run_scoped3A_433 = tpu.sem_alloc : memref<!tpu.dma_semaphore, #tpu.memory_space<semaphore_mem>>
        %dma_start3A = arith.constant 0 : i32
        %dma_start3A_434 = tpu.memref_slice %arg2[%run_scoped3A_8, %dma_start3A] : memref<6x20480xf32, #tpu.memory_space<hbm>> -> memref<1x20480xf32, #tpu.memory_space<hbm>>
        %dma_start3A_435 = tpu.memref_squeeze %dma_start3A_434 : memref<1x20480xf32, #tpu.memory_space<hbm>> -> memref<20480xf32, #tpu.memory_space<hbm>>
        %dma_start3A_436 = arith.constant 0 : i32
        %dma_start3A_437 = tpu.memref_slice %arg2[%run_scoped3A_8, %dma_start3A_436] : memref<6x20480xf32, #tpu.memory_space<hbm>> -> memref<1x20480xf32, #tpu.memory_space<hbm>>
        %dma_start3A_438 = tpu.memref_squeeze %dma_start3A_437 : memref<1x20480xf32, #tpu.memory_space<hbm>> -> memref<20480xf32, #tpu.memory_space<hbm>>
        tpu.enqueue_dma source(%dma_start3A_438 : memref<20480xf32, #tpu.memory_space<hbm>>) target(%arg10 : memref<20480xf32, #tpu.memory_space<vmem>>) target_semaphore(%run_scoped3A_433 : memref<!tpu.dma_semaphore, #tpu.memory_space<semaphore_mem>>)
        %dma_wait3A = arith.constant 0 : i32
        %dma_wait3A_439 = tpu.memref_slice %arg2[%run_scoped3A_8, %dma_wait3A] : memref<6x20480xf32, #tpu.memory_space<hbm>> -> memref<1x20480xf32, #tpu.memory_space<hbm>>
        %dma_wait3A_440 = tpu.memref_squeeze %dma_wait3A_439 : memref<1x20480xf32, #tpu.memory_space<hbm>> -> memref<20480xf32, #tpu.memory_space<hbm>>
        %dma_wait3A_441 = arith.constant 0 : i32
        %dma_wait3A_442 = tpu.memref_slice %arg2[%run_scoped3A_8, %dma_wait3A_441] : memref<6x20480xf32, #tpu.memory_space<hbm>> -> memref<1x20480xf32, #tpu.memory_space<hbm>>
        %dma_wait3A_443 = tpu.memref_squeeze %dma_wait3A_442 : memref<1x20480xf32, #tpu.memory_space<hbm>> -> memref<20480xf32, #tpu.memory_space<hbm>>
        tpu.wait_dma2 semaphore(%run_scoped3A_433 : memref<!tpu.dma_semaphore, #tpu.memory_space<semaphore_mem>>) src(%dma_wait3A_443 : memref<20480xf32, #tpu.memory_space<hbm>>) dst(%arg10 : memref<20480xf32, #tpu.memory_space<vmem>>)
        tpu.yield
      }) : () -> ()
      "tpu.region"() ({
        %run_scoped3A_433 = tpu.sem_alloc : memref<!tpu.dma_semaphore, #tpu.memory_space<semaphore_mem>>
        tpu.enqueue_dma source(%arg3 : memref<1280xf32, #tpu.memory_space<hbm>>) target(%arg11 : memref<1280xf32, #tpu.memory_space<vmem>>) target_semaphore(%run_scoped3A_433 : memref<!tpu.dma_semaphore, #tpu.memory_space<semaphore_mem>>)
        tpu.wait_dma2 semaphore(%run_scoped3A_433 : memref<!tpu.dma_semaphore, #tpu.memory_space<semaphore_mem>>) src(%arg3 : memref<1280xf32, #tpu.memory_space<hbm>>) dst(%arg11 : memref<1280xf32, #tpu.memory_space<vmem>>)
        tpu.yield
      }) : () -> ()
      %iota3A = tpu.iota {dimensions = array<i32: 0>} : vector<16xi32>
      %scan3A = arith.constant 0 : i32
      %scan3A_9 = arith.constant 0 : i32
      %scan3A_10 = arith.constant 5 : i32
      %scan3A_11 = arith.addi %scan3A_9, %scan3A_10 : i32
      %scan3A_12 = arith.constant 1 : i32
      scf.for %scan3A_433 = %scan3A_9 to %scan3A_11 step %scan3A_12  : i32 {
        %broadcast_in_dim3A_434 = arith.constant -2.000000e+00 : f32
        %broadcast_in_dim3A_435 = vector.broadcast %broadcast_in_dim3A_434 : f32 to vector<16xf32>
        %mul3A = arith.constant 256 : i32
        %mul3A_436 = arith.muli %scan3A_433, %mul3A : i32
        %add3A_437 = arith.constant 0 : i32
        %add3A_438 = arith.addi %mul3A_436, %add3A_437 : i32
        %get3A_439 = arith.index_cast %add3A_438 : i32 to index
        %get3A_440 = tpu.vector_load %arg11[%get3A_439] {strides = array<i32>} : memref<1280xf32, #tpu.memory_space<vmem>>, vector<16xf32>,
        %reduce_max3A = arith.constant true
        %reduce_max3A_441 = vector.broadcast %reduce_max3A : i1 to vector<16xi1>
        %reduce_max3A_442 = tpu.scan <max>, %get3A_440 masked %reduce_max3A_441 : vector<16xf32>, vector<16xi1> -> vector<16xf32>
        %reduce_max3A_443 = vector.extract %reduce_max3A_442[15] : f32 from vector<16xf32>
        %eq3A_444 = arith.constant 0 : i32
        %eq3A_445 = vector.broadcast %eq3A_444 : i32 to vector<16xi32>
        %eq3A_446 = arith.cmpi eq, %iota3A, %eq3A_445 : vector<16xi32>
        %broadcast_in_dim3A_447 = vector.broadcast %reduce_max3A_443 : f32 to vector<16xf32>
        %select_n3A_448 = arith.select %eq3A_446, %broadcast_in_dim3A_447, %broadcast_in_dim3A_435 : vector<16xi1>, vector<16xf32>
        %mul3A_449 = arith.constant 256 : i32
        %mul3A_450 = arith.muli %scan3A_433, %mul3A_449 : i32
        %add3A_451 = arith.constant 16 : i32
        %add3A_452 = arith.addi %mul3A_450, %add3A_451 : i32
        %get3A_453 = arith.index_cast %add3A_452 : i32 to index
        %get3A_454 = tpu.vector_load %arg11[%get3A_453] {strides = array<i32>} : memref<1280xf32, #tpu.memory_space<vmem>>, vector<16xf32>,
        %reduce_max3A_455 = arith.constant true
        %reduce_max3A_456 = vector.broadcast %reduce_max3A_455 : i1 to vector<16xi1>
        %reduce_max3A_457 = tpu.scan <max>, %get3A_454 masked %reduce_max3A_456 : vector<16xf32>, vector<16xi1> -> vector<16xf32>
        %reduce_max3A_458 = vector.extract %reduce_max3A_457[15] : f32 from vector<16xf32>
        %eq3A_459 = arith.constant 1 : i32
        %eq3A_460 = vector.broadcast %eq3A_459 : i32 to vector<16xi32>
        %eq3A_461 = arith.cmpi eq, %iota3A, %eq3A_460 : vector<16xi32>
        %broadcast_in_dim3A_462 = vector.broadcast %reduce_max3A_458 : f32 to vector<16xf32>
        %select_n3A_463 = arith.select %eq3A_461, %broadcast_in_dim3A_462, %select_n3A_448 : vector<16xi1>, vector<16xf32>
        %mul3A_464 = arith.constant 256 : i32
        %mul3A_465 = arith.muli %scan3A_433, %mul3A_464 : i32
        %add3A_466 = arith.constant 32 : i32
        %add3A_467 = arith.addi %mul3A_465, %add3A_466 : i32
        %get3A_468 = arith.index_cast %add3A_467 : i32 to index
        %get3A_469 = tpu.vector_load %arg11[%get3A_468] {strides = array<i32>} : memref<1280xf32, #tpu.memory_space<vmem>>, vector<16xf32>,
        %reduce_max3A_470 = arith.constant true
        %reduce_max3A_471 = vector.broadcast %reduce_max3A_470 : i1 to vector<16xi1>
        %reduce_max3A_472 = tpu.scan <max>, %get3A_469 masked %reduce_max3A_471 : vector<16xf32>, vector<16xi1> -> vector<16xf32>
        %reduce_max3A_473 = vector.extract %reduce_max3A_472[15] : f32 from vector<16xf32>
        %eq3A_474 = arith.constant 2 : i32
        %eq3A_475 = vector.broadcast %eq3A_474 : i32 to vector<16xi32>
        %eq3A_476 = arith.cmpi eq, %iota3A, %eq3A_475 : vector<16xi32>
        %broadcast_in_dim3A_477 = vector.broadcast %reduce_max3A_473 : f32 to vector<16xf32>
        %select_n3A_478 = arith.select %eq3A_476, %broadcast_in_dim3A_477, %select_n3A_463 : vector<16xi1>, vector<16xf32>
        %mul3A_479 = arith.constant 256 : i32
        %mul3A_480 = arith.muli %scan3A_433, %mul3A_479 : i32
        %add3A_481 = arith.constant 48 : i32
        %add3A_482 = arith.addi %mul3A_480, %add3A_481 : i32
        %get3A_483 = arith.index_cast %add3A_482 : i32 to index
        %get3A_484 = tpu.vector_load %arg11[%get3A_483] {strides = array<i32>} : memref<1280xf32, #tpu.memory_space<vmem>>, vector<16xf32>,
        %reduce_max3A_485 = arith.constant true
        %reduce_max3A_486 = vector.broadcast %reduce_max3A_485 : i1 to vector<16xi1>
        %reduce_max3A_487 = tpu.scan <max>, %get3A_484 masked %reduce_max3A_486 : vector<16xf32>, vector<16xi1> -> vector<16xf32>
        %reduce_max3A_488 = vector.extract %reduce_max3A_487[15] : f32 from vector<16xf32>
        %eq3A_489 = arith.constant 3 : i32
        %eq3A_490 = vector.broadcast %eq3A_489 : i32 to vector<16xi32>
        %eq3A_491 = arith.cmpi eq, %iota3A, %eq3A_490 : vector<16xi32>
        %broadcast_in_dim3A_492 = vector.broadcast %reduce_max3A_488 : f32 to vector<16xf32>
        %select_n3A_493 = arith.select %eq3A_491, %broadcast_in_dim3A_492, %select_n3A_478 : vector<16xi1>, vector<16xf32>
        %mul3A_494 = arith.constant 256 : i32
        %mul3A_495 = arith.muli %scan3A_433, %mul3A_494 : i32
        %add3A_496 = arith.constant 64 : i32
        %add3A_497 = arith.addi %mul3A_495, %add3A_496 : i32
        %get3A_498 = arith.index_cast %add3A_497 : i32 to index
        %get3A_499 = tpu.vector_load %arg11[%get3A_498] {strides = array<i32>} : memref<1280xf32, #tpu.memory_space<vmem>>, vector<16xf32>,
        %reduce_max3A_500 = arith.constant true
        %reduce_max3A_501 = vector.broadcast %reduce_max3A_500 : i1 to vector<16xi1>
        %reduce_max3A_502 = tpu.scan <max>, %get3A_499 masked %reduce_max3A_501 : vector<16xf32>, vector<16xi1> -> vector<16xf32>
        %reduce_max3A_503 = vector.extract %reduce_max3A_502[15] : f32 from vector<16xf32>
        %eq3A_504 = arith.constant 4 : i32
        %eq3A_505 = vector.broadcast %eq3A_504 : i32 to vector<16xi32>
        %eq3A_506 = arith.cmpi eq, %iota3A, %eq3A_505 : vector<16xi32>
        %broadcast_in_dim3A_507 = vector.broadcast %reduce_max3A_503 : f32 to vector<16xf32>
        %select_n3A_508 = arith.select %eq3A_506, %broadcast_in_dim3A_507, %select_n3A_493 : vector<16xi1>, vector<16xf32>
        %mul3A_509 = arith.constant 256 : i32
        %mul3A_510 = arith.muli %scan3A_433, %mul3A_509 : i32
        %add3A_511 = arith.constant 80 : i32
        %add3A_512 = arith.addi %mul3A_510, %add3A_511 : i32
        %get3A_513 = arith.index_cast %add3A_512 : i32 to index
        %get3A_514 = tpu.vector_load %arg11[%get3A_513] {strides = array<i32>} : memref<1280xf32, #tpu.memory_space<vmem>>, vector<16xf32>,
        %reduce_max3A_515 = arith.constant true
        %reduce_max3A_516 = vector.broadcast %reduce_max3A_515 : i1 to vector<16xi1>
        %reduce_max3A_517 = tpu.scan <max>, %get3A_514 masked %reduce_max3A_516 : vector<16xf32>, vector<16xi1> -> vector<16xf32>
        %reduce_max3A_518 = vector.extract %reduce_max3A_517[15] : f32 from vector<16xf32>
        %eq3A_519 = arith.constant 5 : i32
        %eq3A_520 = vector.broadcast %eq3A_519 : i32 to vector<16xi32>
        %eq3A_521 = arith.cmpi eq, %iota3A, %eq3A_520 : vector<16xi32>
        %broadcast_in_dim3A_522 = vector.broadcast %reduce_max3A_518 : f32 to vector<16xf32>
        %select_n3A_523 = arith.select %eq3A_521, %broadcast_in_dim3A_522, %select_n3A_508 : vector<16xi1>, vector<16xf32>
        %mul3A_524 = arith.constant 256 : i32
        %mul3A_525 = arith.muli %scan3A_433, %mul3A_524 : i32
        %add3A_526 = arith.constant 96 : i32
        %add3A_527 = arith.addi %mul3A_525, %add3A_526 : i32
        %get3A_528 = arith.index_cast %add3A_527 : i32 to index
        %get3A_529 = tpu.vector_load %arg11[%get3A_528] {strides = array<i32>} : memref<1280xf32, #tpu.memory_space<vmem>>, vector<16xf32>,
        %reduce_max3A_530 = arith.constant true
        %reduce_max3A_531 = vector.broadcast %reduce_max3A_530 : i1 to vector<16xi1>
        %reduce_max3A_532 = tpu.scan <max>, %get3A_529 masked %reduce_max3A_531 : vector<16xf32>, vector<16xi1> -> vector<16xf32>
        %reduce_max3A_533 = vector.extract %reduce_max3A_532[15] : f32 from vector<16xf32>
        %eq3A_534 = arith.constant 6 : i32
        %eq3A_535 = vector.broadcast %eq3A_534 : i32 to vector<16xi32>
        %eq3A_536 = arith.cmpi eq, %iota3A, %eq3A_535 : vector<16xi32>
        %broadcast_in_dim3A_537 = vector.broadcast %reduce_max3A_533 : f32 to vector<16xf32>
        %select_n3A_538 = arith.select %eq3A_536, %broadcast_in_dim3A_537, %select_n3A_523 : vector<16xi1>, vector<16xf32>
        %mul3A_539 = arith.constant 256 : i32
        %mul3A_540 = arith.muli %scan3A_433, %mul3A_539 : i32
        %add3A_541 = arith.constant 112 : i32
        %add3A_542 = arith.addi %mul3A_540, %add3A_541 : i32
        %get3A_543 = arith.index_cast %add3A_542 : i32 to index
        %get3A_544 = tpu.vector_load %arg11[%get3A_543] {strides = array<i32>} : memref<1280xf32, #tpu.memory_space<vmem>>, vector<16xf32>,
        %reduce_max3A_545 = arith.constant true
        %reduce_max3A_546 = vector.broadcast %reduce_max3A_545 : i1 to vector<16xi1>
        %reduce_max3A_547 = tpu.scan <max>, %get3A_544 masked %reduce_max3A_546 : vector<16xf32>, vector<16xi1> -> vector<16xf32>
        %reduce_max3A_548 = vector.extract %reduce_max3A_547[15] : f32 from vector<16xf32>
        %eq3A_549 = arith.constant 7 : i32
        %eq3A_550 = vector.broadcast %eq3A_549 : i32 to vector<16xi32>
        %eq3A_551 = arith.cmpi eq, %iota3A, %eq3A_550 : vector<16xi32>
        %broadcast_in_dim3A_552 = vector.broadcast %reduce_max3A_548 : f32 to vector<16xf32>
        %select_n3A_553 = arith.select %eq3A_551, %broadcast_in_dim3A_552, %select_n3A_538 : vector<16xi1>, vector<16xf32>
        %mul3A_554 = arith.constant 256 : i32
        %mul3A_555 = arith.muli %scan3A_433, %mul3A_554 : i32
        %add3A_556 = arith.constant 128 : i32
        %add3A_557 = arith.addi %mul3A_555, %add3A_556 : i32
        %get3A_558 = arith.index_cast %add3A_557 : i32 to index
        %get3A_559 = tpu.vector_load %arg11[%get3A_558] {strides = array<i32>} : memref<1280xf32, #tpu.memory_space<vmem>>, vector<16xf32>,
        %reduce_max3A_560 = arith.constant true
        %reduce_max3A_561 = vector.broadcast %reduce_max3A_560 : i1 to vector<16xi1>
        %reduce_max3A_562 = tpu.scan <max>, %get3A_559 masked %reduce_max3A_561 : vector<16xf32>, vector<16xi1> -> vector<16xf32>
        %reduce_max3A_563 = vector.extract %reduce_max3A_562[15] : f32 from vector<16xf32>
        %eq3A_564 = arith.constant 8 : i32
        %eq3A_565 = vector.broadcast %eq3A_564 : i32 to vector<16xi32>
        %eq3A_566 = arith.cmpi eq, %iota3A, %eq3A_565 : vector<16xi32>
        %broadcast_in_dim3A_567 = vector.broadcast %reduce_max3A_563 : f32 to vector<16xf32>
        %select_n3A_568 = arith.select %eq3A_566, %broadcast_in_dim3A_567, %select_n3A_553 : vector<16xi1>, vector<16xf32>
        %mul3A_569 = arith.constant 256 : i32
        %mul3A_570 = arith.muli %scan3A_433, %mul3A_569 : i32
        %add3A_571 = arith.constant 144 : i32
        %add3A_572 = arith.addi %mul3A_570, %add3A_571 : i32
        %get3A_573 = arith.index_cast %add3A_572 : i32 to index
        %get3A_574 = tpu.vector_load %arg11[%get3A_573] {strides = array<i32>} : memref<1280xf32, #tpu.memory_space<vmem>>, vector<16xf32>,
        %reduce_max3A_575 = arith.constant true
        %reduce_max3A_576 = vector.broadcast %reduce_max3A_575 : i1 to vector<16xi1>
        %reduce_max3A_577 = tpu.scan <max>, %get3A_574 masked %reduce_max3A_576 : vector<16xf32>, vector<16xi1> -> vector<16xf32>
        %reduce_max3A_578 = vector.extract %reduce_max3A_577[15] : f32 from vector<16xf32>
        %eq3A_579 = arith.constant 9 : i32
        %eq3A_580 = vector.broadcast %eq3A_579 : i32 to vector<16xi32>
        %eq3A_581 = arith.cmpi eq, %iota3A, %eq3A_580 : vector<16xi32>
        %broadcast_in_dim3A_582 = vector.broadcast %reduce_max3A_578 : f32 to vector<16xf32>
        %select_n3A_583 = arith.select %eq3A_581, %broadcast_in_dim3A_582, %select_n3A_568 : vector<16xi1>, vector<16xf32>
        %mul3A_584 = arith.constant 256 : i32
        %mul3A_585 = arith.muli %scan3A_433, %mul3A_584 : i32
        %add3A_586 = arith.constant 160 : i32
        %add3A_587 = arith.addi %mul3A_585, %add3A_586 : i32
        %get3A_588 = arith.index_cast %add3A_587 : i32 to index
        %get3A_589 = tpu.vector_load %arg11[%get3A_588] {strides = array<i32>} : memref<1280xf32, #tpu.memory_space<vmem>>, vector<16xf32>,
        %reduce_max3A_590 = arith.constant true
        %reduce_max3A_591 = vector.broadcast %reduce_max3A_590 : i1 to vector<16xi1>
        %reduce_max3A_592 = tpu.scan <max>, %get3A_589 masked %reduce_max3A_591 : vector<16xf32>, vector<16xi1> -> vector<16xf32>
        %reduce_max3A_593 = vector.extract %reduce_max3A_592[15] : f32 from vector<16xf32>
        %eq3A_594 = arith.constant 10 : i32
        %eq3A_595 = vector.broadcast %eq3A_594 : i32 to vector<16xi32>
        %eq3A_596 = arith.cmpi eq, %iota3A, %eq3A_595 : vector<16xi32>
        %broadcast_in_dim3A_597 = vector.broadcast %reduce_max3A_593 : f32 to vector<16xf32>
        %select_n3A_598 = arith.select %eq3A_596, %broadcast_in_dim3A_597, %select_n3A_583 : vector<16xi1>, vector<16xf32>
        %mul3A_599 = arith.constant 256 : i32
        %mul3A_600 = arith.muli %scan3A_433, %mul3A_599 : i32
        %add3A_601 = arith.constant 176 : i32
        %add3A_602 = arith.addi %mul3A_600, %add3A_601 : i32
        %get3A_603 = arith.index_cast %add3A_602 : i32 to index
        %get3A_604 = tpu.vector_load %arg11[%get3A_603] {strides = array<i32>} : memref<1280xf32, #tpu.memory_space<vmem>>, vector<16xf32>,
        %reduce_max3A_605 = arith.constant true
        %reduce_max3A_606 = vector.broadcast %reduce_max3A_605 : i1 to vector<16xi1>
        %reduce_max3A_607 = tpu.scan <max>, %get3A_604 masked %reduce_max3A_606 : vector<16xf32>, vector<16xi1> -> vector<16xf32>
        %reduce_max3A_608 = vector.extract %reduce_max3A_607[15] : f32 from vector<16xf32>
        %eq3A_609 = arith.constant 11 : i32
        %eq3A_610 = vector.broadcast %eq3A_609 : i32 to vector<16xi32>
        %eq3A_611 = arith.cmpi eq, %iota3A, %eq3A_610 : vector<16xi32>
        %broadcast_in_dim3A_612 = vector.broadcast %reduce_max3A_608 : f32 to vector<16xf32>
        %select_n3A_613 = arith.select %eq3A_611, %broadcast_in_dim3A_612, %select_n3A_598 : vector<16xi1>, vector<16xf32>
        %mul3A_614 = arith.constant 256 : i32
        %mul3A_615 = arith.muli %scan3A_433, %mul3A_614 : i32
        %add3A_616 = arith.constant 192 : i32
        %add3A_617 = arith.addi %mul3A_615, %add3A_616 : i32
        %get3A_618 = arith.index_cast %add3A_617 : i32 to index
        %get3A_619 = tpu.vector_load %arg11[%get3A_618] {strides = array<i32>} : memref<1280xf32, #tpu.memory_space<vmem>>, vector<16xf32>,
        %reduce_max3A_620 = arith.constant true
        %reduce_max3A_621 = vector.broadcast %reduce_max3A_620 : i1 to vector<16xi1>
        %reduce_max3A_622 = tpu.scan <max>, %get3A_619 masked %reduce_max3A_621 : vector<16xf32>, vector<16xi1> -> vector<16xf32>
        %reduce_max3A_623 = vector.extract %reduce_max3A_622[15] : f32 from vector<16xf32>
        %eq3A_624 = arith.constant 12 : i32
        %eq3A_625 = vector.broadcast %eq3A_624 : i32 to vector<16xi32>
        %eq3A_626 = arith.cmpi eq, %iota3A, %eq3A_625 : vector<16xi32>
        %broadcast_in_dim3A_627 = vector.broadcast %reduce_max3A_623 : f32 to vector<16xf32>
        %select_n3A_628 = arith.select %eq3A_626, %broadcast_in_dim3A_627, %select_n3A_613 : vector<16xi1>, vector<16xf32>
        %mul3A_629 = arith.constant 256 : i32
        %mul3A_630 = arith.muli %scan3A_433, %mul3A_629 : i32
        %add3A_631 = arith.constant 208 : i32
        %add3A_632 = arith.addi %mul3A_630, %add3A_631 : i32
        %get3A_633 = arith.index_cast %add3A_632 : i32 to index
        %get3A_634 = tpu.vector_load %arg11[%get3A_633] {strides = array<i32>} : memref<1280xf32, #tpu.memory_space<vmem>>, vector<16xf32>,
        %reduce_max3A_635 = arith.constant true
        %reduce_max3A_636 = vector.broadcast %reduce_max3A_635 : i1 to vector<16xi1>
        %reduce_max3A_637 = tpu.scan <max>, %get3A_634 masked %reduce_max3A_636 : vector<16xf32>, vector<16xi1> -> vector<16xf32>
        %reduce_max3A_638 = vector.extract %reduce_max3A_637[15] : f32 from vector<16xf32>
        %eq3A_639 = arith.constant 13 : i32
        %eq3A_640 = vector.broadcast %eq3A_639 : i32 to vector<16xi32>
        %eq3A_641 = arith.cmpi eq, %iota3A, %eq3A_640 : vector<16xi32>
        %broadcast_in_dim3A_642 = vector.broadcast %reduce_max3A_638 : f32 to vector<16xf32>
        %select_n3A_643 = arith.select %eq3A_641, %broadcast_in_dim3A_642, %select_n3A_628 : vector<16xi1>, vector<16xf32>
        %mul3A_644 = arith.constant 256 : i32
        %mul3A_645 = arith.muli %scan3A_433, %mul3A_644 : i32
        %add3A_646 = arith.constant 224 : i32
        %add3A_647 = arith.addi %mul3A_645, %add3A_646 : i32
        %get3A_648 = arith.index_cast %add3A_647 : i32 to index
        %get3A_649 = tpu.vector_load %arg11[%get3A_648] {strides = array<i32>} : memref<1280xf32, #tpu.memory_space<vmem>>, vector<16xf32>,
        %reduce_max3A_650 = arith.constant true
        %reduce_max3A_651 = vector.broadcast %reduce_max3A_650 : i1 to vector<16xi1>
        %reduce_max3A_652 = tpu.scan <max>, %get3A_649 masked %reduce_max3A_651 : vector<16xf32>, vector<16xi1> -> vector<16xf32>
        %reduce_max3A_653 = vector.extract %reduce_max3A_652[15] : f32 from vector<16xf32>
        %eq3A_654 = arith.constant 14 : i32
        %eq3A_655 = vector.broadcast %eq3A_654 : i32 to vector<16xi32>
        %eq3A_656 = arith.cmpi eq, %iota3A, %eq3A_655 : vector<16xi32>
        %broadcast_in_dim3A_657 = vector.broadcast %reduce_max3A_653 : f32 to vector<16xf32>
        %select_n3A_658 = arith.select %eq3A_656, %broadcast_in_dim3A_657, %select_n3A_643 : vector<16xi1>, vector<16xf32>
        %mul3A_659 = arith.constant 256 : i32
        %mul3A_660 = arith.muli %scan3A_433, %mul3A_659 : i32
        %add3A_661 = arith.constant 240 : i32
        %add3A_662 = arith.addi %mul3A_660, %add3A_661 : i32
        %get3A_663 = arith.index_cast %add3A_662 : i32 to index
        %get3A_664 = tpu.vector_load %arg11[%get3A_663] {strides = array<i32>} : memref<1280xf32, #tpu.memory_space<vmem>>, vector<16xf32>,
        %reduce_max3A_665 = arith.constant true
        %reduce_max3A_666 = vector.broadcast %reduce_max3A_665 : i1 to vector<16xi1>
        %reduce_max3A_667 = tpu.scan <max>, %get3A_664 masked %reduce_max3A_666 : vector<16xf32>, vector<16xi1> -> vector<16xf32>
        %reduce_max3A_668 = vector.extract %reduce_max3A_667[15] : f32 from vector<16xf32>
        %eq3A_669 = arith.constant 15 : i32
        %eq3A_670 = vector.broadcast %eq3A_669 : i32 to vector<16xi32>
        %eq3A_671 = arith.cmpi eq, %iota3A, %eq3A_670 : vector<16xi32>
        %broadcast_in_dim3A_672 = vector.broadcast %reduce_max3A_668 : f32 to vector<16xf32>
        %select_n3A_673 = arith.select %eq3A_671, %broadcast_in_dim3A_672, %select_n3A_658 : vector<16xi1>, vector<16xf32>
        %mul3A_674 = arith.constant 16 : i32
        %mul3A_675 = arith.muli %scan3A_433, %mul3A_674 : i32
        %swap3A_676 = arith.index_cast %mul3A_675 : i32 to index
        %swap3A_677 = tpu.vector_load %arg12[%swap3A_676] {strides = array<i32>} : memref<80xf32, #tpu.memory_space<vmem>>, vector<16xf32>,
        tpu.vector_store %arg12[%swap3A_676], %select_n3A_673 {strides = array<i32>} : memref<80xf32, #tpu.memory_space<vmem>>, vector<16xf32>,
      }
      %scan3A_13 = arith.constant 5 : i32
      %while3A = arith.constant 1073741824 : i32
      %while3A_14 = arith.constant false
      %while3A_15 = arith.constant 0 : i32
      %while3A_16 = arith.constant 0 : i32
      %while3A_17:3 = scf.while (%while3A_433 = %while3A_14, %while3A_434 = %while3A_15, %while3A_435 = %while3A_16) : (i1, i32, i32) -> (i1, i32, i32) {
        %not3A = arith.constant true
        %not3A_436 = arith.xori %while3A_433, %not3A : i1
        scf.condition(%not3A_436) %while3A_433, %while3A_434, %while3A_435 : i1, i32, i32
      } do {
      ^bb0(%while3A_433: i1, %while3A_434: i32, %while3A_435: i32):
        %get3A_436 = arith.constant 0 : index
        %get3A_437 = tpu.vector_load %arg12[%get3A_436] {strides = array<i32>} : memref<80xf32, #tpu.memory_space<vmem>>, vector<16xf32>,
        %get3A_438 = arith.constant 16 : index
        %get3A_439 = tpu.vector_load %arg12[%get3A_438] {strides = array<i32>} : memref<80xf32, #tpu.memory_space<vmem>>, vector<16xf32>,
        %get3A_440 = arith.constant 32 : index
        %get3A_441 = tpu.vector_load %arg12[%get3A_440] {strides = array<i32>} : memref<80xf32, #tpu.memory_space<vmem>>, vector<16xf32>,
        %get3A_442 = arith.constant 48 : index
        %get3A_443 = tpu.vector_load %arg12[%get3A_442] {strides = array<i32>} : memref<80xf32, #tpu.memory_space<vmem>>, vector<16xf32>,
        %get3A_444 = arith.constant 64 : index
        %get3A_445 = tpu.vector_load %arg12[%get3A_444] {strides = array<i32>} : memref<80xf32, #tpu.memory_space<vmem>>, vector<16xf32>,
        %max3A = arith.maximumf %get3A_437, %get3A_439 : vector<16xf32>
        %max3A_446 = arith.maximumf %get3A_441, %get3A_443 : vector<16xf32>
        %max3A_447 = arith.maximumf %max3A, %max3A_446 : vector<16xf32>
        %max3A_448 = arith.maximumf %max3A_447, %get3A_445 : vector<16xf32>
        %reduce_max3A = arith.constant true
        %reduce_max3A_449 = vector.broadcast %reduce_max3A : i1 to vector<16xi1>
        %reduce_max3A_450 = tpu.scan <max>, %max3A_448 masked %reduce_max3A_449 : vector<16xf32>, vector<16xi1> -> vector<16xf32>
        %reduce_max3A_451 = vector.extract %reduce_max3A_450[15] : f32 from vector<16xf32>
        %eq3A_452 = vector.broadcast %reduce_max3A_451 : f32 to vector<16xf32>
        %eq3A_453 = arith.cmpf oeq, %get3A_437, %eq3A_452 : vector<16xf32>
        %broadcast_in_dim3A_454 = vector.broadcast %while3A : i32 to vector<16xi32>
        %select_n3A_455 = arith.select %eq3A_453, %iota3A, %broadcast_in_dim3A_454 : vector<16xi1>, vector<16xi32>
        %eq3A_456 = vector.broadcast %reduce_max3A_451 : f32 to vector<16xf32>
        %eq3A_457 = arith.cmpf oeq, %get3A_439, %eq3A_456 : vector<16xf32>
        %add3A_458 = arith.constant 16 : i32
        %add3A_459 = vector.broadcast %add3A_458 : i32 to vector<16xi32>
        %add3A_460 = arith.addi %add3A_459, %iota3A : vector<16xi32>
        %broadcast_in_dim3A_461 = vector.broadcast %while3A : i32 to vector<16xi32>
        %select_n3A_462 = arith.select %eq3A_457, %add3A_460, %broadcast_in_dim3A_461 : vector<16xi1>, vector<16xi32>
        %eq3A_463 = vector.broadcast %reduce_max3A_451 : f32 to vector<16xf32>
        %eq3A_464 = arith.cmpf oeq, %get3A_441, %eq3A_463 : vector<16xf32>
        %add3A_465 = arith.constant 32 : i32
        %add3A_466 = vector.broadcast %add3A_465 : i32 to vector<16xi32>
        %add3A_467 = arith.addi %add3A_466, %iota3A : vector<16xi32>
        %broadcast_in_dim3A_468 = vector.broadcast %while3A : i32 to vector<16xi32>
        %select_n3A_469 = arith.select %eq3A_464, %add3A_467, %broadcast_in_dim3A_468 : vector<16xi1>, vector<16xi32>
        %eq3A_470 = vector.broadcast %reduce_max3A_451 : f32 to vector<16xf32>
        %eq3A_471 = arith.cmpf oeq, %get3A_443, %eq3A_470 : vector<16xf32>
        %add3A_472 = arith.constant 48 : i32
        %add3A_473 = vector.broadcast %add3A_472 : i32 to vector<16xi32>
        %add3A_474 = arith.addi %add3A_473, %iota3A : vector<16xi32>
        %broadcast_in_dim3A_475 = vector.broadcast %while3A : i32 to vector<16xi32>
        %select_n3A_476 = arith.select %eq3A_471, %add3A_474, %broadcast_in_dim3A_475 : vector<16xi1>, vector<16xi32>
        %eq3A_477 = vector.broadcast %reduce_max3A_451 : f32 to vector<16xf32>
        %eq3A_478 = arith.cmpf oeq, %get3A_445, %eq3A_477 : vector<16xf32>
        %add3A_479 = arith.constant 64 : i32
        %add3A_480 = vector.broadcast %add3A_479 : i32 to vector<16xi32>
        %add3A_481 = arith.addi %add3A_480, %iota3A : vector<16xi32>
        %broadcast_in_dim3A_482 = vector.broadcast %while3A : i32 to vector<16xi32>
        %select_n3A_483 = arith.select %eq3A_478, %add3A_481, %broadcast_in_dim3A_482 : vector<16xi1>, vector<16xi32>
        %min3A = arith.minsi %select_n3A_455, %select_n3A_462 : vector<16xi32>
        %min3A_484 = arith.minsi %select_n3A_469, %select_n3A_476 : vector<16xi32>
        %min3A_485 = arith.minsi %min3A, %min3A_484 : vector<16xi32>
        %min3A_486 = arith.minsi %min3A_485, %select_n3A_483 : vector<16xi32>
        %reduce_min3A = arith.constant true
        %reduce_min3A_487 = vector.broadcast %reduce_min3A : i1 to vector<16xi1>
        %reduce_min3A_488 = arith.constant -2147483648 : i32
        %reduce_min3A_489 = vector.broadcast %reduce_min3A_488 : i32 to vector<16xi32>
        %reduce_min3A_490 = arith.xori %min3A_486, %reduce_min3A_489 : vector<16xi32>
        %reduce_min3A_491 = tpu.scan <min>, %reduce_min3A_490 masked %reduce_min3A_487 : vector<16xi32>, vector<16xi1> -> vector<16xi32>
        %reduce_min3A_492 = arith.xori %reduce_min3A_491, %reduce_min3A_489 : vector<16xi32>
        %reduce_min3A_493 = vector.extract %reduce_min3A_492[15] : i32 from vector<16xi32>
        %mul3A = arith.constant 16 : i32
        %mul3A_494 = arith.muli %reduce_min3A_493, %mul3A : i32
        %get3A_495 = arith.index_cast %mul3A_494 : i32 to index
        %get3A_496 = tpu.vector_load %arg11[%get3A_495] {strides = array<i32>} : memref<1280xf32, #tpu.memory_space<vmem>>, vector<16xf32>,
        %eq3A_497 = vector.broadcast %reduce_max3A_451 : f32 to vector<16xf32>
        %eq3A_498 = arith.cmpf oeq, %get3A_496, %eq3A_497 : vector<16xf32>
        %mul3A_499 = arith.constant 16 : i32
        %mul3A_500 = arith.muli %reduce_min3A_493, %mul3A_499 : i32
        %add3A_501 = vector.broadcast %mul3A_500 : i32 to vector<16xi32>
        %add3A_502 = arith.addi %add3A_501, %iota3A : vector<16xi32>
        %broadcast_in_dim3A_503 = vector.broadcast %while3A : i32 to vector<16xi32>
        %select_n3A_504 = arith.select %eq3A_498, %add3A_502, %broadcast_in_dim3A_503 : vector<16xi1>, vector<16xi32>
        %reduce_min3A_505 = arith.constant true
        %reduce_min3A_506 = vector.broadcast %reduce_min3A_505 : i1 to vector<16xi1>
        %reduce_min3A_507 = arith.constant -2147483648 : i32
        %reduce_min3A_508 = vector.broadcast %reduce_min3A_507 : i32 to vector<16xi32>
        %reduce_min3A_509 = arith.xori %select_n3A_504, %reduce_min3A_508 : vector<16xi32>
        %reduce_min3A_510 = tpu.scan <min>, %reduce_min3A_509 masked %reduce_min3A_506 : vector<16xi32>, vector<16xi1> -> vector<16xi32>
        %reduce_min3A_511 = arith.xori %reduce_min3A_510, %reduce_min3A_508 : vector<16xi32>
        %reduce_min3A_512 = vector.extract %reduce_min3A_511[15] : i32 from vector<16xi32>
        %mul3A_513 = arith.constant 16 : i32
        %mul3A_514 = arith.muli %reduce_min3A_512, %mul3A_513 : i32
        %get3A_515 = arith.index_cast %mul3A_514 : i32 to index
        %get3A_516 = tpu.vector_load %arg10[%get3A_515] {strides = array<i32>} : memref<20480xf32, #tpu.memory_space<vmem>>, vector<16xf32>,
        %eq3A_517 = vector.broadcast %reduce_max3A_451 : f32 to vector<16xf32>
        %eq3A_518 = arith.cmpf oeq, %get3A_516, %eq3A_517 : vector<16xf32>
        %broadcast_in_dim3A_519 = vector.broadcast %while3A : i32 to vector<16xi32>
        %select_n3A_520 = arith.select %eq3A_518, %iota3A, %broadcast_in_dim3A_519 : vector<16xi1>, vector<16xi32>
        %reduce_min3A_521 = arith.constant true
        %reduce_min3A_522 = vector.broadcast %reduce_min3A_521 : i1 to vector<16xi1>
        %reduce_min3A_523 = arith.constant -2147483648 : i32
        %reduce_min3A_524 = vector.broadcast %reduce_min3A_523 : i32 to vector<16xi32>
        %reduce_min3A_525 = arith.xori %select_n3A_520, %reduce_min3A_524 : vector<16xi32>
        %reduce_min3A_526 = tpu.scan <min>, %reduce_min3A_525 masked %reduce_min3A_522 : vector<16xi32>, vector<16xi1> -> vector<16xi32>
        %reduce_min3A_527 = arith.xori %reduce_min3A_526, %reduce_min3A_524 : vector<16xi32>
        %reduce_min3A_528 = vector.extract %reduce_min3A_527[15] : i32 from vector<16xi32>
        %eq3A_529 = vector.broadcast %reduce_min3A_528 : i32 to vector<16xi32>
        %eq3A_530 = arith.cmpi eq, %iota3A, %eq3A_529 : vector<16xi32>
        %ge3A = arith.constant 1.000000e-01 : f32
        %ge3A_531 = arith.cmpf oge, %reduce_max3A_451, %ge3A : f32
        %broadcast_in_dim3A_532 = arith.constant 0 : i32
        %broadcast_in_dim3A_533 = vector.broadcast %broadcast_in_dim3A_532 : i32 to vector<16xi32>
        %mul3A_534 = arith.constant 16 : i32
        %mul3A_535 = arith.muli %reduce_min3A_512, %mul3A_534 : i32
        %add3A_536 = arith.addi %mul3A_535, %reduce_min3A_528 : i32
        %add3A_537 = vector.broadcast %add3A_536 : i32 to vector<16xi32>
        %add3A_538 = arith.addi %broadcast_in_dim3A_533, %add3A_537 : vector<16xi32>
        %gather3A = tpu.vector_load_idx %arg5[%add3A_538] : memref<20480xf32, #tpu.memory_space<vmem>>[vector<16xi32>], vector<16xf32>,
        %gather3A_539 = tpu.vector_load_idx %arg6[%add3A_538] : memref<20480xf32, #tpu.memory_space<vmem>>[vector<16xi32>], vector<16xf32>,
        %gather3A_540 = tpu.vector_load_idx %arg7[%add3A_538] : memref<20480xf32, #tpu.memory_space<vmem>>[vector<16xi32>], vector<16xf32>,
        %gather3A_541 = tpu.vector_load_idx %arg8[%add3A_538] : memref<20480xf32, #tpu.memory_space<vmem>>[vector<16xi32>], vector<16xf32>,
        %gather3A_542 = tpu.vector_load_idx %arg9[%add3A_538] : memref<20480xf32, #tpu.memory_space<vmem>>[vector<16xi32>], vector<16xf32>,
        %jit3A_543 = arith.constant -2.000000e+00 : f32
        %broadcast_in_dim3A_544 = vector.broadcast %jit3A_543 : f32 to vector<16xf32>
        %select_n3A_545 = arith.select %eq3A_530, %broadcast_in_dim3A_544, %get3A_516 : vector<16xi1>, vector<16xf32>
        %mul3A_546 = arith.constant 16 : i32
        %mul3A_547 = arith.muli %reduce_min3A_512, %mul3A_546 : i32
        %swap3A_548 = arith.index_cast %mul3A_547 : i32 to index
        %swap3A_549 = tpu.vector_load %arg10[%swap3A_548] {strides = array<i32>} : memref<20480xf32, #tpu.memory_space<vmem>>, vector<16xf32>,
        tpu.vector_store %arg10[%swap3A_548], %select_n3A_545 {strides = array<i32>} : memref<20480xf32, #tpu.memory_space<vmem>>, vector<16xf32>,
        %mul3A_550 = arith.constant 16 : i32
        %mul3A_551 = arith.muli %reduce_min3A_493, %mul3A_550 : i32
        %sub3A = arith.subi %reduce_min3A_512, %mul3A_551 : i32
        %eq3A_552 = vector.broadcast %sub3A : i32 to vector<16xi32>
        %eq3A_553 = arith.cmpi eq, %iota3A, %eq3A_552 : vector<16xi32>
        %reduce_max3A_554 = arith.constant true
        %reduce_max3A_555 = vector.broadcast %reduce_max3A_554 : i1 to vector<16xi1>
        %reduce_max3A_556 = tpu.scan <max>, %select_n3A_545 masked %reduce_max3A_555 : vector<16xf32>, vector<16xi1> -> vector<16xf32>
        %reduce_max3A_557 = vector.extract %reduce_max3A_556[15] : f32 from vector<16xf32>
        %broadcast_in_dim3A_558 = vector.broadcast %reduce_max3A_557 : f32 to vector<16xf32>
        %select_n3A_559 = arith.select %eq3A_553, %broadcast_in_dim3A_558, %get3A_496 : vector<16xi1>, vector<16xf32>
        %mul3A_560 = arith.constant 16 : i32
        %mul3A_561 = arith.muli %reduce_min3A_493, %mul3A_560 : i32
        %swap3A_562 = arith.index_cast %mul3A_561 : i32 to index
        %swap3A_563 = tpu.vector_load %arg11[%swap3A_562] {strides = array<i32>} : memref<1280xf32, #tpu.memory_space<vmem>>, vector<16xf32>,
        tpu.vector_store %arg11[%swap3A_562], %select_n3A_559 {strides = array<i32>} : memref<1280xf32, #tpu.memory_space<vmem>>, vector<16xf32>,
        %jit3A_564 = arith.constant 16 : i32
        %div3A = arith.divsi %reduce_min3A_493, %jit3A_564 : i32
        %sign3A = arith.constant 0 : i32
        %sign3A_565 = arith.cmpi sgt, %reduce_min3A_493, %sign3A : i32
        %sign3A_566 = arith.extui %sign3A_565 : i1 to i32
        %sign3A_567 = arith.constant 0 : i32
        %sign3A_568 = arith.cmpi slt, %reduce_min3A_493, %sign3A_567 : i32
        %sign3A_569 = arith.extui %sign3A_568 : i1 to i32
        %sign3A_570 = arith.subi %sign3A_566, %sign3A_569 : i32
        %sign3A_571 = arith.constant 0 : i32
        %sign3A_572 = arith.cmpi sgt, %jit3A_564, %sign3A_571 : i32
        %sign3A_573 = arith.extui %sign3A_572 : i1 to i32
        %sign3A_574 = arith.constant 0 : i32
        %sign3A_575 = arith.cmpi slt, %jit3A_564, %sign3A_574 : i32
        %sign3A_576 = arith.extui %sign3A_575 : i1 to i32
        %sign3A_577 = arith.subi %sign3A_573, %sign3A_576 : i32
        %ne3A = arith.cmpi ne, %sign3A_570, %sign3A_577 : i32
        %rem3A = arith.remsi %reduce_min3A_493, %jit3A_564 : i32
        %ne3A_578 = arith.constant 0 : i32
        %ne3A_579 = arith.cmpi ne, %rem3A, %ne3A_578 : i32
        %and3A_580 = arith.andi %ne3A, %ne3A_579 : i1
        %sub3A_581 = arith.constant 1 : i32
        %sub3A_582 = arith.subi %div3A, %sub3A_581 : i32
        %select_n3A_583 = arith.select %and3A_580, %sub3A_582, %div3A : i32
        %mul3A_584 = arith.constant 16 : i32
        %mul3A_585 = arith.muli %select_n3A_583, %mul3A_584 : i32
        %get3A_586 = arith.index_cast %mul3A_585 : i32 to index
        %get3A_587 = tpu.vector_load %arg12[%get3A_586] {strides = array<i32>} : memref<80xf32, #tpu.memory_space<vmem>>, vector<16xf32>,
        %mul3A_588 = arith.constant 16 : i32
        %mul3A_589 = arith.muli %select_n3A_583, %mul3A_588 : i32
        %sub3A_590 = arith.subi %reduce_min3A_493, %mul3A_589 : i32
        %eq3A_591 = vector.broadcast %sub3A_590 : i32 to vector<16xi32>
        %eq3A_592 = arith.cmpi eq, %iota3A, %eq3A_591 : vector<16xi32>
        %reduce_max3A_593 = arith.constant true
        %reduce_max3A_594 = vector.broadcast %reduce_max3A_593 : i1 to vector<16xi1>
        %reduce_max3A_595 = tpu.scan <max>, %select_n3A_559 masked %reduce_max3A_594 : vector<16xf32>, vector<16xi1> -> vector<16xf32>
        %reduce_max3A_596 = vector.extract %reduce_max3A_595[15] : f32 from vector<16xf32>
        %broadcast_in_dim3A_597 = vector.broadcast %reduce_max3A_596 : f32 to vector<16xf32>
        %select_n3A_598 = arith.select %eq3A_592, %broadcast_in_dim3A_597, %get3A_587 : vector<16xi1>, vector<16xf32>
        %mul3A_599 = arith.constant 16 : i32
        %mul3A_600 = arith.muli %select_n3A_583, %mul3A_599 : i32
        %swap3A_601 = arith.index_cast %mul3A_600 : i32 to index
        %swap3A_602 = tpu.vector_load %arg12[%swap3A_601] {strides = array<i32>} : memref<80xf32, #tpu.memory_space<vmem>>, vector<16xf32>,
        tpu.vector_store %arg12[%swap3A_601], %select_n3A_598 {strides = array<i32>} : memref<80xf32, #tpu.memory_space<vmem>>, vector<16xf32>,
        %broadcast_in_dim3A_603 = arith.constant 0.000000e+00 : f32
        %broadcast_in_dim3A_604 = vector.broadcast %broadcast_in_dim3A_603 : f32 to vector<16xf32>
        %get3A_605 = arith.constant 0 : index
        %get3A_606 = tpu.vector_load %arg13[%get3A_605] {strides = array<i32>} : memref<112xf32, #tpu.memory_space<vmem>>, vector<16xf32>,
        %max3A_607 = arith.maximumf %get3A_606, %gather3A : vector<16xf32>
        %get3A_608 = arith.constant 0 : index
        %get3A_609 = tpu.vector_load %arg14[%get3A_608] {strides = array<i32>} : memref<112xf32, #tpu.memory_space<vmem>>, vector<16xf32>,
        %max3A_610 = arith.maximumf %get3A_609, %gather3A_539 : vector<16xf32>
        %get3A_611 = arith.constant 0 : index
        %get3A_612 = tpu.vector_load %arg15[%get3A_611] {strides = array<i32>} : memref<112xf32, #tpu.memory_space<vmem>>, vector<16xf32>,
        %min3A_613 = arith.minimumf %get3A_612, %gather3A_540 : vector<16xf32>
        %get3A_614 = arith.constant 0 : index
        %get3A_615 = tpu.vector_load %arg16[%get3A_614] {strides = array<i32>} : memref<112xf32, #tpu.memory_space<vmem>>, vector<16xf32>,
        %min3A_616 = arith.minimumf %get3A_615, %gather3A_541 : vector<16xf32>
        %sub3A_617 = arith.subf %min3A_613, %max3A_607 : vector<16xf32>
        %max3A_618 = arith.constant 0.000000e+00 : f32
        %max3A_619 = vector.broadcast %max3A_618 : f32 to vector<16xf32>
        %max3A_620 = arith.maximumf %sub3A_617, %max3A_619 : vector<16xf32>
        %sub3A_621 = arith.subf %min3A_616, %max3A_610 : vector<16xf32>
        %max3A_622 = arith.constant 0.000000e+00 : f32
        %max3A_623 = vector.broadcast %max3A_622 : f32 to vector<16xf32>
        %max3A_624 = arith.maximumf %sub3A_621, %max3A_623 : vector<16xf32>
        %mul3A_625 = arith.mulf %max3A_620, %max3A_624 : vector<16xf32>
        %get3A_626 = arith.constant 0 : index
        %get3A_627 = tpu.vector_load %arg18[%get3A_626] {strides = array<i32>} : memref<112xf32, #tpu.memory_space<vmem>>, vector<16xf32>,
        %add3A_628 = arith.addf %get3A_627, %gather3A_542 : vector<16xf32>
        %sub3A_629 = arith.subf %add3A_628, %mul3A_625 : vector<16xf32>
        %max3A_630 = arith.constant 9.99999971E-10 : f32
        %max3A_631 = vector.broadcast %max3A_630 : f32 to vector<16xf32>
        %max3A_632 = arith.maximumf %sub3A_629, %max3A_631 : vector<16xf32>
        %div3A_633 = arith.divf %mul3A_625, %max3A_632 : vector<16xf32>
        %add3A_634 = arith.constant 0 : i32
        %add3A_635 = vector.broadcast %add3A_634 : i32 to vector<16xi32>
        %add3A_636 = arith.addi %add3A_635, %iota3A : vector<16xi32>
        %lt3A_637 = vector.broadcast %while3A_434 : i32 to vector<16xi32>
        %lt3A_638 = arith.cmpi slt, %add3A_636, %lt3A_637 : vector<16xi32>
        %jit3A_639 = arith.constant 0.000000e+00 : f32
        %broadcast_in_dim3A_640 = vector.broadcast %jit3A_639 : f32 to vector<16xf32>
        %select_n3A_641 = arith.select %lt3A_638, %div3A_633, %broadcast_in_dim3A_640 : vector<16xi1>, vector<16xf32>
        %max3A_642 = arith.maximumf %broadcast_in_dim3A_604, %select_n3A_641 : vector<16xf32>
        %get3A_643 = arith.constant 16 : index
        %get3A_644 = tpu.vector_load %arg13[%get3A_643] {strides = array<i32>} : memref<112xf32, #tpu.memory_space<vmem>>, vector<16xf32>,
        %max3A_645 = arith.maximumf %get3A_644, %gather3A : vector<16xf32>
        %get3A_646 = arith.constant 16 : index
        %get3A_647 = tpu.vector_load %arg14[%get3A_646] {strides = array<i32>} : memref<112xf32, #tpu.memory_space<vmem>>, vector<16xf32>,
        %max3A_648 = arith.maximumf %get3A_647, %gather3A_539 : vector<16xf32>
        %get3A_649 = arith.constant 16 : index
        %get3A_650 = tpu.vector_load %arg15[%get3A_649] {strides = array<i32>} : memref<112xf32, #tpu.memory_space<vmem>>, vector<16xf32>,
        %min3A_651 = arith.minimumf %get3A_650, %gather3A_540 : vector<16xf32>
        %get3A_652 = arith.constant 16 : index
        %get3A_653 = tpu.vector_load %arg16[%get3A_652] {strides = array<i32>} : memref<112xf32, #tpu.memory_space<vmem>>, vector<16xf32>,
        %min3A_654 = arith.minimumf %get3A_653, %gather3A_541 : vector<16xf32>
        %sub3A_655 = arith.subf %min3A_651, %max3A_645 : vector<16xf32>
        %max3A_656 = arith.constant 0.000000e+00 : f32
        %max3A_657 = vector.broadcast %max3A_656 : f32 to vector<16xf32>
        %max3A_658 = arith.maximumf %sub3A_655, %max3A_657 : vector<16xf32>
        %sub3A_659 = arith.subf %min3A_654, %max3A_648 : vector<16xf32>
        %max3A_660 = arith.constant 0.000000e+00 : f32
        %max3A_661 = vector.broadcast %max3A_660 : f32 to vector<16xf32>
        %max3A_662 = arith.maximumf %sub3A_659, %max3A_661 : vector<16xf32>
        %mul3A_663 = arith.mulf %max3A_658, %max3A_662 : vector<16xf32>
        %get3A_664 = arith.constant 16 : index
        %get3A_665 = tpu.vector_load %arg18[%get3A_664] {strides = array<i32>} : memref<112xf32, #tpu.memory_space<vmem>>, vector<16xf32>,
        %add3A_666 = arith.addf %get3A_665, %gather3A_542 : vector<16xf32>
        %sub3A_667 = arith.subf %add3A_666, %mul3A_663 : vector<16xf32>
        %max3A_668 = arith.constant 9.99999971E-10 : f32
        %max3A_669 = vector.broadcast %max3A_668 : f32 to vector<16xf32>
        %max3A_670 = arith.maximumf %sub3A_667, %max3A_669 : vector<16xf32>
        %div3A_671 = arith.divf %mul3A_663, %max3A_670 : vector<16xf32>
        %add3A_672 = arith.constant 16 : i32
        %add3A_673 = vector.broadcast %add3A_672 : i32 to vector<16xi32>
        %add3A_674 = arith.addi %add3A_673, %iota3A : vector<16xi32>
        %lt3A_675 = vector.broadcast %while3A_434 : i32 to vector<16xi32>
        %lt3A_676 = arith.cmpi slt, %add3A_674, %lt3A_675 : vector<16xi32>
        %jit3A_677 = arith.constant 0.000000e+00 : f32
        %broadcast_in_dim3A_678 = vector.broadcast %jit3A_677 : f32 to vector<16xf32>
        %select_n3A_679 = arith.select %lt3A_676, %div3A_671, %broadcast_in_dim3A_678 : vector<16xi1>, vector<16xf32>
        %max3A_680 = arith.maximumf %max3A_642, %select_n3A_679 : vector<16xf32>
        %get3A_681 = arith.constant 32 : index
        %get3A_682 = tpu.vector_load %arg13[%get3A_681] {strides = array<i32>} : memref<112xf32, #tpu.memory_space<vmem>>, vector<16xf32>,
        %max3A_683 = arith.maximumf %get3A_682, %gather3A : vector<16xf32>
        %get3A_684 = arith.constant 32 : index
        %get3A_685 = tpu.vector_load %arg14[%get3A_684] {strides = array<i32>} : memref<112xf32, #tpu.memory_space<vmem>>, vector<16xf32>,
        %max3A_686 = arith.maximumf %get3A_685, %gather3A_539 : vector<16xf32>
        %get3A_687 = arith.constant 32 : index
        %get3A_688 = tpu.vector_load %arg15[%get3A_687] {strides = array<i32>} : memref<112xf32, #tpu.memory_space<vmem>>, vector<16xf32>,
        %min3A_689 = arith.minimumf %get3A_688, %gather3A_540 : vector<16xf32>
        %get3A_690 = arith.constant 32 : index
        %get3A_691 = tpu.vector_load %arg16[%get3A_690] {strides = array<i32>} : memref<112xf32, #tpu.memory_space<vmem>>, vector<16xf32>,
        %min3A_692 = arith.minimumf %get3A_691, %gather3A_541 : vector<16xf32>
        %sub3A_693 = arith.subf %min3A_689, %max3A_683 : vector<16xf32>
        %max3A_694 = arith.constant 0.000000e+00 : f32
        %max3A_695 = vector.broadcast %max3A_694 : f32 to vector<16xf32>
        %max3A_696 = arith.maximumf %sub3A_693, %max3A_695 : vector<16xf32>
        %sub3A_697 = arith.subf %min3A_692, %max3A_686 : vector<16xf32>
        %max3A_698 = arith.constant 0.000000e+00 : f32
        %max3A_699 = vector.broadcast %max3A_698 : f32 to vector<16xf32>
        %max3A_700 = arith.maximumf %sub3A_697, %max3A_699 : vector<16xf32>
        %mul3A_701 = arith.mulf %max3A_696, %max3A_700 : vector<16xf32>
        %get3A_702 = arith.constant 32 : index
        %get3A_703 = tpu.vector_load %arg18[%get3A_702] {strides = array<i32>} : memref<112xf32, #tpu.memory_space<vmem>>, vector<16xf32>,
        %add3A_704 = arith.addf %get3A_703, %gather3A_542 : vector<16xf32>
        %sub3A_705 = arith.subf %add3A_704, %mul3A_701 : vector<16xf32>
        %max3A_706 = arith.constant 9.99999971E-10 : f32
        %max3A_707 = vector.broadcast %max3A_706 : f32 to vector<16xf32>
        %max3A_708 = arith.maximumf %sub3A_705, %max3A_707 : vector<16xf32>
        %div3A_709 = arith.divf %mul3A_701, %max3A_708 : vector<16xf32>
        %add3A_710 = arith.constant 32 : i32
        %add3A_711 = vector.broadcast %add3A_710 : i32 to vector<16xi32>
        %add3A_712 = arith.addi %add3A_711, %iota3A : vector<16xi32>
        %lt3A_713 = vector.broadcast %while3A_434 : i32 to vector<16xi32>
        %lt3A_714 = arith.cmpi slt, %add3A_712, %lt3A_713 : vector<16xi32>
        %jit3A_715 = arith.constant 0.000000e+00 : f32
        %broadcast_in_dim3A_716 = vector.broadcast %jit3A_715 : f32 to vector<16xf32>
        %select_n3A_717 = arith.select %lt3A_714, %div3A_709, %broadcast_in_dim3A_716 : vector<16xi1>, vector<16xf32>
        %max3A_718 = arith.maximumf %max3A_680, %select_n3A_717 : vector<16xf32>
        %get3A_719 = arith.constant 48 : index
        %get3A_720 = tpu.vector_load %arg13[%get3A_719] {strides = array<i32>} : memref<112xf32, #tpu.memory_space<vmem>>, vector<16xf32>,
        %max3A_721 = arith.maximumf %get3A_720, %gather3A : vector<16xf32>
        %get3A_722 = arith.constant 48 : index
        %get3A_723 = tpu.vector_load %arg14[%get3A_722] {strides = array<i32>} : memref<112xf32, #tpu.memory_space<vmem>>, vector<16xf32>,
        %max3A_724 = arith.maximumf %get3A_723, %gather3A_539 : vector<16xf32>
        %get3A_725 = arith.constant 48 : index
        %get3A_726 = tpu.vector_load %arg15[%get3A_725] {strides = array<i32>} : memref<112xf32, #tpu.memory_space<vmem>>, vector<16xf32>,
        %min3A_727 = arith.minimumf %get3A_726, %gather3A_540 : vector<16xf32>
        %get3A_728 = arith.constant 48 : index
        %get3A_729 = tpu.vector_load %arg16[%get3A_728] {strides = array<i32>} : memref<112xf32, #tpu.memory_space<vmem>>, vector<16xf32>,
        %min3A_730 = arith.minimumf %get3A_729, %gather3A_541 : vector<16xf32>
        %sub3A_731 = arith.subf %min3A_727, %max3A_721 : vector<16xf32>
        %max3A_732 = arith.constant 0.000000e+00 : f32
        %max3A_733 = vector.broadcast %max3A_732 : f32 to vector<16xf32>
        %max3A_734 = arith.maximumf %sub3A_731, %max3A_733 : vector<16xf32>
        %sub3A_735 = arith.subf %min3A_730, %max3A_724 : vector<16xf32>
        %max3A_736 = arith.constant 0.000000e+00 : f32
        %max3A_737 = vector.broadcast %max3A_736 : f32 to vector<16xf32>
        %max3A_738 = arith.maximumf %sub3A_735, %max3A_737 : vector<16xf32>
        %mul3A_739 = arith.mulf %max3A_734, %max3A_738 : vector<16xf32>
        %get3A_740 = arith.constant 48 : index
        %get3A_741 = tpu.vector_load %arg18[%get3A_740] {strides = array<i32>} : memref<112xf32, #tpu.memory_space<vmem>>, vector<16xf32>,
        %add3A_742 = arith.addf %get3A_741, %gather3A_542 : vector<16xf32>
        %sub3A_743 = arith.subf %add3A_742, %mul3A_739 : vector<16xf32>
        %max3A_744 = arith.constant 9.99999971E-10 : f32
        %max3A_745 = vector.broadcast %max3A_744 : f32 to vector<16xf32>
        %max3A_746 = arith.maximumf %sub3A_743, %max3A_745 : vector<16xf32>
        %div3A_747 = arith.divf %mul3A_739, %max3A_746 : vector<16xf32>
        %add3A_748 = arith.constant 48 : i32
        %add3A_749 = vector.broadcast %add3A_748 : i32 to vector<16xi32>
        %add3A_750 = arith.addi %add3A_749, %iota3A : vector<16xi32>
        %lt3A_751 = vector.broadcast %while3A_434 : i32 to vector<16xi32>
        %lt3A_752 = arith.cmpi slt, %add3A_750, %lt3A_751 : vector<16xi32>
        %jit3A_753 = arith.constant 0.000000e+00 : f32
        %broadcast_in_dim3A_754 = vector.broadcast %jit3A_753 : f32 to vector<16xf32>
        %select_n3A_755 = arith.select %lt3A_752, %div3A_747, %broadcast_in_dim3A_754 : vector<16xi1>, vector<16xf32>
        %max3A_756 = arith.maximumf %max3A_718, %select_n3A_755 : vector<16xf32>
        %get3A_757 = arith.constant 64 : index
        %get3A_758 = tpu.vector_load %arg13[%get3A_757] {strides = array<i32>} : memref<112xf32, #tpu.memory_space<vmem>>, vector<16xf32>,
        %max3A_759 = arith.maximumf %get3A_758, %gather3A : vector<16xf32>
        %get3A_760 = arith.constant 64 : index
        %get3A_761 = tpu.vector_load %arg14[%get3A_760] {strides = array<i32>} : memref<112xf32, #tpu.memory_space<vmem>>, vector<16xf32>,
        %max3A_762 = arith.maximumf %get3A_761, %gather3A_539 : vector<16xf32>
        %get3A_763 = arith.constant 64 : index
        %get3A_764 = tpu.vector_load %arg15[%get3A_763] {strides = array<i32>} : memref<112xf32, #tpu.memory_space<vmem>>, vector<16xf32>,
        %min3A_765 = arith.minimumf %get3A_764, %gather3A_540 : vector<16xf32>
        %get3A_766 = arith.constant 64 : index
        %get3A_767 = tpu.vector_load %arg16[%get3A_766] {strides = array<i32>} : memref<112xf32, #tpu.memory_space<vmem>>, vector<16xf32>,
        %min3A_768 = arith.minimumf %get3A_767, %gather3A_541 : vector<16xf32>
        %sub3A_769 = arith.subf %min3A_765, %max3A_759 : vector<16xf32>
        %max3A_770 = arith.constant 0.000000e+00 : f32
        %max3A_771 = vector.broadcast %max3A_770 : f32 to vector<16xf32>
        %max3A_772 = arith.maximumf %sub3A_769, %max3A_771 : vector<16xf32>
        %sub3A_773 = arith.subf %min3A_768, %max3A_762 : vector<16xf32>
        %max3A_774 = arith.constant 0.000000e+00 : f32
        %max3A_775 = vector.broadcast %max3A_774 : f32 to vector<16xf32>
        %max3A_776 = arith.maximumf %sub3A_773, %max3A_775 : vector<16xf32>
        %mul3A_777 = arith.mulf %max3A_772, %max3A_776 : vector<16xf32>
        %get3A_778 = arith.constant 64 : index
        %get3A_779 = tpu.vector_load %arg18[%get3A_778] {strides = array<i32>} : memref<112xf32, #tpu.memory_space<vmem>>, vector<16xf32>,
        %add3A_780 = arith.addf %get3A_779, %gather3A_542 : vector<16xf32>
        %sub3A_781 = arith.subf %add3A_780, %mul3A_777 : vector<16xf32>
        %max3A_782 = arith.constant 9.99999971E-10 : f32
        %max3A_783 = vector.broadcast %max3A_782 : f32 to vector<16xf32>
        %max3A_784 = arith.maximumf %sub3A_781, %max3A_783 : vector<16xf32>
        %div3A_785 = arith.divf %mul3A_777, %max3A_784 : vector<16xf32>
        %add3A_786 = arith.constant 64 : i32
        %add3A_787 = vector.broadcast %add3A_786 : i32 to vector<16xi32>
        %add3A_788 = arith.addi %add3A_787, %iota3A : vector<16xi32>
        %lt3A_789 = vector.broadcast %while3A_434 : i32 to vector<16xi32>
        %lt3A_790 = arith.cmpi slt, %add3A_788, %lt3A_789 : vector<16xi32>
        %jit3A_791 = arith.constant 0.000000e+00 : f32
        %broadcast_in_dim3A_792 = vector.broadcast %jit3A_791 : f32 to vector<16xf32>
        %select_n3A_793 = arith.select %lt3A_790, %div3A_785, %broadcast_in_dim3A_792 : vector<16xi1>, vector<16xf32>
        %max3A_794 = arith.maximumf %max3A_756, %select_n3A_793 : vector<16xf32>
        %get3A_795 = arith.constant 80 : index
        %get3A_796 = tpu.vector_load %arg13[%get3A_795] {strides = array<i32>} : memref<112xf32, #tpu.memory_space<vmem>>, vector<16xf32>,
        %max3A_797 = arith.maximumf %get3A_796, %gather3A : vector<16xf32>
        %get3A_798 = arith.constant 80 : index
        %get3A_799 = tpu.vector_load %arg14[%get3A_798] {strides = array<i32>} : memref<112xf32, #tpu.memory_space<vmem>>, vector<16xf32>,
        %max3A_800 = arith.maximumf %get3A_799, %gather3A_539 : vector<16xf32>
        %get3A_801 = arith.constant 80 : index
        %get3A_802 = tpu.vector_load %arg15[%get3A_801] {strides = array<i32>} : memref<112xf32, #tpu.memory_space<vmem>>, vector<16xf32>,
        %min3A_803 = arith.minimumf %get3A_802, %gather3A_540 : vector<16xf32>
        %get3A_804 = arith.constant 80 : index
        %get3A_805 = tpu.vector_load %arg16[%get3A_804] {strides = array<i32>} : memref<112xf32, #tpu.memory_space<vmem>>, vector<16xf32>,
        %min3A_806 = arith.minimumf %get3A_805, %gather3A_541 : vector<16xf32>
        %sub3A_807 = arith.subf %min3A_803, %max3A_797 : vector<16xf32>
        %max3A_808 = arith.constant 0.000000e+00 : f32
        %max3A_809 = vector.broadcast %max3A_808 : f32 to vector<16xf32>
        %max3A_810 = arith.maximumf %sub3A_807, %max3A_809 : vector<16xf32>
        %sub3A_811 = arith.subf %min3A_806, %max3A_800 : vector<16xf32>
        %max3A_812 = arith.constant 0.000000e+00 : f32
        %max3A_813 = vector.broadcast %max3A_812 : f32 to vector<16xf32>
        %max3A_814 = arith.maximumf %sub3A_811, %max3A_813 : vector<16xf32>
        %mul3A_815 = arith.mulf %max3A_810, %max3A_814 : vector<16xf32>
        %get3A_816 = arith.constant 80 : index
        %get3A_817 = tpu.vector_load %arg18[%get3A_816] {strides = array<i32>} : memref<112xf32, #tpu.memory_space<vmem>>, vector<16xf32>,
        %add3A_818 = arith.addf %get3A_817, %gather3A_542 : vector<16xf32>
        %sub3A_819 = arith.subf %add3A_818, %mul3A_815 : vector<16xf32>
        %max3A_820 = arith.constant 9.99999971E-10 : f32
        %max3A_821 = vector.broadcast %max3A_820 : f32 to vector<16xf32>
        %max3A_822 = arith.maximumf %sub3A_819, %max3A_821 : vector<16xf32>
        %div3A_823 = arith.divf %mul3A_815, %max3A_822 : vector<16xf32>
        %add3A_824 = arith.constant 80 : i32
        %add3A_825 = vector.broadcast %add3A_824 : i32 to vector<16xi32>
        %add3A_826 = arith.addi %add3A_825, %iota3A : vector<16xi32>
        %lt3A_827 = vector.broadcast %while3A_434 : i32 to vector<16xi32>
        %lt3A_828 = arith.cmpi slt, %add3A_826, %lt3A_827 : vector<16xi32>
        %jit3A_829 = arith.constant 0.000000e+00 : f32
        %broadcast_in_dim3A_830 = vector.broadcast %jit3A_829 : f32 to vector<16xf32>
        %select_n3A_831 = arith.select %lt3A_828, %div3A_823, %broadcast_in_dim3A_830 : vector<16xi1>, vector<16xf32>
        %max3A_832 = arith.maximumf %max3A_794, %select_n3A_831 : vector<16xf32>
        %get3A_833 = arith.constant 96 : index
        %get3A_834 = tpu.vector_load %arg13[%get3A_833] {strides = array<i32>} : memref<112xf32, #tpu.memory_space<vmem>>, vector<16xf32>,
        %max3A_835 = arith.maximumf %get3A_834, %gather3A : vector<16xf32>
        %get3A_836 = arith.constant 96 : index
        %get3A_837 = tpu.vector_load %arg14[%get3A_836] {strides = array<i32>} : memref<112xf32, #tpu.memory_space<vmem>>, vector<16xf32>,
        %max3A_838 = arith.maximumf %get3A_837, %gather3A_539 : vector<16xf32>
        %get3A_839 = arith.constant 96 : index
        %get3A_840 = tpu.vector_load %arg15[%get3A_839] {strides = array<i32>} : memref<112xf32, #tpu.memory_space<vmem>>, vector<16xf32>,
        %min3A_841 = arith.minimumf %get3A_840, %gather3A_540 : vector<16xf32>
        %get3A_842 = arith.constant 96 : index
        %get3A_843 = tpu.vector_load %arg16[%get3A_842] {strides = array<i32>} : memref<112xf32, #tpu.memory_space<vmem>>, vector<16xf32>,
        %min3A_844 = arith.minimumf %get3A_843, %gather3A_541 : vector<16xf32>
        %sub3A_845 = arith.subf %min3A_841, %max3A_835 : vector<16xf32>
        %max3A_846 = arith.constant 0.000000e+00 : f32
        %max3A_847 = vector.broadcast %max3A_846 : f32 to vector<16xf32>
        %max3A_848 = arith.maximumf %sub3A_845, %max3A_847 : vector<16xf32>
        %sub3A_849 = arith.subf %min3A_844, %max3A_838 : vector<16xf32>
        %max3A_850 = arith.constant 0.000000e+00 : f32
        %max3A_851 = vector.broadcast %max3A_850 : f32 to vector<16xf32>
        %max3A_852 = arith.maximumf %sub3A_849, %max3A_851 : vector<16xf32>
        %mul3A_853 = arith.mulf %max3A_848, %max3A_852 : vector<16xf32>
        %get3A_854 = arith.constant 96 : index
        %get3A_855 = tpu.vector_load %arg18[%get3A_854] {strides = array<i32>} : memref<112xf32, #tpu.memory_space<vmem>>, vector<16xf32>,
        %add3A_856 = arith.addf %get3A_855, %gather3A_542 : vector<16xf32>
        %sub3A_857 = arith.subf %add3A_856, %mul3A_853 : vector<16xf32>
        %max3A_858 = arith.constant 9.99999971E-10 : f32
        %max3A_859 = vector.broadcast %max3A_858 : f32 to vector<16xf32>
        %max3A_860 = arith.maximumf %sub3A_857, %max3A_859 : vector<16xf32>
        %div3A_861 = arith.divf %mul3A_853, %max3A_860 : vector<16xf32>
        %add3A_862 = arith.constant 96 : i32
        %add3A_863 = vector.broadcast %add3A_862 : i32 to vector<16xi32>
        %add3A_864 = arith.addi %add3A_863, %iota3A : vector<16xi32>
        %lt3A_865 = vector.broadcast %while3A_434 : i32 to vector<16xi32>
        %lt3A_866 = arith.cmpi slt, %add3A_864, %lt3A_865 : vector<16xi32>
        %jit3A_867 = arith.constant 0.000000e+00 : f32
        %broadcast_in_dim3A_868 = vector.broadcast %jit3A_867 : f32 to vector<16xf32>
        %select_n3A_869 = arith.select %lt3A_866, %div3A_861, %broadcast_in_dim3A_868 : vector<16xi1>, vector<16xf32>
        %max3A_870 = arith.maximumf %max3A_832, %select_n3A_869 : vector<16xf32>
        %reduce_max3A_871 = arith.constant true
        %reduce_max3A_872 = vector.broadcast %reduce_max3A_871 : i1 to vector<16xi1>
        %reduce_max3A_873 = tpu.scan <max>, %max3A_870 masked %reduce_max3A_872 : vector<16xf32>, vector<16xi1> -> vector<16xf32>
        %reduce_max3A_874 = vector.extract %reduce_max3A_873[15] : f32 from vector<16xf32>
        %le3A = arith.constant 3.000000e-01 : f32
        %le3A_875 = arith.cmpf ole, %reduce_max3A_874, %le3A : f32
        %and3A_876 = arith.andi %ge3A_531, %le3A_875 : i1
        %jit3A_877 = arith.constant 16 : i32
        %div3A_878 = arith.divsi %while3A_434, %jit3A_877 : i32
        %sign3A_879 = arith.constant 0 : i32
        %sign3A_880 = arith.cmpi sgt, %while3A_434, %sign3A_879 : i32
        %sign3A_881 = arith.extui %sign3A_880 : i1 to i32
        %sign3A_882 = arith.constant 0 : i32
        %sign3A_883 = arith.cmpi slt, %while3A_434, %sign3A_882 : i32
        %sign3A_884 = arith.extui %sign3A_883 : i1 to i32
        %sign3A_885 = arith.subi %sign3A_881, %sign3A_884 : i32
        %sign3A_886 = arith.constant 0 : i32
        %sign3A_887 = arith.cmpi sgt, %jit3A_877, %sign3A_886 : i32
        %sign3A_888 = arith.extui %sign3A_887 : i1 to i32
        %sign3A_889 = arith.constant 0 : i32
        %sign3A_890 = arith.cmpi slt, %jit3A_877, %sign3A_889 : i32
        %sign3A_891 = arith.extui %sign3A_890 : i1 to i32
        %sign3A_892 = arith.subi %sign3A_888, %sign3A_891 : i32
        %ne3A_893 = arith.cmpi ne, %sign3A_885, %sign3A_892 : i32
        %rem3A_894 = arith.remsi %while3A_434, %jit3A_877 : i32
        %ne3A_895 = arith.constant 0 : i32
        %ne3A_896 = arith.cmpi ne, %rem3A_894, %ne3A_895 : i32
        %and3A_897 = arith.andi %ne3A_893, %ne3A_896 : i1
        %sub3A_898 = arith.constant 1 : i32
        %sub3A_899 = arith.subi %div3A_878, %sub3A_898 : i32
        %select_n3A_900 = arith.select %and3A_897, %sub3A_899, %div3A_878 : i32
        %mul3A_901 = arith.constant 16 : i32
        %mul3A_902 = arith.muli %select_n3A_900, %mul3A_901 : i32
        %sub3A_903 = arith.subi %while3A_434, %mul3A_902 : i32
        %eq3A_904 = vector.broadcast %sub3A_903 : i32 to vector<16xi32>
        %eq3A_905 = arith.cmpi eq, %iota3A, %eq3A_904 : vector<16xi32>
        %and3A_906 = vector.broadcast %and3A_876 : i1 to vector<16xi1>
        %and3A_907 = arith.andi %eq3A_905, %and3A_906 : vector<16xi1>
        %mul3A_908 = arith.constant 16 : i32
        %mul3A_909 = arith.muli %select_n3A_900, %mul3A_908 : i32
        %get3A_910 = arith.index_cast %mul3A_909 : i32 to index
        %get3A_911 = tpu.vector_load %arg13[%get3A_910] {strides = array<i32>} : memref<112xf32, #tpu.memory_space<vmem>>, vector<16xf32>,
        %select_n3A_912 = arith.select %and3A_907, %gather3A, %get3A_911 : vector<16xi1>, vector<16xf32>
        %swap3A_913 = arith.index_cast %mul3A_909 : i32 to index
        %swap3A_914 = tpu.vector_load %arg13[%swap3A_913] {strides = array<i32>} : memref<112xf32, #tpu.memory_space<vmem>>, vector<16xf32>,
        tpu.vector_store %arg13[%swap3A_913], %select_n3A_912 {strides = array<i32>} : memref<112xf32, #tpu.memory_space<vmem>>, vector<16xf32>,
        %get3A_915 = arith.index_cast %mul3A_909 : i32 to index
        %get3A_916 = tpu.vector_load %arg14[%get3A_915] {strides = array<i32>} : memref<112xf32, #tpu.memory_space<vmem>>, vector<16xf32>,
        %select_n3A_917 = arith.select %and3A_907, %gather3A_539, %get3A_916 : vector<16xi1>, vector<16xf32>
        %swap3A_918 = arith.index_cast %mul3A_909 : i32 to index
        %swap3A_919 = tpu.vector_load %arg14[%swap3A_918] {strides = array<i32>} : memref<112xf32, #tpu.memory_space<vmem>>, vector<16xf32>,
        tpu.vector_store %arg14[%swap3A_918], %select_n3A_917 {strides = array<i32>} : memref<112xf32, #tpu.memory_space<vmem>>, vector<16xf32>,
        %get3A_920 = arith.index_cast %mul3A_909 : i32 to index
        %get3A_921 = tpu.vector_load %arg15[%get3A_920] {strides = array<i32>} : memref<112xf32, #tpu.memory_space<vmem>>, vector<16xf32>,
        %select_n3A_922 = arith.select %and3A_907, %gather3A_540, %get3A_921 : vector<16xi1>, vector<16xf32>
        %swap3A_923 = arith.index_cast %mul3A_909 : i32 to index
        %swap3A_924 = tpu.vector_load %arg15[%swap3A_923] {strides = array<i32>} : memref<112xf32, #tpu.memory_space<vmem>>, vector<16xf32>,
        tpu.vector_store %arg15[%swap3A_923], %select_n3A_922 {strides = array<i32>} : memref<112xf32, #tpu.memory_space<vmem>>, vector<16xf32>,
        %get3A_925 = arith.index_cast %mul3A_909 : i32 to index
        %get3A_926 = tpu.vector_load %arg16[%get3A_925] {strides = array<i32>} : memref<112xf32, #tpu.memory_space<vmem>>, vector<16xf32>,
        %select_n3A_927 = arith.select %and3A_907, %gather3A_541, %get3A_926 : vector<16xi1>, vector<16xf32>
        %swap3A_928 = arith.index_cast %mul3A_909 : i32 to index
        %swap3A_929 = tpu.vector_load %arg16[%swap3A_928] {strides = array<i32>} : memref<112xf32, #tpu.memory_space<vmem>>, vector<16xf32>,
        tpu.vector_store %arg16[%swap3A_928], %select_n3A_927 {strides = array<i32>} : memref<112xf32, #tpu.memory_space<vmem>>, vector<16xf32>,
        %get3A_930 = arith.index_cast %mul3A_909 : i32 to index
        %get3A_931 = tpu.vector_load %arg17[%get3A_930] {strides = array<i32>} : memref<112xf32, #tpu.memory_space<vmem>>, vector<16xf32>,
        %broadcast_in_dim3A_932 = vector.broadcast %reduce_max3A_451 : f32 to vector<16xf32>
        %select_n3A_933 = arith.select %and3A_907, %broadcast_in_dim3A_932, %get3A_931 : vector<16xi1>, vector<16xf32>
        %swap3A_934 = arith.index_cast %mul3A_909 : i32 to index
        %swap3A_935 = tpu.vector_load %arg17[%swap3A_934] {strides = array<i32>} : memref<112xf32, #tpu.memory_space<vmem>>, vector<16xf32>,
        tpu.vector_store %arg17[%swap3A_934], %select_n3A_933 {strides = array<i32>} : memref<112xf32, #tpu.memory_space<vmem>>, vector<16xf32>,
        %get3A_936 = arith.index_cast %mul3A_909 : i32 to index
        %get3A_937 = tpu.vector_load %arg18[%get3A_936] {strides = array<i32>} : memref<112xf32, #tpu.memory_space<vmem>>, vector<16xf32>,
        %select_n3A_938 = arith.select %and3A_907, %gather3A_542, %get3A_937 : vector<16xi1>, vector<16xf32>
        %swap3A_939 = arith.index_cast %mul3A_909 : i32 to index
        %swap3A_940 = tpu.vector_load %arg18[%swap3A_939] {strides = array<i32>} : memref<112xf32, #tpu.memory_space<vmem>>, vector<16xf32>,
        tpu.vector_store %arg18[%swap3A_939], %select_n3A_938 {strides = array<i32>} : memref<112xf32, #tpu.memory_space<vmem>>, vector<16xf32>,
        %add3A_941 = arith.constant 1 : i32
        %add3A_942 = arith.addi %while3A_434, %add3A_941 : i32
        %select_n3A_943 = arith.select %and3A_876, %add3A_942, %while3A_434 : i32
        %add3A_944 = arith.constant 1 : i32
        %add3A_945 = arith.addi %while3A_435, %add3A_944 : i32
        %not3A = arith.constant true
        %not3A_946 = arith.xori %ge3A_531, %not3A : i1
        %ge3A_947 = arith.constant 100 : i32
        %ge3A_948 = arith.cmpi sge, %select_n3A_943, %ge3A_947 : i32
        %or3A = arith.ori %not3A_946, %ge3A_948 : i1
        %ge3A_949 = arith.constant 2000 : i32
        %ge3A_950 = arith.cmpi sge, %add3A_945, %ge3A_949 : i32
        %or3A_951 = arith.ori %or3A, %ge3A_950 : i1
        scf.yield %or3A_951, %select_n3A_943, %add3A_945 : i1, i32, i32
      }
      %broadcast_in_dim3A = arith.constant -1.000000e+00 : f32
      %broadcast_in_dim3A_18 = vector.broadcast %broadcast_in_dim3A : f32 to vector<16xf32>
      %add3A = arith.constant 0 : i32
      %add3A_19 = vector.broadcast %add3A : i32 to vector<16xi32>
      %add3A_20 = arith.addi %add3A_19, %iota3A : vector<16xi32>
      %lt3A = vector.broadcast %while3A_17#1 : i32 to vector<16xi32>
      %lt3A_21 = arith.cmpi slt, %add3A_20, %lt3A : vector<16xi32>
      %get3A = arith.constant 0 : index
      %get3A_22 = tpu.vector_load %arg13[%get3A] {strides = array<i32>} : memref<112xf32, #tpu.memory_space<vmem>>, vector<16xf32>,
      %select_n3A = arith.select %lt3A_21, %get3A_22, %broadcast_in_dim3A_18 : vector<16xi1>, vector<16xf32>
      %swap3A = arith.constant 0 : index
      %swap3A_23 = tpu.vector_load %arg19[%swap3A] {strides = array<i32>} : memref<672xf32, #tpu.memory_space<vmem>>, vector<16xf32>,
      tpu.vector_store %arg19[%swap3A], %select_n3A {strides = array<i32>} : memref<672xf32, #tpu.memory_space<vmem>>, vector<16xf32>,
      %add3A_24 = arith.constant 16 : i32
      %add3A_25 = vector.broadcast %add3A_24 : i32 to vector<16xi32>
      %add3A_26 = arith.addi %add3A_25, %iota3A : vector<16xi32>
      %lt3A_27 = vector.broadcast %while3A_17#1 : i32 to vector<16xi32>
      %lt3A_28 = arith.cmpi slt, %add3A_26, %lt3A_27 : vector<16xi32>
      %get3A_29 = arith.constant 16 : index
      %get3A_30 = tpu.vector_load %arg13[%get3A_29] {strides = array<i32>} : memref<112xf32, #tpu.memory_space<vmem>>, vector<16xf32>,
      %select_n3A_31 = arith.select %lt3A_28, %get3A_30, %broadcast_in_dim3A_18 : vector<16xi1>, vector<16xf32>
      %swap3A_32 = arith.constant 16 : index
      %swap3A_33 = tpu.vector_load %arg19[%swap3A_32] {strides = array<i32>} : memref<672xf32, #tpu.memory_space<vmem>>, vector<16xf32>,
      tpu.vector_store %arg19[%swap3A_32], %select_n3A_31 {strides = array<i32>} : memref<672xf32, #tpu.memory_space<vmem>>, vector<16xf32>,
      %add3A_34 = arith.constant 32 : i32
      %add3A_35 = vector.broadcast %add3A_34 : i32 to vector<16xi32>
      %add3A_36 = arith.addi %add3A_35, %iota3A : vector<16xi32>
      %lt3A_37 = vector.broadcast %while3A_17#1 : i32 to vector<16xi32>
      %lt3A_38 = arith.cmpi slt, %add3A_36, %lt3A_37 : vector<16xi32>
      %get3A_39 = arith.constant 32 : index
      %get3A_40 = tpu.vector_load %arg13[%get3A_39] {strides = array<i32>} : memref<112xf32, #tpu.memory_space<vmem>>, vector<16xf32>,
      %select_n3A_41 = arith.select %lt3A_38, %get3A_40, %broadcast_in_dim3A_18 : vector<16xi1>, vector<16xf32>
      %swap3A_42 = arith.constant 32 : index
      %swap3A_43 = tpu.vector_load %arg19[%swap3A_42] {strides = array<i32>} : memref<672xf32, #tpu.memory_space<vmem>>, vector<16xf32>,
      tpu.vector_store %arg19[%swap3A_42], %select_n3A_41 {strides = array<i32>} : memref<672xf32, #tpu.memory_space<vmem>>, vector<16xf32>,
      %add3A_44 = arith.constant 48 : i32
      %add3A_45 = vector.broadcast %add3A_44 : i32 to vector<16xi32>
      %add3A_46 = arith.addi %add3A_45, %iota3A : vector<16xi32>
      %lt3A_47 = vector.broadcast %while3A_17#1 : i32 to vector<16xi32>
      %lt3A_48 = arith.cmpi slt, %add3A_46, %lt3A_47 : vector<16xi32>
      %get3A_49 = arith.constant 48 : index
      %get3A_50 = tpu.vector_load %arg13[%get3A_49] {strides = array<i32>} : memref<112xf32, #tpu.memory_space<vmem>>, vector<16xf32>,
      %select_n3A_51 = arith.select %lt3A_48, %get3A_50, %broadcast_in_dim3A_18 : vector<16xi1>, vector<16xf32>
      %swap3A_52 = arith.constant 48 : index
      %swap3A_53 = tpu.vector_load %arg19[%swap3A_52] {strides = array<i32>} : memref<672xf32, #tpu.memory_space<vmem>>, vector<16xf32>,
      tpu.vector_store %arg19[%swap3A_52], %select_n3A_51 {strides = array<i32>} : memref<672xf32, #tpu.memory_space<vmem>>, vector<16xf32>,
      %add3A_54 = arith.constant 64 : i32
      %add3A_55 = vector.broadcast %add3A_54 : i32 to vector<16xi32>
      %add3A_56 = arith.addi %add3A_55, %iota3A : vector<16xi32>
      %lt3A_57 = vector.broadcast %while3A_17#1 : i32 to vector<16xi32>
      %lt3A_58 = arith.cmpi slt, %add3A_56, %lt3A_57 : vector<16xi32>
      %get3A_59 = arith.constant 64 : index
      %get3A_60 = tpu.vector_load %arg13[%get3A_59] {strides = array<i32>} : memref<112xf32, #tpu.memory_space<vmem>>, vector<16xf32>,
      %select_n3A_61 = arith.select %lt3A_58, %get3A_60, %broadcast_in_dim3A_18 : vector<16xi1>, vector<16xf32>
      %swap3A_62 = arith.constant 64 : index
      %swap3A_63 = tpu.vector_load %arg19[%swap3A_62] {strides = array<i32>} : memref<672xf32, #tpu.memory_space<vmem>>, vector<16xf32>,
      tpu.vector_store %arg19[%swap3A_62], %select_n3A_61 {strides = array<i32>} : memref<672xf32, #tpu.memory_space<vmem>>, vector<16xf32>,
      %add3A_64 = arith.constant 80 : i32
      %add3A_65 = vector.broadcast %add3A_64 : i32 to vector<16xi32>
      %add3A_66 = arith.addi %add3A_65, %iota3A : vector<16xi32>
      %lt3A_67 = vector.broadcast %while3A_17#1 : i32 to vector<16xi32>
      %lt3A_68 = arith.cmpi slt, %add3A_66, %lt3A_67 : vector<16xi32>
      %get3A_69 = arith.constant 80 : index
      %get3A_70 = tpu.vector_load %arg13[%get3A_69] {strides = array<i32>} : memref<112xf32, #tpu.memory_space<vmem>>, vector<16xf32>,
      %select_n3A_71 = arith.select %lt3A_68, %get3A_70, %broadcast_in_dim3A_18 : vector<16xi1>, vector<16xf32>
      %swap3A_72 = arith.constant 80 : index
      %swap3A_73 = tpu.vector_load %arg19[%swap3A_72] {strides = array<i32>} : memref<672xf32, #tpu.memory_space<vmem>>, vector<16xf32>,
      tpu.vector_store %arg19[%swap3A_72], %select_n3A_71 {strides = array<i32>} : memref<672xf32, #tpu.memory_space<vmem>>, vector<16xf32>,
      %add3A_74 = arith.constant 96 : i32
      %add3A_75 = vector.broadcast %add3A_74 : i32 to vector<16xi32>
      %add3A_76 = arith.addi %add3A_75, %iota3A : vector<16xi32>
      %lt3A_77 = vector.broadcast %while3A_17#1 : i32 to vector<16xi32>
      %lt3A_78 = arith.cmpi slt, %add3A_76, %lt3A_77 : vector<16xi32>
      %get3A_79 = arith.constant 96 : index
      %get3A_80 = tpu.vector_load %arg13[%get3A_79] {strides = array<i32>} : memref<112xf32, #tpu.memory_space<vmem>>, vector<16xf32>,
      %select_n3A_81 = arith.select %lt3A_78, %get3A_80, %broadcast_in_dim3A_18 : vector<16xi1>, vector<16xf32>
      %swap3A_82 = arith.constant 96 : index
      %swap3A_83 = tpu.vector_load %arg19[%swap3A_82] {strides = array<i32>} : memref<672xf32, #tpu.memory_space<vmem>>, vector<16xf32>,
      tpu.vector_store %arg19[%swap3A_82], %select_n3A_81 {strides = array<i32>} : memref<672xf32, #tpu.memory_space<vmem>>, vector<16xf32>,
      %add3A_84 = arith.constant 0 : i32
      %add3A_85 = vector.broadcast %add3A_84 : i32 to vector<16xi32>
      %add3A_86 = arith.addi %add3A_85, %iota3A : vector<16xi32>
      %lt3A_87 = vector.broadcast %while3A_17#1 : i32 to vector<16xi32>
      %lt3A_88 = arith.cmpi slt, %add3A_86, %lt3A_87 : vector<16xi32>
      %get3A_89 = arith.constant 0 : index
      %get3A_90 = tpu.vector_load %arg14[%get3A_89] {strides = array<i32>} : memref<112xf32, #tpu.memory_space<vmem>>, vector<16xf32>,
      %select_n3A_91 = arith.select %lt3A_88, %get3A_90, %broadcast_in_dim3A_18 : vector<16xi1>, vector<16xf32>
      %swap3A_92 = arith.constant 112 : index
      %swap3A_93 = tpu.vector_load %arg19[%swap3A_92] {strides = array<i32>} : memref<672xf32, #tpu.memory_space<vmem>>, vector<16xf32>,
      tpu.vector_store %arg19[%swap3A_92], %select_n3A_91 {strides = array<i32>} : memref<672xf32, #tpu.memory_space<vmem>>, vector<16xf32>,
      %add3A_94 = arith.constant 16 : i32
      %add3A_95 = vector.broadcast %add3A_94 : i32 to vector<16xi32>
      %add3A_96 = arith.addi %add3A_95, %iota3A : vector<16xi32>
      %lt3A_97 = vector.broadcast %while3A_17#1 : i32 to vector<16xi32>
      %lt3A_98 = arith.cmpi slt, %add3A_96, %lt3A_97 : vector<16xi32>
      %get3A_99 = arith.constant 16 : index
      %get3A_100 = tpu.vector_load %arg14[%get3A_99] {strides = array<i32>} : memref<112xf32, #tpu.memory_space<vmem>>, vector<16xf32>,
      %select_n3A_101 = arith.select %lt3A_98, %get3A_100, %broadcast_in_dim3A_18 : vector<16xi1>, vector<16xf32>
      %swap3A_102 = arith.constant 128 : index
      %swap3A_103 = tpu.vector_load %arg19[%swap3A_102] {strides = array<i32>} : memref<672xf32, #tpu.memory_space<vmem>>, vector<16xf32>,
      tpu.vector_store %arg19[%swap3A_102], %select_n3A_101 {strides = array<i32>} : memref<672xf32, #tpu.memory_space<vmem>>, vector<16xf32>,
      %add3A_104 = arith.constant 32 : i32
      %add3A_105 = vector.broadcast %add3A_104 : i32 to vector<16xi32>
      %add3A_106 = arith.addi %add3A_105, %iota3A : vector<16xi32>
      %lt3A_107 = vector.broadcast %while3A_17#1 : i32 to vector<16xi32>
      %lt3A_108 = arith.cmpi slt, %add3A_106, %lt3A_107 : vector<16xi32>
      %get3A_109 = arith.constant 32 : index
      %get3A_110 = tpu.vector_load %arg14[%get3A_109] {strides = array<i32>} : memref<112xf32, #tpu.memory_space<vmem>>, vector<16xf32>,
      %select_n3A_111 = arith.select %lt3A_108, %get3A_110, %broadcast_in_dim3A_18 : vector<16xi1>, vector<16xf32>
      %swap3A_112 = arith.constant 144 : index
      %swap3A_113 = tpu.vector_load %arg19[%swap3A_112] {strides = array<i32>} : memref<672xf32, #tpu.memory_space<vmem>>, vector<16xf32>,
      tpu.vector_store %arg19[%swap3A_112], %select_n3A_111 {strides = array<i32>} : memref<672xf32, #tpu.memory_space<vmem>>, vector<16xf32>,
      %add3A_114 = arith.constant 48 : i32
      %add3A_115 = vector.broadcast %add3A_114 : i32 to vector<16xi32>
      %add3A_116 = arith.addi %add3A_115, %iota3A : vector<16xi32>
      %lt3A_117 = vector.broadcast %while3A_17#1 : i32 to vector<16xi32>
      %lt3A_118 = arith.cmpi slt, %add3A_116, %lt3A_117 : vector<16xi32>
      %get3A_119 = arith.constant 48 : index
      %get3A_120 = tpu.vector_load %arg14[%get3A_119] {strides = array<i32>} : memref<112xf32, #tpu.memory_space<vmem>>, vector<16xf32>,
      %select_n3A_121 = arith.select %lt3A_118, %get3A_120, %broadcast_in_dim3A_18 : vector<16xi1>, vector<16xf32>
      %swap3A_122 = arith.constant 160 : index
      %swap3A_123 = tpu.vector_load %arg19[%swap3A_122] {strides = array<i32>} : memref<672xf32, #tpu.memory_space<vmem>>, vector<16xf32>,
      tpu.vector_store %arg19[%swap3A_122], %select_n3A_121 {strides = array<i32>} : memref<672xf32, #tpu.memory_space<vmem>>, vector<16xf32>,
      %add3A_124 = arith.constant 64 : i32
      %add3A_125 = vector.broadcast %add3A_124 : i32 to vector<16xi32>
      %add3A_126 = arith.addi %add3A_125, %iota3A : vector<16xi32>
      %lt3A_127 = vector.broadcast %while3A_17#1 : i32 to vector<16xi32>
      %lt3A_128 = arith.cmpi slt, %add3A_126, %lt3A_127 : vector<16xi32>
      %get3A_129 = arith.constant 64 : index
      %get3A_130 = tpu.vector_load %arg14[%get3A_129] {strides = array<i32>} : memref<112xf32, #tpu.memory_space<vmem>>, vector<16xf32>,
      %select_n3A_131 = arith.select %lt3A_128, %get3A_130, %broadcast_in_dim3A_18 : vector<16xi1>, vector<16xf32>
      %swap3A_132 = arith.constant 176 : index
      %swap3A_133 = tpu.vector_load %arg19[%swap3A_132] {strides = array<i32>} : memref<672xf32, #tpu.memory_space<vmem>>, vector<16xf32>,
      tpu.vector_store %arg19[%swap3A_132], %select_n3A_131 {strides = array<i32>} : memref<672xf32, #tpu.memory_space<vmem>>, vector<16xf32>,
      %add3A_134 = arith.constant 80 : i32
      %add3A_135 = vector.broadcast %add3A_134 : i32 to vector<16xi32>
      %add3A_136 = arith.addi %add3A_135, %iota3A : vector<16xi32>
      %lt3A_137 = vector.broadcast %while3A_17#1 : i32 to vector<16xi32>
      %lt3A_138 = arith.cmpi slt, %add3A_136, %lt3A_137 : vector<16xi32>
      %get3A_139 = arith.constant 80 : index
      %get3A_140 = tpu.vector_load %arg14[%get3A_139] {strides = array<i32>} : memref<112xf32, #tpu.memory_space<vmem>>, vector<16xf32>,
      %select_n3A_141 = arith.select %lt3A_138, %get3A_140, %broadcast_in_dim3A_18 : vector<16xi1>, vector<16xf32>
      %swap3A_142 = arith.constant 192 : index
      %swap3A_143 = tpu.vector_load %arg19[%swap3A_142] {strides = array<i32>} : memref<672xf32, #tpu.memory_space<vmem>>, vector<16xf32>,
      tpu.vector_store %arg19[%swap3A_142], %select_n3A_141 {strides = array<i32>} : memref<672xf32, #tpu.memory_space<vmem>>, vector<16xf32>,
      %add3A_144 = arith.constant 96 : i32
      %add3A_145 = vector.broadcast %add3A_144 : i32 to vector<16xi32>
      %add3A_146 = arith.addi %add3A_145, %iota3A : vector<16xi32>
      %lt3A_147 = vector.broadcast %while3A_17#1 : i32 to vector<16xi32>
      %lt3A_148 = arith.cmpi slt, %add3A_146, %lt3A_147 : vector<16xi32>
      %get3A_149 = arith.constant 96 : index
      %get3A_150 = tpu.vector_load %arg14[%get3A_149] {strides = array<i32>} : memref<112xf32, #tpu.memory_space<vmem>>, vector<16xf32>,
      %select_n3A_151 = arith.select %lt3A_148, %get3A_150, %broadcast_in_dim3A_18 : vector<16xi1>, vector<16xf32>
      %swap3A_152 = arith.constant 208 : index
      %swap3A_153 = tpu.vector_load %arg19[%swap3A_152] {strides = array<i32>} : memref<672xf32, #tpu.memory_space<vmem>>, vector<16xf32>,
      tpu.vector_store %arg19[%swap3A_152], %select_n3A_151 {strides = array<i32>} : memref<672xf32, #tpu.memory_space<vmem>>, vector<16xf32>,
      %add3A_154 = arith.constant 0 : i32
      %add3A_155 = vector.broadcast %add3A_154 : i32 to vector<16xi32>
      %add3A_156 = arith.addi %add3A_155, %iota3A : vector<16xi32>
      %lt3A_157 = vector.broadcast %while3A_17#1 : i32 to vector<16xi32>
      %lt3A_158 = arith.cmpi slt, %add3A_156, %lt3A_157 : vector<16xi32>
      %get3A_159 = arith.constant 0 : index
      %get3A_160 = tpu.vector_load %arg15[%get3A_159] {strides = array<i32>} : memref<112xf32, #tpu.memory_space<vmem>>, vector<16xf32>,
      %select_n3A_161 = arith.select %lt3A_158, %get3A_160, %broadcast_in_dim3A_18 : vector<16xi1>, vector<16xf32>
      %swap3A_162 = arith.constant 224 : index
      %swap3A_163 = tpu.vector_load %arg19[%swap3A_162] {strides = array<i32>} : memref<672xf32, #tpu.memory_space<vmem>>, vector<16xf32>,
      tpu.vector_store %arg19[%swap3A_162], %select_n3A_161 {strides = array<i32>} : memref<672xf32, #tpu.memory_space<vmem>>, vector<16xf32>,
      %add3A_164 = arith.constant 16 : i32
      %add3A_165 = vector.broadcast %add3A_164 : i32 to vector<16xi32>
      %add3A_166 = arith.addi %add3A_165, %iota3A : vector<16xi32>
      %lt3A_167 = vector.broadcast %while3A_17#1 : i32 to vector<16xi32>
      %lt3A_168 = arith.cmpi slt, %add3A_166, %lt3A_167 : vector<16xi32>
      %get3A_169 = arith.constant 16 : index
      %get3A_170 = tpu.vector_load %arg15[%get3A_169] {strides = array<i32>} : memref<112xf32, #tpu.memory_space<vmem>>, vector<16xf32>,
      %select_n3A_171 = arith.select %lt3A_168, %get3A_170, %broadcast_in_dim3A_18 : vector<16xi1>, vector<16xf32>
      %swap3A_172 = arith.constant 240 : index
      %swap3A_173 = tpu.vector_load %arg19[%swap3A_172] {strides = array<i32>} : memref<672xf32, #tpu.memory_space<vmem>>, vector<16xf32>,
      tpu.vector_store %arg19[%swap3A_172], %select_n3A_171 {strides = array<i32>} : memref<672xf32, #tpu.memory_space<vmem>>, vector<16xf32>,
      %add3A_174 = arith.constant 32 : i32
      %add3A_175 = vector.broadcast %add3A_174 : i32 to vector<16xi32>
      %add3A_176 = arith.addi %add3A_175, %iota3A : vector<16xi32>
      %lt3A_177 = vector.broadcast %while3A_17#1 : i32 to vector<16xi32>
      %lt3A_178 = arith.cmpi slt, %add3A_176, %lt3A_177 : vector<16xi32>
      %get3A_179 = arith.constant 32 : index
      %get3A_180 = tpu.vector_load %arg15[%get3A_179] {strides = array<i32>} : memref<112xf32, #tpu.memory_space<vmem>>, vector<16xf32>,
      %select_n3A_181 = arith.select %lt3A_178, %get3A_180, %broadcast_in_dim3A_18 : vector<16xi1>, vector<16xf32>
      %swap3A_182 = arith.constant 256 : index
      %swap3A_183 = tpu.vector_load %arg19[%swap3A_182] {strides = array<i32>} : memref<672xf32, #tpu.memory_space<vmem>>, vector<16xf32>,
      tpu.vector_store %arg19[%swap3A_182], %select_n3A_181 {strides = array<i32>} : memref<672xf32, #tpu.memory_space<vmem>>, vector<16xf32>,
      %add3A_184 = arith.constant 48 : i32
      %add3A_185 = vector.broadcast %add3A_184 : i32 to vector<16xi32>
      %add3A_186 = arith.addi %add3A_185, %iota3A : vector<16xi32>
      %lt3A_187 = vector.broadcast %while3A_17#1 : i32 to vector<16xi32>
      %lt3A_188 = arith.cmpi slt, %add3A_186, %lt3A_187 : vector<16xi32>
      %get3A_189 = arith.constant 48 : index
      %get3A_190 = tpu.vector_load %arg15[%get3A_189] {strides = array<i32>} : memref<112xf32, #tpu.memory_space<vmem>>, vector<16xf32>,
      %select_n3A_191 = arith.select %lt3A_188, %get3A_190, %broadcast_in_dim3A_18 : vector<16xi1>, vector<16xf32>
      %swap3A_192 = arith.constant 272 : index
      %swap3A_193 = tpu.vector_load %arg19[%swap3A_192] {strides = array<i32>} : memref<672xf32, #tpu.memory_space<vmem>>, vector<16xf32>,
      tpu.vector_store %arg19[%swap3A_192], %select_n3A_191 {strides = array<i32>} : memref<672xf32, #tpu.memory_space<vmem>>, vector<16xf32>,
      %add3A_194 = arith.constant 64 : i32
      %add3A_195 = vector.broadcast %add3A_194 : i32 to vector<16xi32>
      %add3A_196 = arith.addi %add3A_195, %iota3A : vector<16xi32>
      %lt3A_197 = vector.broadcast %while3A_17#1 : i32 to vector<16xi32>
      %lt3A_198 = arith.cmpi slt, %add3A_196, %lt3A_197 : vector<16xi32>
      %get3A_199 = arith.constant 64 : index
      %get3A_200 = tpu.vector_load %arg15[%get3A_199] {strides = array<i32>} : memref<112xf32, #tpu.memory_space<vmem>>, vector<16xf32>,
      %select_n3A_201 = arith.select %lt3A_198, %get3A_200, %broadcast_in_dim3A_18 : vector<16xi1>, vector<16xf32>
      %swap3A_202 = arith.constant 288 : index
      %swap3A_203 = tpu.vector_load %arg19[%swap3A_202] {strides = array<i32>} : memref<672xf32, #tpu.memory_space<vmem>>, vector<16xf32>,
      tpu.vector_store %arg19[%swap3A_202], %select_n3A_201 {strides = array<i32>} : memref<672xf32, #tpu.memory_space<vmem>>, vector<16xf32>,
      %add3A_204 = arith.constant 80 : i32
      %add3A_205 = vector.broadcast %add3A_204 : i32 to vector<16xi32>
      %add3A_206 = arith.addi %add3A_205, %iota3A : vector<16xi32>
      %lt3A_207 = vector.broadcast %while3A_17#1 : i32 to vector<16xi32>
      %lt3A_208 = arith.cmpi slt, %add3A_206, %lt3A_207 : vector<16xi32>
      %get3A_209 = arith.constant 80 : index
      %get3A_210 = tpu.vector_load %arg15[%get3A_209] {strides = array<i32>} : memref<112xf32, #tpu.memory_space<vmem>>, vector<16xf32>,
      %select_n3A_211 = arith.select %lt3A_208, %get3A_210, %broadcast_in_dim3A_18 : vector<16xi1>, vector<16xf32>
      %swap3A_212 = arith.constant 304 : index
      %swap3A_213 = tpu.vector_load %arg19[%swap3A_212] {strides = array<i32>} : memref<672xf32, #tpu.memory_space<vmem>>, vector<16xf32>,
      tpu.vector_store %arg19[%swap3A_212], %select_n3A_211 {strides = array<i32>} : memref<672xf32, #tpu.memory_space<vmem>>, vector<16xf32>,
      %add3A_214 = arith.constant 96 : i32
      %add3A_215 = vector.broadcast %add3A_214 : i32 to vector<16xi32>
      %add3A_216 = arith.addi %add3A_215, %iota3A : vector<16xi32>
      %lt3A_217 = vector.broadcast %while3A_17#1 : i32 to vector<16xi32>
      %lt3A_218 = arith.cmpi slt, %add3A_216, %lt3A_217 : vector<16xi32>
      %get3A_219 = arith.constant 96 : index
      %get3A_220 = tpu.vector_load %arg15[%get3A_219] {strides = array<i32>} : memref<112xf32, #tpu.memory_space<vmem>>, vector<16xf32>,
      %select_n3A_221 = arith.select %lt3A_218, %get3A_220, %broadcast_in_dim3A_18 : vector<16xi1>, vector<16xf32>
      %swap3A_222 = arith.constant 320 : index
      %swap3A_223 = tpu.vector_load %arg19[%swap3A_222] {strides = array<i32>} : memref<672xf32, #tpu.memory_space<vmem>>, vector<16xf32>,
      tpu.vector_store %arg19[%swap3A_222], %select_n3A_221 {strides = array<i32>} : memref<672xf32, #tpu.memory_space<vmem>>, vector<16xf32>,
      %add3A_224 = arith.constant 0 : i32
      %add3A_225 = vector.broadcast %add3A_224 : i32 to vector<16xi32>
      %add3A_226 = arith.addi %add3A_225, %iota3A : vector<16xi32>
      %lt3A_227 = vector.broadcast %while3A_17#1 : i32 to vector<16xi32>
      %lt3A_228 = arith.cmpi slt, %add3A_226, %lt3A_227 : vector<16xi32>
      %get3A_229 = arith.constant 0 : index
      %get3A_230 = tpu.vector_load %arg16[%get3A_229] {strides = array<i32>} : memref<112xf32, #tpu.memory_space<vmem>>, vector<16xf32>,
      %select_n3A_231 = arith.select %lt3A_228, %get3A_230, %broadcast_in_dim3A_18 : vector<16xi1>, vector<16xf32>
      %swap3A_232 = arith.constant 336 : index
      %swap3A_233 = tpu.vector_load %arg19[%swap3A_232] {strides = array<i32>} : memref<672xf32, #tpu.memory_space<vmem>>, vector<16xf32>,
      tpu.vector_store %arg19[%swap3A_232], %select_n3A_231 {strides = array<i32>} : memref<672xf32, #tpu.memory_space<vmem>>, vector<16xf32>,
      %add3A_234 = arith.constant 16 : i32
      %add3A_235 = vector.broadcast %add3A_234 : i32 to vector<16xi32>
      %add3A_236 = arith.addi %add3A_235, %iota3A : vector<16xi32>
      %lt3A_237 = vector.broadcast %while3A_17#1 : i32 to vector<16xi32>
      %lt3A_238 = arith.cmpi slt, %add3A_236, %lt3A_237 : vector<16xi32>
      %get3A_239 = arith.constant 16 : index
      %get3A_240 = tpu.vector_load %arg16[%get3A_239] {strides = array<i32>} : memref<112xf32, #tpu.memory_space<vmem>>, vector<16xf32>,
      %select_n3A_241 = arith.select %lt3A_238, %get3A_240, %broadcast_in_dim3A_18 : vector<16xi1>, vector<16xf32>
      %swap3A_242 = arith.constant 352 : index
      %swap3A_243 = tpu.vector_load %arg19[%swap3A_242] {strides = array<i32>} : memref<672xf32, #tpu.memory_space<vmem>>, vector<16xf32>,
      tpu.vector_store %arg19[%swap3A_242], %select_n3A_241 {strides = array<i32>} : memref<672xf32, #tpu.memory_space<vmem>>, vector<16xf32>,
      %add3A_244 = arith.constant 32 : i32
      %add3A_245 = vector.broadcast %add3A_244 : i32 to vector<16xi32>
      %add3A_246 = arith.addi %add3A_245, %iota3A : vector<16xi32>
      %lt3A_247 = vector.broadcast %while3A_17#1 : i32 to vector<16xi32>
      %lt3A_248 = arith.cmpi slt, %add3A_246, %lt3A_247 : vector<16xi32>
      %get3A_249 = arith.constant 32 : index
      %get3A_250 = tpu.vector_load %arg16[%get3A_249] {strides = array<i32>} : memref<112xf32, #tpu.memory_space<vmem>>, vector<16xf32>,
      %select_n3A_251 = arith.select %lt3A_248, %get3A_250, %broadcast_in_dim3A_18 : vector<16xi1>, vector<16xf32>
      %swap3A_252 = arith.constant 368 : index
      %swap3A_253 = tpu.vector_load %arg19[%swap3A_252] {strides = array<i32>} : memref<672xf32, #tpu.memory_space<vmem>>, vector<16xf32>,
      tpu.vector_store %arg19[%swap3A_252], %select_n3A_251 {strides = array<i32>} : memref<672xf32, #tpu.memory_space<vmem>>, vector<16xf32>,
      %add3A_254 = arith.constant 48 : i32
      %add3A_255 = vector.broadcast %add3A_254 : i32 to vector<16xi32>
      %add3A_256 = arith.addi %add3A_255, %iota3A : vector<16xi32>
      %lt3A_257 = vector.broadcast %while3A_17#1 : i32 to vector<16xi32>
      %lt3A_258 = arith.cmpi slt, %add3A_256, %lt3A_257 : vector<16xi32>
      %get3A_259 = arith.constant 48 : index
      %get3A_260 = tpu.vector_load %arg16[%get3A_259] {strides = array<i32>} : memref<112xf32, #tpu.memory_space<vmem>>, vector<16xf32>,
      %select_n3A_261 = arith.select %lt3A_258, %get3A_260, %broadcast_in_dim3A_18 : vector<16xi1>, vector<16xf32>
      %swap3A_262 = arith.constant 384 : index
      %swap3A_263 = tpu.vector_load %arg19[%swap3A_262] {strides = array<i32>} : memref<672xf32, #tpu.memory_space<vmem>>, vector<16xf32>,
      tpu.vector_store %arg19[%swap3A_262], %select_n3A_261 {strides = array<i32>} : memref<672xf32, #tpu.memory_space<vmem>>, vector<16xf32>,
      %add3A_264 = arith.constant 64 : i32
      %add3A_265 = vector.broadcast %add3A_264 : i32 to vector<16xi32>
      %add3A_266 = arith.addi %add3A_265, %iota3A : vector<16xi32>
      %lt3A_267 = vector.broadcast %while3A_17#1 : i32 to vector<16xi32>
      %lt3A_268 = arith.cmpi slt, %add3A_266, %lt3A_267 : vector<16xi32>
      %get3A_269 = arith.constant 64 : index
      %get3A_270 = tpu.vector_load %arg16[%get3A_269] {strides = array<i32>} : memref<112xf32, #tpu.memory_space<vmem>>, vector<16xf32>,
      %select_n3A_271 = arith.select %lt3A_268, %get3A_270, %broadcast_in_dim3A_18 : vector<16xi1>, vector<16xf32>
      %swap3A_272 = arith.constant 400 : index
      %swap3A_273 = tpu.vector_load %arg19[%swap3A_272] {strides = array<i32>} : memref<672xf32, #tpu.memory_space<vmem>>, vector<16xf32>,
      tpu.vector_store %arg19[%swap3A_272], %select_n3A_271 {strides = array<i32>} : memref<672xf32, #tpu.memory_space<vmem>>, vector<16xf32>,
      %add3A_274 = arith.constant 80 : i32
      %add3A_275 = vector.broadcast %add3A_274 : i32 to vector<16xi32>
      %add3A_276 = arith.addi %add3A_275, %iota3A : vector<16xi32>
      %lt3A_277 = vector.broadcast %while3A_17#1 : i32 to vector<16xi32>
      %lt3A_278 = arith.cmpi slt, %add3A_276, %lt3A_277 : vector<16xi32>
      %get3A_279 = arith.constant 80 : index
      %get3A_280 = tpu.vector_load %arg16[%get3A_279] {strides = array<i32>} : memref<112xf32, #tpu.memory_space<vmem>>, vector<16xf32>,
      %select_n3A_281 = arith.select %lt3A_278, %get3A_280, %broadcast_in_dim3A_18 : vector<16xi1>, vector<16xf32>
      %swap3A_282 = arith.constant 416 : index
      %swap3A_283 = tpu.vector_load %arg19[%swap3A_282] {strides = array<i32>} : memref<672xf32, #tpu.memory_space<vmem>>, vector<16xf32>,
      tpu.vector_store %arg19[%swap3A_282], %select_n3A_281 {strides = array<i32>} : memref<672xf32, #tpu.memory_space<vmem>>, vector<16xf32>,
      %add3A_284 = arith.constant 96 : i32
      %add3A_285 = vector.broadcast %add3A_284 : i32 to vector<16xi32>
      %add3A_286 = arith.addi %add3A_285, %iota3A : vector<16xi32>
      %lt3A_287 = vector.broadcast %while3A_17#1 : i32 to vector<16xi32>
      %lt3A_288 = arith.cmpi slt, %add3A_286, %lt3A_287 : vector<16xi32>
      %get3A_289 = arith.constant 96 : index
      %get3A_290 = tpu.vector_load %arg16[%get3A_289] {strides = array<i32>} : memref<112xf32, #tpu.memory_space<vmem>>, vector<16xf32>,
      %select_n3A_291 = arith.select %lt3A_288, %get3A_290, %broadcast_in_dim3A_18 : vector<16xi1>, vector<16xf32>
      %swap3A_292 = arith.constant 432 : index
      %swap3A_293 = tpu.vector_load %arg19[%swap3A_292] {strides = array<i32>} : memref<672xf32, #tpu.memory_space<vmem>>, vector<16xf32>,
      tpu.vector_store %arg19[%swap3A_292], %select_n3A_291 {strides = array<i32>} : memref<672xf32, #tpu.memory_space<vmem>>, vector<16xf32>,
      %add3A_294 = arith.constant 0 : i32
      %add3A_295 = vector.broadcast %add3A_294 : i32 to vector<16xi32>
      %add3A_296 = arith.addi %add3A_295, %iota3A : vector<16xi32>
      %lt3A_297 = vector.broadcast %while3A_17#1 : i32 to vector<16xi32>
      %lt3A_298 = arith.cmpi slt, %add3A_296, %lt3A_297 : vector<16xi32>
      %get3A_299 = arith.constant 0 : index
      %get3A_300 = tpu.vector_load %arg17[%get3A_299] {strides = array<i32>} : memref<112xf32, #tpu.memory_space<vmem>>, vector<16xf32>,
      %select_n3A_301 = arith.select %lt3A_298, %get3A_300, %broadcast_in_dim3A_18 : vector<16xi1>, vector<16xf32>
      %swap3A_302 = arith.constant 448 : index
      %swap3A_303 = tpu.vector_load %arg19[%swap3A_302] {strides = array<i32>} : memref<672xf32, #tpu.memory_space<vmem>>, vector<16xf32>,
      tpu.vector_store %arg19[%swap3A_302], %select_n3A_301 {strides = array<i32>} : memref<672xf32, #tpu.memory_space<vmem>>, vector<16xf32>,
      %add3A_304 = arith.constant 16 : i32
      %add3A_305 = vector.broadcast %add3A_304 : i32 to vector<16xi32>
      %add3A_306 = arith.addi %add3A_305, %iota3A : vector<16xi32>
      %lt3A_307 = vector.broadcast %while3A_17#1 : i32 to vector<16xi32>
      %lt3A_308 = arith.cmpi slt, %add3A_306, %lt3A_307 : vector<16xi32>
      %get3A_309 = arith.constant 16 : index
      %get3A_310 = tpu.vector_load %arg17[%get3A_309] {strides = array<i32>} : memref<112xf32, #tpu.memory_space<vmem>>, vector<16xf32>,
      %select_n3A_311 = arith.select %lt3A_308, %get3A_310, %broadcast_in_dim3A_18 : vector<16xi1>, vector<16xf32>
      %swap3A_312 = arith.constant 464 : index
      %swap3A_313 = tpu.vector_load %arg19[%swap3A_312] {strides = array<i32>} : memref<672xf32, #tpu.memory_space<vmem>>, vector<16xf32>,
      tpu.vector_store %arg19[%swap3A_312], %select_n3A_311 {strides = array<i32>} : memref<672xf32, #tpu.memory_space<vmem>>, vector<16xf32>,
      %add3A_314 = arith.constant 32 : i32
      %add3A_315 = vector.broadcast %add3A_314 : i32 to vector<16xi32>
      %add3A_316 = arith.addi %add3A_315, %iota3A : vector<16xi32>
      %lt3A_317 = vector.broadcast %while3A_17#1 : i32 to vector<16xi32>
      %lt3A_318 = arith.cmpi slt, %add3A_316, %lt3A_317 : vector<16xi32>
      %get3A_319 = arith.constant 32 : index
      %get3A_320 = tpu.vector_load %arg17[%get3A_319] {strides = array<i32>} : memref<112xf32, #tpu.memory_space<vmem>>, vector<16xf32>,
      %select_n3A_321 = arith.select %lt3A_318, %get3A_320, %broadcast_in_dim3A_18 : vector<16xi1>, vector<16xf32>
      %swap3A_322 = arith.constant 480 : index
      %swap3A_323 = tpu.vector_load %arg19[%swap3A_322] {strides = array<i32>} : memref<672xf32, #tpu.memory_space<vmem>>, vector<16xf32>,
      tpu.vector_store %arg19[%swap3A_322], %select_n3A_321 {strides = array<i32>} : memref<672xf32, #tpu.memory_space<vmem>>, vector<16xf32>,
      %add3A_324 = arith.constant 48 : i32
      %add3A_325 = vector.broadcast %add3A_324 : i32 to vector<16xi32>
      %add3A_326 = arith.addi %add3A_325, %iota3A : vector<16xi32>
      %lt3A_327 = vector.broadcast %while3A_17#1 : i32 to vector<16xi32>
      %lt3A_328 = arith.cmpi slt, %add3A_326, %lt3A_327 : vector<16xi32>
      %get3A_329 = arith.constant 48 : index
      %get3A_330 = tpu.vector_load %arg17[%get3A_329] {strides = array<i32>} : memref<112xf32, #tpu.memory_space<vmem>>, vector<16xf32>,
      %select_n3A_331 = arith.select %lt3A_328, %get3A_330, %broadcast_in_dim3A_18 : vector<16xi1>, vector<16xf32>
      %swap3A_332 = arith.constant 496 : index
      %swap3A_333 = tpu.vector_load %arg19[%swap3A_332] {strides = array<i32>} : memref<672xf32, #tpu.memory_space<vmem>>, vector<16xf32>,
      tpu.vector_store %arg19[%swap3A_332], %select_n3A_331 {strides = array<i32>} : memref<672xf32, #tpu.memory_space<vmem>>, vector<16xf32>,
      %add3A_334 = arith.constant 64 : i32
      %add3A_335 = vector.broadcast %add3A_334 : i32 to vector<16xi32>
      %add3A_336 = arith.addi %add3A_335, %iota3A : vector<16xi32>
      %lt3A_337 = vector.broadcast %while3A_17#1 : i32 to vector<16xi32>
      %lt3A_338 = arith.cmpi slt, %add3A_336, %lt3A_337 : vector<16xi32>
      %get3A_339 = arith.constant 64 : index
      %get3A_340 = tpu.vector_load %arg17[%get3A_339] {strides = array<i32>} : memref<112xf32, #tpu.memory_space<vmem>>, vector<16xf32>,
      %select_n3A_341 = arith.select %lt3A_338, %get3A_340, %broadcast_in_dim3A_18 : vector<16xi1>, vector<16xf32>
      %swap3A_342 = arith.constant 512 : index
      %swap3A_343 = tpu.vector_load %arg19[%swap3A_342] {strides = array<i32>} : memref<672xf32, #tpu.memory_space<vmem>>, vector<16xf32>,
      tpu.vector_store %arg19[%swap3A_342], %select_n3A_341 {strides = array<i32>} : memref<672xf32, #tpu.memory_space<vmem>>, vector<16xf32>,
      %add3A_344 = arith.constant 80 : i32
      %add3A_345 = vector.broadcast %add3A_344 : i32 to vector<16xi32>
      %add3A_346 = arith.addi %add3A_345, %iota3A : vector<16xi32>
      %lt3A_347 = vector.broadcast %while3A_17#1 : i32 to vector<16xi32>
      %lt3A_348 = arith.cmpi slt, %add3A_346, %lt3A_347 : vector<16xi32>
      %get3A_349 = arith.constant 80 : index
      %get3A_350 = tpu.vector_load %arg17[%get3A_349] {strides = array<i32>} : memref<112xf32, #tpu.memory_space<vmem>>, vector<16xf32>,
      %select_n3A_351 = arith.select %lt3A_348, %get3A_350, %broadcast_in_dim3A_18 : vector<16xi1>, vector<16xf32>
      %swap3A_352 = arith.constant 528 : index
      %swap3A_353 = tpu.vector_load %arg19[%swap3A_352] {strides = array<i32>} : memref<672xf32, #tpu.memory_space<vmem>>, vector<16xf32>,
      tpu.vector_store %arg19[%swap3A_352], %select_n3A_351 {strides = array<i32>} : memref<672xf32, #tpu.memory_space<vmem>>, vector<16xf32>,
      %add3A_354 = arith.constant 96 : i32
      %add3A_355 = vector.broadcast %add3A_354 : i32 to vector<16xi32>
      %add3A_356 = arith.addi %add3A_355, %iota3A : vector<16xi32>
      %lt3A_357 = vector.broadcast %while3A_17#1 : i32 to vector<16xi32>
      %lt3A_358 = arith.cmpi slt, %add3A_356, %lt3A_357 : vector<16xi32>
      %get3A_359 = arith.constant 96 : index
      %get3A_360 = tpu.vector_load %arg17[%get3A_359] {strides = array<i32>} : memref<112xf32, #tpu.memory_space<vmem>>, vector<16xf32>,
      %select_n3A_361 = arith.select %lt3A_358, %get3A_360, %broadcast_in_dim3A_18 : vector<16xi1>, vector<16xf32>
      %swap3A_362 = arith.constant 544 : index
      %swap3A_363 = tpu.vector_load %arg19[%swap3A_362] {strides = array<i32>} : memref<672xf32, #tpu.memory_space<vmem>>, vector<16xf32>,
      tpu.vector_store %arg19[%swap3A_362], %select_n3A_361 {strides = array<i32>} : memref<672xf32, #tpu.memory_space<vmem>>, vector<16xf32>,
      %add3A_364 = arith.constant 0 : i32
      %add3A_365 = vector.broadcast %add3A_364 : i32 to vector<16xi32>
      %add3A_366 = arith.addi %add3A_365, %iota3A : vector<16xi32>
      %lt3A_367 = vector.broadcast %while3A_17#1 : i32 to vector<16xi32>
      %lt3A_368 = arith.cmpi slt, %add3A_366, %lt3A_367 : vector<16xi32>
      %jit3A = arith.constant 1.000000e+00 : f32
      %broadcast_in_dim3A_369 = vector.broadcast %jit3A : f32 to vector<16xf32>
      %select_n3A_370 = arith.select %lt3A_368, %broadcast_in_dim3A_369, %broadcast_in_dim3A_18 : vector<16xi1>, vector<16xf32>
      %swap3A_371 = arith.constant 560 : index
      %swap3A_372 = tpu.vector_load %arg19[%swap3A_371] {strides = array<i32>} : memref<672xf32, #tpu.memory_space<vmem>>, vector<16xf32>,
      tpu.vector_store %arg19[%swap3A_371], %select_n3A_370 {strides = array<i32>} : memref<672xf32, #tpu.memory_space<vmem>>, vector<16xf32>,
      %add3A_373 = arith.constant 16 : i32
      %add3A_374 = vector.broadcast %add3A_373 : i32 to vector<16xi32>
      %add3A_375 = arith.addi %add3A_374, %iota3A : vector<16xi32>
      %lt3A_376 = vector.broadcast %while3A_17#1 : i32 to vector<16xi32>
      %lt3A_377 = arith.cmpi slt, %add3A_375, %lt3A_376 : vector<16xi32>
      %jit3A_378 = arith.constant 1.000000e+00 : f32
      %broadcast_in_dim3A_379 = vector.broadcast %jit3A_378 : f32 to vector<16xf32>
      %select_n3A_380 = arith.select %lt3A_377, %broadcast_in_dim3A_379, %broadcast_in_dim3A_18 : vector<16xi1>, vector<16xf32>
      %swap3A_381 = arith.constant 576 : index
      %swap3A_382 = tpu.vector_load %arg19[%swap3A_381] {strides = array<i32>} : memref<672xf32, #tpu.memory_space<vmem>>, vector<16xf32>,
      tpu.vector_store %arg19[%swap3A_381], %select_n3A_380 {strides = array<i32>} : memref<672xf32, #tpu.memory_space<vmem>>, vector<16xf32>,
      %add3A_383 = arith.constant 32 : i32
      %add3A_384 = vector.broadcast %add3A_383 : i32 to vector<16xi32>
      %add3A_385 = arith.addi %add3A_384, %iota3A : vector<16xi32>
      %lt3A_386 = vector.broadcast %while3A_17#1 : i32 to vector<16xi32>
      %lt3A_387 = arith.cmpi slt, %add3A_385, %lt3A_386 : vector<16xi32>
      %jit3A_388 = arith.constant 1.000000e+00 : f32
      %broadcast_in_dim3A_389 = vector.broadcast %jit3A_388 : f32 to vector<16xf32>
      %select_n3A_390 = arith.select %lt3A_387, %broadcast_in_dim3A_389, %broadcast_in_dim3A_18 : vector<16xi1>, vector<16xf32>
      %swap3A_391 = arith.constant 592 : index
      %swap3A_392 = tpu.vector_load %arg19[%swap3A_391] {strides = array<i32>} : memref<672xf32, #tpu.memory_space<vmem>>, vector<16xf32>,
      tpu.vector_store %arg19[%swap3A_391], %select_n3A_390 {strides = array<i32>} : memref<672xf32, #tpu.memory_space<vmem>>, vector<16xf32>,
      %add3A_393 = arith.constant 48 : i32
      %add3A_394 = vector.broadcast %add3A_393 : i32 to vector<16xi32>
      %add3A_395 = arith.addi %add3A_394, %iota3A : vector<16xi32>
      %lt3A_396 = vector.broadcast %while3A_17#1 : i32 to vector<16xi32>
      %lt3A_397 = arith.cmpi slt, %add3A_395, %lt3A_396 : vector<16xi32>
      %jit3A_398 = arith.constant 1.000000e+00 : f32
      %broadcast_in_dim3A_399 = vector.broadcast %jit3A_398 : f32 to vector<16xf32>
      %select_n3A_400 = arith.select %lt3A_397, %broadcast_in_dim3A_399, %broadcast_in_dim3A_18 : vector<16xi1>, vector<16xf32>
      %swap3A_401 = arith.constant 608 : index
      %swap3A_402 = tpu.vector_load %arg19[%swap3A_401] {strides = array<i32>} : memref<672xf32, #tpu.memory_space<vmem>>, vector<16xf32>,
      tpu.vector_store %arg19[%swap3A_401], %select_n3A_400 {strides = array<i32>} : memref<672xf32, #tpu.memory_space<vmem>>, vector<16xf32>,
      %add3A_403 = arith.constant 64 : i32
      %add3A_404 = vector.broadcast %add3A_403 : i32 to vector<16xi32>
      %add3A_405 = arith.addi %add3A_404, %iota3A : vector<16xi32>
      %lt3A_406 = vector.broadcast %while3A_17#1 : i32 to vector<16xi32>
      %lt3A_407 = arith.cmpi slt, %add3A_405, %lt3A_406 : vector<16xi32>
      %jit3A_408 = arith.constant 1.000000e+00 : f32
      %broadcast_in_dim3A_409 = vector.broadcast %jit3A_408 : f32 to vector<16xf32>
      %select_n3A_410 = arith.select %lt3A_407, %broadcast_in_dim3A_409, %broadcast_in_dim3A_18 : vector<16xi1>, vector<16xf32>
      %swap3A_411 = arith.constant 624 : index
      %swap3A_412 = tpu.vector_load %arg19[%swap3A_411] {strides = array<i32>} : memref<672xf32, #tpu.memory_space<vmem>>, vector<16xf32>,
      tpu.vector_store %arg19[%swap3A_411], %select_n3A_410 {strides = array<i32>} : memref<672xf32, #tpu.memory_space<vmem>>, vector<16xf32>,
      %add3A_413 = arith.constant 80 : i32
      %add3A_414 = vector.broadcast %add3A_413 : i32 to vector<16xi32>
      %add3A_415 = arith.addi %add3A_414, %iota3A : vector<16xi32>
      %lt3A_416 = vector.broadcast %while3A_17#1 : i32 to vector<16xi32>
      %lt3A_417 = arith.cmpi slt, %add3A_415, %lt3A_416 : vector<16xi32>
      %jit3A_418 = arith.constant 1.000000e+00 : f32
      %broadcast_in_dim3A_419 = vector.broadcast %jit3A_418 : f32 to vector<16xf32>
      %select_n3A_420 = arith.select %lt3A_417, %broadcast_in_dim3A_419, %broadcast_in_dim3A_18 : vector<16xi1>, vector<16xf32>
      %swap3A_421 = arith.constant 640 : index
      %swap3A_422 = tpu.vector_load %arg19[%swap3A_421] {strides = array<i32>} : memref<672xf32, #tpu.memory_space<vmem>>, vector<16xf32>,
      tpu.vector_store %arg19[%swap3A_421], %select_n3A_420 {strides = array<i32>} : memref<672xf32, #tpu.memory_space<vmem>>, vector<16xf32>,
      %add3A_423 = arith.constant 96 : i32
      %add3A_424 = vector.broadcast %add3A_423 : i32 to vector<16xi32>
      %add3A_425 = arith.addi %add3A_424, %iota3A : vector<16xi32>
      %lt3A_426 = vector.broadcast %while3A_17#1 : i32 to vector<16xi32>
      %lt3A_427 = arith.cmpi slt, %add3A_425, %lt3A_426 : vector<16xi32>
      %jit3A_428 = arith.constant 1.000000e+00 : f32
      %broadcast_in_dim3A_429 = vector.broadcast %jit3A_428 : f32 to vector<16xf32>
      %select_n3A_430 = arith.select %lt3A_427, %broadcast_in_dim3A_429, %broadcast_in_dim3A_18 : vector<16xi1>, vector<16xf32>
      %swap3A_431 = arith.constant 656 : index
      %swap3A_432 = tpu.vector_load %arg19[%swap3A_431] {strides = array<i32>} : memref<672xf32, #tpu.memory_space<vmem>>, vector<16xf32>,
      tpu.vector_store %arg19[%swap3A_431], %select_n3A_430 {strides = array<i32>} : memref<672xf32, #tpu.memory_space<vmem>>, vector<16xf32>,
      "tpu.region"() ({
        %run_scoped3A_433 = tpu.sem_alloc : memref<!tpu.dma_semaphore, #tpu.memory_space<semaphore_mem>>
        tpu.enqueue_dma source(%arg19 : memref<672xf32, #tpu.memory_space<vmem>>) target(%arg4 : memref<672xf32, #tpu.memory_space<hbm>>) target_semaphore(%run_scoped3A_433 : memref<!tpu.dma_semaphore, #tpu.memory_space<semaphore_mem>>)
        tpu.wait_dma2 semaphore(%run_scoped3A_433 : memref<!tpu.dma_semaphore, #tpu.memory_space<semaphore_mem>>) src(%arg19 : memref<672xf32, #tpu.memory_space<vmem>>) dst(%arg4 : memref<672xf32, #tpu.memory_space<hbm>>)
        tpu.yield
      }) : () -> ()
    } else {
    }
    return
  }
}

#map = affine_map<(d0, d1) -> (0)>
#map1 = affine_map<(d0, d1) -> (0, 0)>
module attributes {stable_mosaic.version = 14 : i64} {
  func.func @_decode_body(%arg0: i32, %arg1: i32, %arg2: memref<20480xf32, #tpu.memory_space<hbm>>, %arg3: memref<20480xf32, #tpu.memory_space<hbm>>, %arg4: memref<20480xf32, #tpu.memory_space<hbm>>, %arg5: memref<20480xf32, #tpu.memory_space<hbm>>, %arg6: memref<20480xf32, #tpu.memory_space<hbm>>, %arg7: memref<20480xf32, #tpu.memory_space<hbm>>, %arg8: memref<20480xf32, #tpu.memory_space<hbm>>, %arg9: memref<20480xf32, #tpu.memory_space<hbm>>, %arg10: memref<20480xf32, #tpu.memory_space<hbm>>, %arg11: memref<6x20480xf32, #tpu.memory_space<hbm>>, %arg12: memref<1280xf32, #tpu.memory_space<hbm>>, %arg13: memref<640xf32, #tpu.memory_space<vmem>>, %arg14: memref<640xf32, #tpu.memory_space<vmem>>, %arg15: memref<640xf32, #tpu.memory_space<vmem>>, %arg16: memref<640xf32, #tpu.memory_space<vmem>>, %arg17: memref<640xf32, #tpu.memory_space<vmem>>, %arg18: memref<640xf32, #tpu.memory_space<vmem>>, %arg19: memref<640xf32, #tpu.memory_space<vmem>>, %arg20: memref<640xf32, #tpu.memory_space<vmem>>, %arg21: memref<640xf32, #tpu.memory_space<vmem>>, %arg22: memref<640xf32, #tpu.memory_space<vmem>>, %arg23: memref<640xf32, #tpu.memory_space<vmem>>, %arg24: memref<640xf32, #tpu.memory_space<vmem>>, %arg25: memref<640xf32, #tpu.memory_space<vmem>>, %arg26: memref<640xf32, #tpu.memory_space<vmem>>, %arg27: memref<640xf32, #tpu.memory_space<vmem>>, %arg28: memref<48xf32, #tpu.memory_space<vmem>>) attributes {dimension_semantics = [#tpu.dimension_semantics<core_parallel>, #tpu.dimension_semantics<subcore_parallel>], iteration_bounds = array<i64: 2, 16>, scalar_prefetch = 0 : i64, scratch_operands = 16 : i64, tpu.core_type = #tpu.core_type<sc_vector_subcore>, window_params = [{transform_indices = #map}, {transform_indices = #map}, {transform_indices = #map}, {transform_indices = #map}, {transform_indices = #map}, {transform_indices = #map}, {transform_indices = #map}, {transform_indices = #map}, {transform_indices = #map}, {transform_indices = #map1}, {transform_indices = #map}]} {
    %mul3A = arith.constant 2 : i32
    %mul3A_0 = arith.muli %arg1, %mul3A : i32
    %add3A = arith.addi %mul3A_0, %arg0 : i32
    %mul3A_1 = arith.constant 640 : i32
    %mul3A_2 = arith.muli %add3A, %mul3A_1 : i32
    %multiple_of3A = tpu.assume_multiple %mul3A_2, 8 : i32
    "tpu.region"() ({
      %run_scoped3A_462 = tpu.sem_alloc : memref<!tpu.dma_semaphore, #tpu.memory_space<semaphore_mem>>
      %dma_start3A = tpu.memref_slice %arg2[%multiple_of3A] : memref<20480xf32, #tpu.memory_space<hbm>> -> memref<640xf32, #tpu.memory_space<hbm>>
      %dma_start3A_463 = tpu.memref_slice %arg2[%multiple_of3A] : memref<20480xf32, #tpu.memory_space<hbm>> -> memref<640xf32, #tpu.memory_space<hbm>>
      tpu.enqueue_dma source(%dma_start3A_463 : memref<640xf32, #tpu.memory_space<hbm>>) target(%arg13 : memref<640xf32, #tpu.memory_space<vmem>>) target_semaphore(%run_scoped3A_462 : memref<!tpu.dma_semaphore, #tpu.memory_space<semaphore_mem>>)
      %dma_wait3A = tpu.memref_slice %arg2[%multiple_of3A] : memref<20480xf32, #tpu.memory_space<hbm>> -> memref<640xf32, #tpu.memory_space<hbm>>
      %dma_wait3A_464 = tpu.memref_slice %arg2[%multiple_of3A] : memref<20480xf32, #tpu.memory_space<hbm>> -> memref<640xf32, #tpu.memory_space<hbm>>
      tpu.wait_dma2 semaphore(%run_scoped3A_462 : memref<!tpu.dma_semaphore, #tpu.memory_space<semaphore_mem>>) src(%dma_wait3A_464 : memref<640xf32, #tpu.memory_space<hbm>>) dst(%arg13 : memref<640xf32, #tpu.memory_space<vmem>>)
      tpu.yield
    }) : () -> ()
    "tpu.region"() ({
      %run_scoped3A_462 = tpu.sem_alloc : memref<!tpu.dma_semaphore, #tpu.memory_space<semaphore_mem>>
      %dma_start3A = tpu.memref_slice %arg3[%multiple_of3A] : memref<20480xf32, #tpu.memory_space<hbm>> -> memref<640xf32, #tpu.memory_space<hbm>>
      %dma_start3A_463 = tpu.memref_slice %arg3[%multiple_of3A] : memref<20480xf32, #tpu.memory_space<hbm>> -> memref<640xf32, #tpu.memory_space<hbm>>
      tpu.enqueue_dma source(%dma_start3A_463 : memref<640xf32, #tpu.memory_space<hbm>>) target(%arg14 : memref<640xf32, #tpu.memory_space<vmem>>) target_semaphore(%run_scoped3A_462 : memref<!tpu.dma_semaphore, #tpu.memory_space<semaphore_mem>>)
      %dma_wait3A = tpu.memref_slice %arg3[%multiple_of3A] : memref<20480xf32, #tpu.memory_space<hbm>> -> memref<640xf32, #tpu.memory_space<hbm>>
      %dma_wait3A_464 = tpu.memref_slice %arg3[%multiple_of3A] : memref<20480xf32, #tpu.memory_space<hbm>> -> memref<640xf32, #tpu.memory_space<hbm>>
      tpu.wait_dma2 semaphore(%run_scoped3A_462 : memref<!tpu.dma_semaphore, #tpu.memory_space<semaphore_mem>>) src(%dma_wait3A_464 : memref<640xf32, #tpu.memory_space<hbm>>) dst(%arg14 : memref<640xf32, #tpu.memory_space<vmem>>)
      tpu.yield
    }) : () -> ()
    "tpu.region"() ({
      %run_scoped3A_462 = tpu.sem_alloc : memref<!tpu.dma_semaphore, #tpu.memory_space<semaphore_mem>>
      %dma_start3A = tpu.memref_slice %arg4[%multiple_of3A] : memref<20480xf32, #tpu.memory_space<hbm>> -> memref<640xf32, #tpu.memory_space<hbm>>
      %dma_start3A_463 = tpu.memref_slice %arg4[%multiple_of3A] : memref<20480xf32, #tpu.memory_space<hbm>> -> memref<640xf32, #tpu.memory_space<hbm>>
      tpu.enqueue_dma source(%dma_start3A_463 : memref<640xf32, #tpu.memory_space<hbm>>) target(%arg15 : memref<640xf32, #tpu.memory_space<vmem>>) target_semaphore(%run_scoped3A_462 : memref<!tpu.dma_semaphore, #tpu.memory_space<semaphore_mem>>)
      %dma_wait3A = tpu.memref_slice %arg4[%multiple_of3A] : memref<20480xf32, #tpu.memory_space<hbm>> -> memref<640xf32, #tpu.memory_space<hbm>>
      %dma_wait3A_464 = tpu.memref_slice %arg4[%multiple_of3A] : memref<20480xf32, #tpu.memory_space<hbm>> -> memref<640xf32, #tpu.memory_space<hbm>>
      tpu.wait_dma2 semaphore(%run_scoped3A_462 : memref<!tpu.dma_semaphore, #tpu.memory_space<semaphore_mem>>) src(%dma_wait3A_464 : memref<640xf32, #tpu.memory_space<hbm>>) dst(%arg15 : memref<640xf32, #tpu.memory_space<vmem>>)
      tpu.yield
    }) : () -> ()
    "tpu.region"() ({
      %run_scoped3A_462 = tpu.sem_alloc : memref<!tpu.dma_semaphore, #tpu.memory_space<semaphore_mem>>
      %dma_start3A = tpu.memref_slice %arg5[%multiple_of3A] : memref<20480xf32, #tpu.memory_space<hbm>> -> memref<640xf32, #tpu.memory_space<hbm>>
      %dma_start3A_463 = tpu.memref_slice %arg5[%multiple_of3A] : memref<20480xf32, #tpu.memory_space<hbm>> -> memref<640xf32, #tpu.memory_space<hbm>>
      tpu.enqueue_dma source(%dma_start3A_463 : memref<640xf32, #tpu.memory_space<hbm>>) target(%arg16 : memref<640xf32, #tpu.memory_space<vmem>>) target_semaphore(%run_scoped3A_462 : memref<!tpu.dma_semaphore, #tpu.memory_space<semaphore_mem>>)
      %dma_wait3A = tpu.memref_slice %arg5[%multiple_of3A] : memref<20480xf32, #tpu.memory_space<hbm>> -> memref<640xf32, #tpu.memory_space<hbm>>
      %dma_wait3A_464 = tpu.memref_slice %arg5[%multiple_of3A] : memref<20480xf32, #tpu.memory_space<hbm>> -> memref<640xf32, #tpu.memory_space<hbm>>
      tpu.wait_dma2 semaphore(%run_scoped3A_462 : memref<!tpu.dma_semaphore, #tpu.memory_space<semaphore_mem>>) src(%dma_wait3A_464 : memref<640xf32, #tpu.memory_space<hbm>>) dst(%arg16 : memref<640xf32, #tpu.memory_space<vmem>>)
      tpu.yield
    }) : () -> ()
    "tpu.region"() ({
      %run_scoped3A_462 = tpu.sem_alloc : memref<!tpu.dma_semaphore, #tpu.memory_space<semaphore_mem>>
      %dma_start3A = tpu.memref_slice %arg6[%multiple_of3A] : memref<20480xf32, #tpu.memory_space<hbm>> -> memref<640xf32, #tpu.memory_space<hbm>>
      %dma_start3A_463 = tpu.memref_slice %arg6[%multiple_of3A] : memref<20480xf32, #tpu.memory_space<hbm>> -> memref<640xf32, #tpu.memory_space<hbm>>
      tpu.enqueue_dma source(%dma_start3A_463 : memref<640xf32, #tpu.memory_space<hbm>>) target(%arg17 : memref<640xf32, #tpu.memory_space<vmem>>) target_semaphore(%run_scoped3A_462 : memref<!tpu.dma_semaphore, #tpu.memory_space<semaphore_mem>>)
      %dma_wait3A = tpu.memref_slice %arg6[%multiple_of3A] : memref<20480xf32, #tpu.memory_space<hbm>> -> memref<640xf32, #tpu.memory_space<hbm>>
      %dma_wait3A_464 = tpu.memref_slice %arg6[%multiple_of3A] : memref<20480xf32, #tpu.memory_space<hbm>> -> memref<640xf32, #tpu.memory_space<hbm>>
      tpu.wait_dma2 semaphore(%run_scoped3A_462 : memref<!tpu.dma_semaphore, #tpu.memory_space<semaphore_mem>>) src(%dma_wait3A_464 : memref<640xf32, #tpu.memory_space<hbm>>) dst(%arg17 : memref<640xf32, #tpu.memory_space<vmem>>)
      tpu.yield
    }) : () -> ()
    "tpu.region"() ({
      %run_scoped3A_462 = tpu.sem_alloc : memref<!tpu.dma_semaphore, #tpu.memory_space<semaphore_mem>>
      %dma_start3A = tpu.memref_slice %arg7[%multiple_of3A] : memref<20480xf32, #tpu.memory_space<hbm>> -> memref<640xf32, #tpu.memory_space<hbm>>
      %dma_start3A_463 = tpu.memref_slice %arg7[%multiple_of3A] : memref<20480xf32, #tpu.memory_space<hbm>> -> memref<640xf32, #tpu.memory_space<hbm>>
      tpu.enqueue_dma source(%dma_start3A_463 : memref<640xf32, #tpu.memory_space<hbm>>) target(%arg18 : memref<640xf32, #tpu.memory_space<vmem>>) target_semaphore(%run_scoped3A_462 : memref<!tpu.dma_semaphore, #tpu.memory_space<semaphore_mem>>)
      %dma_wait3A = tpu.memref_slice %arg7[%multiple_of3A] : memref<20480xf32, #tpu.memory_space<hbm>> -> memref<640xf32, #tpu.memory_space<hbm>>
      %dma_wait3A_464 = tpu.memref_slice %arg7[%multiple_of3A] : memref<20480xf32, #tpu.memory_space<hbm>> -> memref<640xf32, #tpu.memory_space<hbm>>
      tpu.wait_dma2 semaphore(%run_scoped3A_462 : memref<!tpu.dma_semaphore, #tpu.memory_space<semaphore_mem>>) src(%dma_wait3A_464 : memref<640xf32, #tpu.memory_space<hbm>>) dst(%arg18 : memref<640xf32, #tpu.memory_space<vmem>>)
      tpu.yield
    }) : () -> ()
    "tpu.region"() ({
      %run_scoped3A_462 = tpu.sem_alloc : memref<!tpu.dma_semaphore, #tpu.memory_space<semaphore_mem>>
      %dma_start3A = tpu.memref_slice %arg8[%multiple_of3A] : memref<20480xf32, #tpu.memory_space<hbm>> -> memref<640xf32, #tpu.memory_space<hbm>>
      %dma_start3A_463 = tpu.memref_slice %arg8[%multiple_of3A] : memref<20480xf32, #tpu.memory_space<hbm>> -> memref<640xf32, #tpu.memory_space<hbm>>
      tpu.enqueue_dma source(%dma_start3A_463 : memref<640xf32, #tpu.memory_space<hbm>>) target(%arg19 : memref<640xf32, #tpu.memory_space<vmem>>) target_semaphore(%run_scoped3A_462 : memref<!tpu.dma_semaphore, #tpu.memory_space<semaphore_mem>>)
      %dma_wait3A = tpu.memref_slice %arg8[%multiple_of3A] : memref<20480xf32, #tpu.memory_space<hbm>> -> memref<640xf32, #tpu.memory_space<hbm>>
      %dma_wait3A_464 = tpu.memref_slice %arg8[%multiple_of3A] : memref<20480xf32, #tpu.memory_space<hbm>> -> memref<640xf32, #tpu.memory_space<hbm>>
      tpu.wait_dma2 semaphore(%run_scoped3A_462 : memref<!tpu.dma_semaphore, #tpu.memory_space<semaphore_mem>>) src(%dma_wait3A_464 : memref<640xf32, #tpu.memory_space<hbm>>) dst(%arg19 : memref<640xf32, #tpu.memory_space<vmem>>)
      tpu.yield
    }) : () -> ()
    "tpu.region"() ({
      %run_scoped3A_462 = tpu.sem_alloc : memref<!tpu.dma_semaphore, #tpu.memory_space<semaphore_mem>>
      %dma_start3A = tpu.memref_slice %arg9[%multiple_of3A] : memref<20480xf32, #tpu.memory_space<hbm>> -> memref<640xf32, #tpu.memory_space<hbm>>
      %dma_start3A_463 = tpu.memref_slice %arg9[%multiple_of3A] : memref<20480xf32, #tpu.memory_space<hbm>> -> memref<640xf32, #tpu.memory_space<hbm>>
      tpu.enqueue_dma source(%dma_start3A_463 : memref<640xf32, #tpu.memory_space<hbm>>) target(%arg20 : memref<640xf32, #tpu.memory_space<vmem>>) target_semaphore(%run_scoped3A_462 : memref<!tpu.dma_semaphore, #tpu.memory_space<semaphore_mem>>)
      %dma_wait3A = tpu.memref_slice %arg9[%multiple_of3A] : memref<20480xf32, #tpu.memory_space<hbm>> -> memref<640xf32, #tpu.memory_space<hbm>>
      %dma_wait3A_464 = tpu.memref_slice %arg9[%multiple_of3A] : memref<20480xf32, #tpu.memory_space<hbm>> -> memref<640xf32, #tpu.memory_space<hbm>>
      tpu.wait_dma2 semaphore(%run_scoped3A_462 : memref<!tpu.dma_semaphore, #tpu.memory_space<semaphore_mem>>) src(%dma_wait3A_464 : memref<640xf32, #tpu.memory_space<hbm>>) dst(%arg20 : memref<640xf32, #tpu.memory_space<vmem>>)
      tpu.yield
    }) : () -> ()
    "tpu.region"() ({
      %run_scoped3A_462 = tpu.sem_alloc : memref<!tpu.dma_semaphore, #tpu.memory_space<semaphore_mem>>
      %dma_start3A = tpu.memref_slice %arg10[%multiple_of3A] : memref<20480xf32, #tpu.memory_space<hbm>> -> memref<640xf32, #tpu.memory_space<hbm>>
      %dma_start3A_463 = tpu.memref_slice %arg10[%multiple_of3A] : memref<20480xf32, #tpu.memory_space<hbm>> -> memref<640xf32, #tpu.memory_space<hbm>>
      tpu.enqueue_dma source(%dma_start3A_463 : memref<640xf32, #tpu.memory_space<hbm>>) target(%arg21 : memref<640xf32, #tpu.memory_space<vmem>>) target_semaphore(%run_scoped3A_462 : memref<!tpu.dma_semaphore, #tpu.memory_space<semaphore_mem>>)
      %dma_wait3A = tpu.memref_slice %arg10[%multiple_of3A] : memref<20480xf32, #tpu.memory_space<hbm>> -> memref<640xf32, #tpu.memory_space<hbm>>
      %dma_wait3A_464 = tpu.memref_slice %arg10[%multiple_of3A] : memref<20480xf32, #tpu.memory_space<hbm>> -> memref<640xf32, #tpu.memory_space<hbm>>
      tpu.wait_dma2 semaphore(%run_scoped3A_462 : memref<!tpu.dma_semaphore, #tpu.memory_space<semaphore_mem>>) src(%dma_wait3A_464 : memref<640xf32, #tpu.memory_space<hbm>>) dst(%arg21 : memref<640xf32, #tpu.memory_space<vmem>>)
      tpu.yield
    }) : () -> ()
    %scan3A = arith.constant 0 : i32
    %scan3A_3 = arith.constant 0 : i32
    %scan3A_4 = arith.constant 40 : i32
    %scan3A_5 = arith.addi %scan3A_3, %scan3A_4 : i32
    %scan3A_6 = arith.constant 1 : i32
    scf.for %scan3A_462 = %scan3A_3 to %scan3A_5 step %scan3A_6  : i32 {
      %mul3A_463 = arith.constant 16 : i32
      %mul3A_464 = arith.muli %scan3A_462, %mul3A_463 : i32
      %get3A_465 = arith.index_cast %mul3A_464 : i32 to index
      %get3A_466 = tpu.vector_load %arg13[%get3A_465] {strides = array<i32>} : memref<640xf32, #tpu.memory_space<vmem>>, vector<16xf32>,
      %mul3A_467 = arith.constant 4.000000e+00 : f32
      %mul3A_468 = vector.broadcast %mul3A_467 : f32 to vector<16xf32>
      %mul3A_469 = arith.mulf %get3A_466, %mul3A_468 : vector<16xf32>
      %convert_element_type3A = arith.fptosi %mul3A_469 : vector<16xf32> to vector<16xi32>
      %convert_element_type3A_470 = arith.sitofp %convert_element_type3A : vector<16xi32> to vector<16xf32>
      %sub3A = arith.subf %mul3A_469, %convert_element_type3A_470 : vector<16xf32>
      %gt3A = arith.constant 5.000000e-01 : f32
      %gt3A_471 = vector.broadcast %gt3A : f32 to vector<16xf32>
      %gt3A_472 = arith.cmpf ogt, %sub3A, %gt3A_471 : vector<16xf32>
      %eq3A_473 = arith.constant 5.000000e-01 : f32
      %eq3A_474 = vector.broadcast %eq3A_473 : f32 to vector<16xf32>
      %eq3A_475 = arith.cmpf oeq, %sub3A, %eq3A_474 : vector<16xf32>
      %and3A = arith.constant 1 : i32
      %and3A_476 = vector.broadcast %and3A : i32 to vector<16xi32>
      %and3A_477 = arith.andi %convert_element_type3A, %and3A_476 : vector<16xi32>
      %eq3A_478 = arith.constant 1 : i32
      %eq3A_479 = vector.broadcast %eq3A_478 : i32 to vector<16xi32>
      %eq3A_480 = arith.cmpi eq, %and3A_477, %eq3A_479 : vector<16xi32>
      %and3A_481 = arith.andi %eq3A_475, %eq3A_480 : vector<16xi1>
      %or3A = arith.ori %gt3A_472, %and3A_481 : vector<16xi1>
      %add3A_482 = arith.constant 1 : i32
      %add3A_483 = vector.broadcast %add3A_482 : i32 to vector<16xi32>
      %add3A_484 = arith.addi %convert_element_type3A, %add3A_483 : vector<16xi32>
      %select_n3A_485 = arith.select %or3A, %add3A_484, %convert_element_type3A : vector<16xi1>, vector<16xi32>
      %convert_element_type3A_486 = arith.sitofp %select_n3A_485 : vector<16xi32> to vector<16xf32>
      %jit3A = arith.constant -3.276800e+04 : f32
      %jit3A_487 = arith.constant 3.276700e+04 : f32
      %max3A = vector.broadcast %jit3A : f32 to vector<16xf32>
      %max3A_488 = arith.maximumf %max3A, %convert_element_type3A_486 : vector<16xf32>
      %min3A = vector.broadcast %jit3A_487 : f32 to vector<16xf32>
      %min3A_489 = arith.minimumf %min3A, %max3A_488 : vector<16xf32>
      %mul3A_490 = arith.constant 2.500000e-01 : f32
      %mul3A_491 = vector.broadcast %mul3A_490 : f32 to vector<16xf32>
      %mul3A_492 = arith.mulf %min3A_489, %mul3A_491 : vector<16xf32>
      %get3A_493 = arith.index_cast %mul3A_464 : i32 to index
      %get3A_494 = tpu.vector_load %arg14[%get3A_493] {strides = array<i32>} : memref<640xf32, #tpu.memory_space<vmem>>, vector<16xf32>,
      %mul3A_495 = arith.constant 4.000000e+00 : f32
      %mul3A_496 = vector.broadcast %mul3A_495 : f32 to vector<16xf32>
      %mul3A_497 = arith.mulf %get3A_494, %mul3A_496 : vector<16xf32>
      %convert_element_type3A_498 = arith.fptosi %mul3A_497 : vector<16xf32> to vector<16xi32>
      %convert_element_type3A_499 = arith.sitofp %convert_element_type3A_498 : vector<16xi32> to vector<16xf32>
      %sub3A_500 = arith.subf %mul3A_497, %convert_element_type3A_499 : vector<16xf32>
      %gt3A_501 = arith.constant 5.000000e-01 : f32
      %gt3A_502 = vector.broadcast %gt3A_501 : f32 to vector<16xf32>
      %gt3A_503 = arith.cmpf ogt, %sub3A_500, %gt3A_502 : vector<16xf32>
      %eq3A_504 = arith.constant 5.000000e-01 : f32
      %eq3A_505 = vector.broadcast %eq3A_504 : f32 to vector<16xf32>
      %eq3A_506 = arith.cmpf oeq, %sub3A_500, %eq3A_505 : vector<16xf32>
      %and3A_507 = arith.constant 1 : i32
      %and3A_508 = vector.broadcast %and3A_507 : i32 to vector<16xi32>
      %and3A_509 = arith.andi %convert_element_type3A_498, %and3A_508 : vector<16xi32>
      %eq3A_510 = arith.constant 1 : i32
      %eq3A_511 = vector.broadcast %eq3A_510 : i32 to vector<16xi32>
      %eq3A_512 = arith.cmpi eq, %and3A_509, %eq3A_511 : vector<16xi32>
      %and3A_513 = arith.andi %eq3A_506, %eq3A_512 : vector<16xi1>
      %or3A_514 = arith.ori %gt3A_503, %and3A_513 : vector<16xi1>
      %add3A_515 = arith.constant 1 : i32
      %add3A_516 = vector.broadcast %add3A_515 : i32 to vector<16xi32>
      %add3A_517 = arith.addi %convert_element_type3A_498, %add3A_516 : vector<16xi32>
      %select_n3A_518 = arith.select %or3A_514, %add3A_517, %convert_element_type3A_498 : vector<16xi1>, vector<16xi32>
      %convert_element_type3A_519 = arith.sitofp %select_n3A_518 : vector<16xi32> to vector<16xf32>
      %jit3A_520 = arith.constant -3.276800e+04 : f32
      %jit3A_521 = arith.constant 3.276700e+04 : f32
      %max3A_522 = vector.broadcast %jit3A_520 : f32 to vector<16xf32>
      %max3A_523 = arith.maximumf %max3A_522, %convert_element_type3A_519 : vector<16xf32>
      %min3A_524 = vector.broadcast %jit3A_521 : f32 to vector<16xf32>
      %min3A_525 = arith.minimumf %min3A_524, %max3A_523 : vector<16xf32>
      %mul3A_526 = arith.constant 2.500000e-01 : f32
      %mul3A_527 = vector.broadcast %mul3A_526 : f32 to vector<16xf32>
      %mul3A_528 = arith.mulf %min3A_525, %mul3A_527 : vector<16xf32>
      %get3A_529 = arith.index_cast %mul3A_464 : i32 to index
      %get3A_530 = tpu.vector_load %arg15[%get3A_529] {strides = array<i32>} : memref<640xf32, #tpu.memory_space<vmem>>, vector<16xf32>,
      %mul3A_531 = arith.constant 4.000000e+00 : f32
      %mul3A_532 = vector.broadcast %mul3A_531 : f32 to vector<16xf32>
      %mul3A_533 = arith.mulf %get3A_530, %mul3A_532 : vector<16xf32>
      %convert_element_type3A_534 = arith.fptosi %mul3A_533 : vector<16xf32> to vector<16xi32>
      %convert_element_type3A_535 = arith.sitofp %convert_element_type3A_534 : vector<16xi32> to vector<16xf32>
      %sub3A_536 = arith.subf %mul3A_533, %convert_element_type3A_535 : vector<16xf32>
      %gt3A_537 = arith.constant 5.000000e-01 : f32
      %gt3A_538 = vector.broadcast %gt3A_537 : f32 to vector<16xf32>
      %gt3A_539 = arith.cmpf ogt, %sub3A_536, %gt3A_538 : vector<16xf32>
      %eq3A_540 = arith.constant 5.000000e-01 : f32
      %eq3A_541 = vector.broadcast %eq3A_540 : f32 to vector<16xf32>
      %eq3A_542 = arith.cmpf oeq, %sub3A_536, %eq3A_541 : vector<16xf32>
      %and3A_543 = arith.constant 1 : i32
      %and3A_544 = vector.broadcast %and3A_543 : i32 to vector<16xi32>
      %and3A_545 = arith.andi %convert_element_type3A_534, %and3A_544 : vector<16xi32>
      %eq3A_546 = arith.constant 1 : i32
      %eq3A_547 = vector.broadcast %eq3A_546 : i32 to vector<16xi32>
      %eq3A_548 = arith.cmpi eq, %and3A_545, %eq3A_547 : vector<16xi32>
      %and3A_549 = arith.andi %eq3A_542, %eq3A_548 : vector<16xi1>
      %or3A_550 = arith.ori %gt3A_539, %and3A_549 : vector<16xi1>
      %add3A_551 = arith.constant 1 : i32
      %add3A_552 = vector.broadcast %add3A_551 : i32 to vector<16xi32>
      %add3A_553 = arith.addi %convert_element_type3A_534, %add3A_552 : vector<16xi32>
      %select_n3A_554 = arith.select %or3A_550, %add3A_553, %convert_element_type3A_534 : vector<16xi1>, vector<16xi32>
      %convert_element_type3A_555 = arith.sitofp %select_n3A_554 : vector<16xi32> to vector<16xf32>
      %jit3A_556 = arith.constant -3.276800e+04 : f32
      %jit3A_557 = arith.constant 3.276700e+04 : f32
      %max3A_558 = vector.broadcast %jit3A_556 : f32 to vector<16xf32>
      %max3A_559 = arith.maximumf %max3A_558, %convert_element_type3A_555 : vector<16xf32>
      %min3A_560 = vector.broadcast %jit3A_557 : f32 to vector<16xf32>
      %min3A_561 = arith.minimumf %min3A_560, %max3A_559 : vector<16xf32>
      %mul3A_562 = arith.constant 2.500000e-01 : f32
      %mul3A_563 = vector.broadcast %mul3A_562 : f32 to vector<16xf32>
      %mul3A_564 = arith.mulf %min3A_561, %mul3A_563 : vector<16xf32>
      %get3A_565 = arith.index_cast %mul3A_464 : i32 to index
      %get3A_566 = tpu.vector_load %arg16[%get3A_565] {strides = array<i32>} : memref<640xf32, #tpu.memory_space<vmem>>, vector<16xf32>,
      %mul3A_567 = arith.constant 4.000000e+00 : f32
      %mul3A_568 = vector.broadcast %mul3A_567 : f32 to vector<16xf32>
      %mul3A_569 = arith.mulf %get3A_566, %mul3A_568 : vector<16xf32>
      %convert_element_type3A_570 = arith.fptosi %mul3A_569 : vector<16xf32> to vector<16xi32>
      %convert_element_type3A_571 = arith.sitofp %convert_element_type3A_570 : vector<16xi32> to vector<16xf32>
      %sub3A_572 = arith.subf %mul3A_569, %convert_element_type3A_571 : vector<16xf32>
      %gt3A_573 = arith.constant 5.000000e-01 : f32
      %gt3A_574 = vector.broadcast %gt3A_573 : f32 to vector<16xf32>
      %gt3A_575 = arith.cmpf ogt, %sub3A_572, %gt3A_574 : vector<16xf32>
      %eq3A_576 = arith.constant 5.000000e-01 : f32
      %eq3A_577 = vector.broadcast %eq3A_576 : f32 to vector<16xf32>
      %eq3A_578 = arith.cmpf oeq, %sub3A_572, %eq3A_577 : vector<16xf32>
      %and3A_579 = arith.constant 1 : i32
      %and3A_580 = vector.broadcast %and3A_579 : i32 to vector<16xi32>
      %and3A_581 = arith.andi %convert_element_type3A_570, %and3A_580 : vector<16xi32>
      %eq3A_582 = arith.constant 1 : i32
      %eq3A_583 = vector.broadcast %eq3A_582 : i32 to vector<16xi32>
      %eq3A_584 = arith.cmpi eq, %and3A_581, %eq3A_583 : vector<16xi32>
      %and3A_585 = arith.andi %eq3A_578, %eq3A_584 : vector<16xi1>
      %or3A_586 = arith.ori %gt3A_575, %and3A_585 : vector<16xi1>
      %add3A_587 = arith.constant 1 : i32
      %add3A_588 = vector.broadcast %add3A_587 : i32 to vector<16xi32>
      %add3A_589 = arith.addi %convert_element_type3A_570, %add3A_588 : vector<16xi32>
      %select_n3A_590 = arith.select %or3A_586, %add3A_589, %convert_element_type3A_570 : vector<16xi1>, vector<16xi32>
      %convert_element_type3A_591 = arith.sitofp %select_n3A_590 : vector<16xi32> to vector<16xf32>
      %jit3A_592 = arith.constant -3.276800e+04 : f32
      %jit3A_593 = arith.constant 3.276700e+04 : f32
      %max3A_594 = vector.broadcast %jit3A_592 : f32 to vector<16xf32>
      %max3A_595 = arith.maximumf %max3A_594, %convert_element_type3A_591 : vector<16xf32>
      %min3A_596 = vector.broadcast %jit3A_593 : f32 to vector<16xf32>
      %min3A_597 = arith.minimumf %min3A_596, %max3A_595 : vector<16xf32>
      %mul3A_598 = arith.constant 2.500000e-01 : f32
      %mul3A_599 = vector.broadcast %mul3A_598 : f32 to vector<16xf32>
      %mul3A_600 = arith.mulf %min3A_597, %mul3A_599 : vector<16xf32>
      %sub3A_601 = arith.subf %mul3A_564, %mul3A_492 : vector<16xf32>
      %sub3A_602 = arith.subf %mul3A_600, %mul3A_528 : vector<16xf32>
      %mul3A_603 = arith.constant 5.000000e-01 : f32
      %mul3A_604 = vector.broadcast %mul3A_603 : f32 to vector<16xf32>
      %mul3A_605 = arith.mulf %mul3A_604, %sub3A_601 : vector<16xf32>
      %add3A_606 = arith.addf %mul3A_492, %mul3A_605 : vector<16xf32>
      %mul3A_607 = arith.constant 5.000000e-01 : f32
      %mul3A_608 = vector.broadcast %mul3A_607 : f32 to vector<16xf32>
      %mul3A_609 = arith.mulf %mul3A_608, %sub3A_602 : vector<16xf32>
      %add3A_610 = arith.addf %mul3A_528, %mul3A_609 : vector<16xf32>
      %get3A_611 = arith.index_cast %mul3A_464 : i32 to index
      %get3A_612 = tpu.vector_load %arg17[%get3A_611] {strides = array<i32>} : memref<640xf32, #tpu.memory_space<vmem>>, vector<16xf32>,
      %mul3A_613 = arith.mulf %get3A_612, %sub3A_601 : vector<16xf32>
      %add3A_614 = arith.addf %mul3A_613, %add3A_606 : vector<16xf32>
      %get3A_615 = arith.index_cast %mul3A_464 : i32 to index
      %get3A_616 = tpu.vector_load %arg18[%get3A_615] {strides = array<i32>} : memref<640xf32, #tpu.memory_space<vmem>>, vector<16xf32>,
      %mul3A_617 = arith.mulf %get3A_616, %sub3A_602 : vector<16xf32>
      %add3A_618 = arith.addf %mul3A_617, %add3A_610 : vector<16xf32>
      %get3A_619 = arith.index_cast %mul3A_464 : i32 to index
      %get3A_620 = tpu.vector_load %arg19[%get3A_619] {strides = array<i32>} : memref<640xf32, #tpu.memory_space<vmem>>, vector<16xf32>,
      %jit3A_621 = arith.constant -1.000000e+01 : f32
      %jit3A_622 = arith.constant 1.000000e+01 : f32
      %max3A_623 = vector.broadcast %jit3A_621 : f32 to vector<16xf32>
      %max3A_624 = arith.maximumf %max3A_623, %get3A_620 : vector<16xf32>
      %min3A_625 = vector.broadcast %jit3A_622 : f32 to vector<16xf32>
      %min3A_626 = arith.minimumf %min3A_625, %max3A_624 : vector<16xf32>
      %exp3A = math.exp %min3A_626 : vector<16xf32>
      %mul3A_627 = arith.mulf %sub3A_601, %exp3A : vector<16xf32>
      %get3A_628 = arith.index_cast %mul3A_464 : i32 to index
      %get3A_629 = tpu.vector_load %arg20[%get3A_628] {strides = array<i32>} : memref<640xf32, #tpu.memory_space<vmem>>, vector<16xf32>,
      %jit3A_630 = arith.constant -1.000000e+01 : f32
      %jit3A_631 = arith.constant 1.000000e+01 : f32
      %max3A_632 = vector.broadcast %jit3A_630 : f32 to vector<16xf32>
      %max3A_633 = arith.maximumf %max3A_632, %get3A_629 : vector<16xf32>
      %min3A_634 = vector.broadcast %jit3A_631 : f32 to vector<16xf32>
      %min3A_635 = arith.minimumf %min3A_634, %max3A_633 : vector<16xf32>
      %exp3A_636 = math.exp %min3A_635 : vector<16xf32>
      %mul3A_637 = arith.mulf %sub3A_602, %exp3A_636 : vector<16xf32>
      %mul3A_638 = arith.constant 5.000000e-01 : f32
      %mul3A_639 = vector.broadcast %mul3A_638 : f32 to vector<16xf32>
      %mul3A_640 = arith.mulf %mul3A_639, %mul3A_627 : vector<16xf32>
      %sub3A_641 = arith.subf %add3A_614, %mul3A_640 : vector<16xf32>
      %jit3A_642 = arith.constant 0.000000e+00 : f32
      %jit3A_643 = arith.constant 1.023000e+03 : f32
      %max3A_644 = vector.broadcast %jit3A_642 : f32 to vector<16xf32>
      %max3A_645 = arith.maximumf %max3A_644, %sub3A_641 : vector<16xf32>
      %min3A_646 = vector.broadcast %jit3A_643 : f32 to vector<16xf32>
      %min3A_647 = arith.minimumf %min3A_646, %max3A_645 : vector<16xf32>
      %mul3A_648 = arith.constant 5.000000e-01 : f32
      %mul3A_649 = vector.broadcast %mul3A_648 : f32 to vector<16xf32>
      %mul3A_650 = arith.mulf %mul3A_649, %mul3A_637 : vector<16xf32>
      %sub3A_651 = arith.subf %add3A_618, %mul3A_650 : vector<16xf32>
      %jit3A_652 = arith.constant 0.000000e+00 : f32
      %jit3A_653 = arith.constant 1.023000e+03 : f32
      %max3A_654 = vector.broadcast %jit3A_652 : f32 to vector<16xf32>
      %max3A_655 = arith.maximumf %max3A_654, %sub3A_651 : vector<16xf32>
      %min3A_656 = vector.broadcast %jit3A_653 : f32 to vector<16xf32>
      %min3A_657 = arith.minimumf %min3A_656, %max3A_655 : vector<16xf32>
      %mul3A_658 = arith.constant 5.000000e-01 : f32
      %mul3A_659 = vector.broadcast %mul3A_658 : f32 to vector<16xf32>
      %mul3A_660 = arith.mulf %mul3A_659, %mul3A_627 : vector<16xf32>
      %add3A_661 = arith.addf %add3A_614, %mul3A_660 : vector<16xf32>
      %jit3A_662 = arith.constant 0.000000e+00 : f32
      %jit3A_663 = arith.constant 1.023000e+03 : f32
      %max3A_664 = vector.broadcast %jit3A_662 : f32 to vector<16xf32>
      %max3A_665 = arith.maximumf %max3A_664, %add3A_661 : vector<16xf32>
      %min3A_666 = vector.broadcast %jit3A_663 : f32 to vector<16xf32>
      %min3A_667 = arith.minimumf %min3A_666, %max3A_665 : vector<16xf32>
      %mul3A_668 = arith.constant 5.000000e-01 : f32
      %mul3A_669 = vector.broadcast %mul3A_668 : f32 to vector<16xf32>
      %mul3A_670 = arith.mulf %mul3A_669, %mul3A_637 : vector<16xf32>
      %add3A_671 = arith.addf %add3A_618, %mul3A_670 : vector<16xf32>
      %jit3A_672 = arith.constant 0.000000e+00 : f32
      %jit3A_673 = arith.constant 1.023000e+03 : f32
      %max3A_674 = vector.broadcast %jit3A_672 : f32 to vector<16xf32>
      %max3A_675 = arith.maximumf %max3A_674, %add3A_671 : vector<16xf32>
      %min3A_676 = vector.broadcast %jit3A_673 : f32 to vector<16xf32>
      %min3A_677 = arith.minimumf %min3A_676, %max3A_675 : vector<16xf32>
      %swap3A_678 = arith.index_cast %mul3A_464 : i32 to index
      %swap3A_679 = tpu.vector_load %arg22[%swap3A_678] {strides = array<i32>} : memref<640xf32, #tpu.memory_space<vmem>>, vector<16xf32>,
      tpu.vector_store %arg22[%swap3A_678], %min3A_647 {strides = array<i32>} : memref<640xf32, #tpu.memory_space<vmem>>, vector<16xf32>,
      %swap3A_680 = arith.index_cast %mul3A_464 : i32 to index
      %swap3A_681 = tpu.vector_load %arg23[%swap3A_680] {strides = array<i32>} : memref<640xf32, #tpu.memory_space<vmem>>, vector<16xf32>,
      tpu.vector_store %arg23[%swap3A_680], %min3A_657 {strides = array<i32>} : memref<640xf32, #tpu.memory_space<vmem>>, vector<16xf32>,
      %swap3A_682 = arith.index_cast %mul3A_464 : i32 to index
      %swap3A_683 = tpu.vector_load %arg24[%swap3A_682] {strides = array<i32>} : memref<640xf32, #tpu.memory_space<vmem>>, vector<16xf32>,
      tpu.vector_store %arg24[%swap3A_682], %min3A_667 {strides = array<i32>} : memref<640xf32, #tpu.memory_space<vmem>>, vector<16xf32>,
      %swap3A_684 = arith.index_cast %mul3A_464 : i32 to index
      %swap3A_685 = tpu.vector_load %arg25[%swap3A_684] {strides = array<i32>} : memref<640xf32, #tpu.memory_space<vmem>>, vector<16xf32>,
      tpu.vector_store %arg25[%swap3A_684], %min3A_677 {strides = array<i32>} : memref<640xf32, #tpu.memory_space<vmem>>, vector<16xf32>,
      %sub3A_686 = arith.subf %min3A_667, %min3A_647 : vector<16xf32>
      %max3A_687 = arith.constant 0.000000e+00 : f32
      %max3A_688 = vector.broadcast %max3A_687 : f32 to vector<16xf32>
      %max3A_689 = arith.maximumf %sub3A_686, %max3A_688 : vector<16xf32>
      %sub3A_690 = arith.subf %min3A_677, %min3A_657 : vector<16xf32>
      %max3A_691 = arith.constant 0.000000e+00 : f32
      %max3A_692 = vector.broadcast %max3A_691 : f32 to vector<16xf32>
      %max3A_693 = arith.maximumf %sub3A_690, %max3A_692 : vector<16xf32>
      %mul3A_694 = arith.mulf %max3A_689, %max3A_693 : vector<16xf32>
      %swap3A_695 = arith.index_cast %mul3A_464 : i32 to index
      %swap3A_696 = tpu.vector_load %arg26[%swap3A_695] {strides = array<i32>} : memref<640xf32, #tpu.memory_space<vmem>>, vector<16xf32>,
      tpu.vector_store %arg26[%swap3A_695], %mul3A_694 {strides = array<i32>} : memref<640xf32, #tpu.memory_space<vmem>>, vector<16xf32>,
      %get3A_697 = arith.index_cast %mul3A_464 : i32 to index
      %get3A_698 = tpu.vector_load %arg21[%get3A_697] {strides = array<i32>} : memref<640xf32, #tpu.memory_space<vmem>>, vector<16xf32>,
      %ge3A = arith.constant 1.000000e-01 : f32
      %ge3A_699 = vector.broadcast %ge3A : f32 to vector<16xf32>
      %ge3A_700 = arith.cmpf oge, %get3A_698, %ge3A_699 : vector<16xf32>
      %jit3A_701 = arith.constant -1.000000e+00 : f32
      %broadcast_in_dim3A_702 = vector.broadcast %jit3A_701 : f32 to vector<16xf32>
      %select_n3A_703 = arith.select %ge3A_700, %get3A_698, %broadcast_in_dim3A_702 : vector<16xi1>, vector<16xf32>
      %swap3A_704 = arith.index_cast %mul3A_464 : i32 to index
      %swap3A_705 = tpu.vector_load %arg27[%swap3A_704] {strides = array<i32>} : memref<640xf32, #tpu.memory_space<vmem>>, vector<16xf32>,
      tpu.vector_store %arg27[%swap3A_704], %select_n3A_703 {strides = array<i32>} : memref<640xf32, #tpu.memory_space<vmem>>, vector<16xf32>,
    }
    %scan3A_7 = arith.constant 40 : i32
    %iota3A = tpu.iota {dimensions = array<i32: 0>} : vector<16xi32>
    %broadcast_in_dim3A = arith.constant -2.000000e+00 : f32
    %broadcast_in_dim3A_8 = vector.broadcast %broadcast_in_dim3A : f32 to vector<16xf32>
    %get3A = arith.constant 0 : index
    %get3A_9 = tpu.vector_load %arg27[%get3A] {strides = array<i32>} : memref<640xf32, #tpu.memory_space<vmem>>, vector<16xf32>,
    %reduce_max3A = arith.constant true
    %reduce_max3A_10 = vector.broadcast %reduce_max3A : i1 to vector<16xi1>
    %reduce_max3A_11 = tpu.scan <max>, %get3A_9 masked %reduce_max3A_10 : vector<16xf32>, vector<16xi1> -> vector<16xf32>
    %reduce_max3A_12 = vector.extract %reduce_max3A_11[15] : f32 from vector<16xf32>
    %eq3A = arith.constant 0 : i32
    %eq3A_13 = vector.broadcast %eq3A : i32 to vector<16xi32>
    %eq3A_14 = arith.cmpi eq, %iota3A, %eq3A_13 : vector<16xi32>
    %broadcast_in_dim3A_15 = vector.broadcast %reduce_max3A_12 : f32 to vector<16xf32>
    %select_n3A = arith.select %eq3A_14, %broadcast_in_dim3A_15, %broadcast_in_dim3A_8 : vector<16xi1>, vector<16xf32>
    %get3A_16 = arith.constant 16 : index
    %get3A_17 = tpu.vector_load %arg27[%get3A_16] {strides = array<i32>} : memref<640xf32, #tpu.memory_space<vmem>>, vector<16xf32>,
    %reduce_max3A_18 = arith.constant true
    %reduce_max3A_19 = vector.broadcast %reduce_max3A_18 : i1 to vector<16xi1>
    %reduce_max3A_20 = tpu.scan <max>, %get3A_17 masked %reduce_max3A_19 : vector<16xf32>, vector<16xi1> -> vector<16xf32>
    %reduce_max3A_21 = vector.extract %reduce_max3A_20[15] : f32 from vector<16xf32>
    %eq3A_22 = arith.constant 1 : i32
    %eq3A_23 = vector.broadcast %eq3A_22 : i32 to vector<16xi32>
    %eq3A_24 = arith.cmpi eq, %iota3A, %eq3A_23 : vector<16xi32>
    %broadcast_in_dim3A_25 = vector.broadcast %reduce_max3A_21 : f32 to vector<16xf32>
    %select_n3A_26 = arith.select %eq3A_24, %broadcast_in_dim3A_25, %select_n3A : vector<16xi1>, vector<16xf32>
    %get3A_27 = arith.constant 32 : index
    %get3A_28 = tpu.vector_load %arg27[%get3A_27] {strides = array<i32>} : memref<640xf32, #tpu.memory_space<vmem>>, vector<16xf32>,
    %reduce_max3A_29 = arith.constant true
    %reduce_max3A_30 = vector.broadcast %reduce_max3A_29 : i1 to vector<16xi1>
    %reduce_max3A_31 = tpu.scan <max>, %get3A_28 masked %reduce_max3A_30 : vector<16xf32>, vector<16xi1> -> vector<16xf32>
    %reduce_max3A_32 = vector.extract %reduce_max3A_31[15] : f32 from vector<16xf32>
    %eq3A_33 = arith.constant 2 : i32
    %eq3A_34 = vector.broadcast %eq3A_33 : i32 to vector<16xi32>
    %eq3A_35 = arith.cmpi eq, %iota3A, %eq3A_34 : vector<16xi32>
    %broadcast_in_dim3A_36 = vector.broadcast %reduce_max3A_32 : f32 to vector<16xf32>
    %select_n3A_37 = arith.select %eq3A_35, %broadcast_in_dim3A_36, %select_n3A_26 : vector<16xi1>, vector<16xf32>
    %get3A_38 = arith.constant 48 : index
    %get3A_39 = tpu.vector_load %arg27[%get3A_38] {strides = array<i32>} : memref<640xf32, #tpu.memory_space<vmem>>, vector<16xf32>,
    %reduce_max3A_40 = arith.constant true
    %reduce_max3A_41 = vector.broadcast %reduce_max3A_40 : i1 to vector<16xi1>
    %reduce_max3A_42 = tpu.scan <max>, %get3A_39 masked %reduce_max3A_41 : vector<16xf32>, vector<16xi1> -> vector<16xf32>
    %reduce_max3A_43 = vector.extract %reduce_max3A_42[15] : f32 from vector<16xf32>
    %eq3A_44 = arith.constant 3 : i32
    %eq3A_45 = vector.broadcast %eq3A_44 : i32 to vector<16xi32>
    %eq3A_46 = arith.cmpi eq, %iota3A, %eq3A_45 : vector<16xi32>
    %broadcast_in_dim3A_47 = vector.broadcast %reduce_max3A_43 : f32 to vector<16xf32>
    %select_n3A_48 = arith.select %eq3A_46, %broadcast_in_dim3A_47, %select_n3A_37 : vector<16xi1>, vector<16xf32>
    %get3A_49 = arith.constant 64 : index
    %get3A_50 = tpu.vector_load %arg27[%get3A_49] {strides = array<i32>} : memref<640xf32, #tpu.memory_space<vmem>>, vector<16xf32>,
    %reduce_max3A_51 = arith.constant true
    %reduce_max3A_52 = vector.broadcast %reduce_max3A_51 : i1 to vector<16xi1>
    %reduce_max3A_53 = tpu.scan <max>, %get3A_50 masked %reduce_max3A_52 : vector<16xf32>, vector<16xi1> -> vector<16xf32>
    %reduce_max3A_54 = vector.extract %reduce_max3A_53[15] : f32 from vector<16xf32>
    %eq3A_55 = arith.constant 4 : i32
    %eq3A_56 = vector.broadcast %eq3A_55 : i32 to vector<16xi32>
    %eq3A_57 = arith.cmpi eq, %iota3A, %eq3A_56 : vector<16xi32>
    %broadcast_in_dim3A_58 = vector.broadcast %reduce_max3A_54 : f32 to vector<16xf32>
    %select_n3A_59 = arith.select %eq3A_57, %broadcast_in_dim3A_58, %select_n3A_48 : vector<16xi1>, vector<16xf32>
    %get3A_60 = arith.constant 80 : index
    %get3A_61 = tpu.vector_load %arg27[%get3A_60] {strides = array<i32>} : memref<640xf32, #tpu.memory_space<vmem>>, vector<16xf32>,
    %reduce_max3A_62 = arith.constant true
    %reduce_max3A_63 = vector.broadcast %reduce_max3A_62 : i1 to vector<16xi1>
    %reduce_max3A_64 = tpu.scan <max>, %get3A_61 masked %reduce_max3A_63 : vector<16xf32>, vector<16xi1> -> vector<16xf32>
    %reduce_max3A_65 = vector.extract %reduce_max3A_64[15] : f32 from vector<16xf32>
    %eq3A_66 = arith.constant 5 : i32
    %eq3A_67 = vector.broadcast %eq3A_66 : i32 to vector<16xi32>
    %eq3A_68 = arith.cmpi eq, %iota3A, %eq3A_67 : vector<16xi32>
    %broadcast_in_dim3A_69 = vector.broadcast %reduce_max3A_65 : f32 to vector<16xf32>
    %select_n3A_70 = arith.select %eq3A_68, %broadcast_in_dim3A_69, %select_n3A_59 : vector<16xi1>, vector<16xf32>
    %get3A_71 = arith.constant 96 : index
    %get3A_72 = tpu.vector_load %arg27[%get3A_71] {strides = array<i32>} : memref<640xf32, #tpu.memory_space<vmem>>, vector<16xf32>,
    %reduce_max3A_73 = arith.constant true
    %reduce_max3A_74 = vector.broadcast %reduce_max3A_73 : i1 to vector<16xi1>
    %reduce_max3A_75 = tpu.scan <max>, %get3A_72 masked %reduce_max3A_74 : vector<16xf32>, vector<16xi1> -> vector<16xf32>
    %reduce_max3A_76 = vector.extract %reduce_max3A_75[15] : f32 from vector<16xf32>
    %eq3A_77 = arith.constant 6 : i32
    %eq3A_78 = vector.broadcast %eq3A_77 : i32 to vector<16xi32>
    %eq3A_79 = arith.cmpi eq, %iota3A, %eq3A_78 : vector<16xi32>
    %broadcast_in_dim3A_80 = vector.broadcast %reduce_max3A_76 : f32 to vector<16xf32>
    %select_n3A_81 = arith.select %eq3A_79, %broadcast_in_dim3A_80, %select_n3A_70 : vector<16xi1>, vector<16xf32>
    %get3A_82 = arith.constant 112 : index
    %get3A_83 = tpu.vector_load %arg27[%get3A_82] {strides = array<i32>} : memref<640xf32, #tpu.memory_space<vmem>>, vector<16xf32>,
    %reduce_max3A_84 = arith.constant true
    %reduce_max3A_85 = vector.broadcast %reduce_max3A_84 : i1 to vector<16xi1>
    %reduce_max3A_86 = tpu.scan <max>, %get3A_83 masked %reduce_max3A_85 : vector<16xf32>, vector<16xi1> -> vector<16xf32>
    %reduce_max3A_87 = vector.extract %reduce_max3A_86[15] : f32 from vector<16xf32>
    %eq3A_88 = arith.constant 7 : i32
    %eq3A_89 = vector.broadcast %eq3A_88 : i32 to vector<16xi32>
    %eq3A_90 = arith.cmpi eq, %iota3A, %eq3A_89 : vector<16xi32>
    %broadcast_in_dim3A_91 = vector.broadcast %reduce_max3A_87 : f32 to vector<16xf32>
    %select_n3A_92 = arith.select %eq3A_90, %broadcast_in_dim3A_91, %select_n3A_81 : vector<16xi1>, vector<16xf32>
    %get3A_93 = arith.constant 128 : index
    %get3A_94 = tpu.vector_load %arg27[%get3A_93] {strides = array<i32>} : memref<640xf32, #tpu.memory_space<vmem>>, vector<16xf32>,
    %reduce_max3A_95 = arith.constant true
    %reduce_max3A_96 = vector.broadcast %reduce_max3A_95 : i1 to vector<16xi1>
    %reduce_max3A_97 = tpu.scan <max>, %get3A_94 masked %reduce_max3A_96 : vector<16xf32>, vector<16xi1> -> vector<16xf32>
    %reduce_max3A_98 = vector.extract %reduce_max3A_97[15] : f32 from vector<16xf32>
    %eq3A_99 = arith.constant 8 : i32
    %eq3A_100 = vector.broadcast %eq3A_99 : i32 to vector<16xi32>
    %eq3A_101 = arith.cmpi eq, %iota3A, %eq3A_100 : vector<16xi32>
    %broadcast_in_dim3A_102 = vector.broadcast %reduce_max3A_98 : f32 to vector<16xf32>
    %select_n3A_103 = arith.select %eq3A_101, %broadcast_in_dim3A_102, %select_n3A_92 : vector<16xi1>, vector<16xf32>
    %get3A_104 = arith.constant 144 : index
    %get3A_105 = tpu.vector_load %arg27[%get3A_104] {strides = array<i32>} : memref<640xf32, #tpu.memory_space<vmem>>, vector<16xf32>,
    %reduce_max3A_106 = arith.constant true
    %reduce_max3A_107 = vector.broadcast %reduce_max3A_106 : i1 to vector<16xi1>
    %reduce_max3A_108 = tpu.scan <max>, %get3A_105 masked %reduce_max3A_107 : vector<16xf32>, vector<16xi1> -> vector<16xf32>
    %reduce_max3A_109 = vector.extract %reduce_max3A_108[15] : f32 from vector<16xf32>
    %eq3A_110 = arith.constant 9 : i32
    %eq3A_111 = vector.broadcast %eq3A_110 : i32 to vector<16xi32>
    %eq3A_112 = arith.cmpi eq, %iota3A, %eq3A_111 : vector<16xi32>
    %broadcast_in_dim3A_113 = vector.broadcast %reduce_max3A_109 : f32 to vector<16xf32>
    %select_n3A_114 = arith.select %eq3A_112, %broadcast_in_dim3A_113, %select_n3A_103 : vector<16xi1>, vector<16xf32>
    %get3A_115 = arith.constant 160 : index
    %get3A_116 = tpu.vector_load %arg27[%get3A_115] {strides = array<i32>} : memref<640xf32, #tpu.memory_space<vmem>>, vector<16xf32>,
    %reduce_max3A_117 = arith.constant true
    %reduce_max3A_118 = vector.broadcast %reduce_max3A_117 : i1 to vector<16xi1>
    %reduce_max3A_119 = tpu.scan <max>, %get3A_116 masked %reduce_max3A_118 : vector<16xf32>, vector<16xi1> -> vector<16xf32>
    %reduce_max3A_120 = vector.extract %reduce_max3A_119[15] : f32 from vector<16xf32>
    %eq3A_121 = arith.constant 10 : i32
    %eq3A_122 = vector.broadcast %eq3A_121 : i32 to vector<16xi32>
    %eq3A_123 = arith.cmpi eq, %iota3A, %eq3A_122 : vector<16xi32>
    %broadcast_in_dim3A_124 = vector.broadcast %reduce_max3A_120 : f32 to vector<16xf32>
    %select_n3A_125 = arith.select %eq3A_123, %broadcast_in_dim3A_124, %select_n3A_114 : vector<16xi1>, vector<16xf32>
    %get3A_126 = arith.constant 176 : index
    %get3A_127 = tpu.vector_load %arg27[%get3A_126] {strides = array<i32>} : memref<640xf32, #tpu.memory_space<vmem>>, vector<16xf32>,
    %reduce_max3A_128 = arith.constant true
    %reduce_max3A_129 = vector.broadcast %reduce_max3A_128 : i1 to vector<16xi1>
    %reduce_max3A_130 = tpu.scan <max>, %get3A_127 masked %reduce_max3A_129 : vector<16xf32>, vector<16xi1> -> vector<16xf32>
    %reduce_max3A_131 = vector.extract %reduce_max3A_130[15] : f32 from vector<16xf32>
    %eq3A_132 = arith.constant 11 : i32
    %eq3A_133 = vector.broadcast %eq3A_132 : i32 to vector<16xi32>
    %eq3A_134 = arith.cmpi eq, %iota3A, %eq3A_133 : vector<16xi32>
    %broadcast_in_dim3A_135 = vector.broadcast %reduce_max3A_131 : f32 to vector<16xf32>
    %select_n3A_136 = arith.select %eq3A_134, %broadcast_in_dim3A_135, %select_n3A_125 : vector<16xi1>, vector<16xf32>
    %get3A_137 = arith.constant 192 : index
    %get3A_138 = tpu.vector_load %arg27[%get3A_137] {strides = array<i32>} : memref<640xf32, #tpu.memory_space<vmem>>, vector<16xf32>,
    %reduce_max3A_139 = arith.constant true
    %reduce_max3A_140 = vector.broadcast %reduce_max3A_139 : i1 to vector<16xi1>
    %reduce_max3A_141 = tpu.scan <max>, %get3A_138 masked %reduce_max3A_140 : vector<16xf32>, vector<16xi1> -> vector<16xf32>
    %reduce_max3A_142 = vector.extract %reduce_max3A_141[15] : f32 from vector<16xf32>
    %eq3A_143 = arith.constant 12 : i32
    %eq3A_144 = vector.broadcast %eq3A_143 : i32 to vector<16xi32>
    %eq3A_145 = arith.cmpi eq, %iota3A, %eq3A_144 : vector<16xi32>
    %broadcast_in_dim3A_146 = vector.broadcast %reduce_max3A_142 : f32 to vector<16xf32>
    %select_n3A_147 = arith.select %eq3A_145, %broadcast_in_dim3A_146, %select_n3A_136 : vector<16xi1>, vector<16xf32>
    %get3A_148 = arith.constant 208 : index
    %get3A_149 = tpu.vector_load %arg27[%get3A_148] {strides = array<i32>} : memref<640xf32, #tpu.memory_space<vmem>>, vector<16xf32>,
    %reduce_max3A_150 = arith.constant true
    %reduce_max3A_151 = vector.broadcast %reduce_max3A_150 : i1 to vector<16xi1>
    %reduce_max3A_152 = tpu.scan <max>, %get3A_149 masked %reduce_max3A_151 : vector<16xf32>, vector<16xi1> -> vector<16xf32>
    %reduce_max3A_153 = vector.extract %reduce_max3A_152[15] : f32 from vector<16xf32>
    %eq3A_154 = arith.constant 13 : i32
    %eq3A_155 = vector.broadcast %eq3A_154 : i32 to vector<16xi32>
    %eq3A_156 = arith.cmpi eq, %iota3A, %eq3A_155 : vector<16xi32>
    %broadcast_in_dim3A_157 = vector.broadcast %reduce_max3A_153 : f32 to vector<16xf32>
    %select_n3A_158 = arith.select %eq3A_156, %broadcast_in_dim3A_157, %select_n3A_147 : vector<16xi1>, vector<16xf32>
    %get3A_159 = arith.constant 224 : index
    %get3A_160 = tpu.vector_load %arg27[%get3A_159] {strides = array<i32>} : memref<640xf32, #tpu.memory_space<vmem>>, vector<16xf32>,
    %reduce_max3A_161 = arith.constant true
    %reduce_max3A_162 = vector.broadcast %reduce_max3A_161 : i1 to vector<16xi1>
    %reduce_max3A_163 = tpu.scan <max>, %get3A_160 masked %reduce_max3A_162 : vector<16xf32>, vector<16xi1> -> vector<16xf32>
    %reduce_max3A_164 = vector.extract %reduce_max3A_163[15] : f32 from vector<16xf32>
    %eq3A_165 = arith.constant 14 : i32
    %eq3A_166 = vector.broadcast %eq3A_165 : i32 to vector<16xi32>
    %eq3A_167 = arith.cmpi eq, %iota3A, %eq3A_166 : vector<16xi32>
    %broadcast_in_dim3A_168 = vector.broadcast %reduce_max3A_164 : f32 to vector<16xf32>
    %select_n3A_169 = arith.select %eq3A_167, %broadcast_in_dim3A_168, %select_n3A_158 : vector<16xi1>, vector<16xf32>
    %get3A_170 = arith.constant 240 : index
    %get3A_171 = tpu.vector_load %arg27[%get3A_170] {strides = array<i32>} : memref<640xf32, #tpu.memory_space<vmem>>, vector<16xf32>,
    %reduce_max3A_172 = arith.constant true
    %reduce_max3A_173 = vector.broadcast %reduce_max3A_172 : i1 to vector<16xi1>
    %reduce_max3A_174 = tpu.scan <max>, %get3A_171 masked %reduce_max3A_173 : vector<16xf32>, vector<16xi1> -> vector<16xf32>
    %reduce_max3A_175 = vector.extract %reduce_max3A_174[15] : f32 from vector<16xf32>
    %eq3A_176 = arith.constant 15 : i32
    %eq3A_177 = vector.broadcast %eq3A_176 : i32 to vector<16xi32>
    %eq3A_178 = arith.cmpi eq, %iota3A, %eq3A_177 : vector<16xi32>
    %broadcast_in_dim3A_179 = vector.broadcast %reduce_max3A_175 : f32 to vector<16xf32>
    %select_n3A_180 = arith.select %eq3A_178, %broadcast_in_dim3A_179, %select_n3A_169 : vector<16xi1>, vector<16xf32>
    %swap3A = arith.constant 0 : index
    %swap3A_181 = tpu.vector_load %arg28[%swap3A] {strides = array<i32>} : memref<48xf32, #tpu.memory_space<vmem>>, vector<16xf32>,
    tpu.vector_store %arg28[%swap3A], %select_n3A_180 {strides = array<i32>} : memref<48xf32, #tpu.memory_space<vmem>>, vector<16xf32>,
    %broadcast_in_dim3A_182 = arith.constant -2.000000e+00 : f32
    %broadcast_in_dim3A_183 = vector.broadcast %broadcast_in_dim3A_182 : f32 to vector<16xf32>
    %get3A_184 = arith.constant 256 : index
    %get3A_185 = tpu.vector_load %arg27[%get3A_184] {strides = array<i32>} : memref<640xf32, #tpu.memory_space<vmem>>, vector<16xf32>,
    %reduce_max3A_186 = arith.constant true
    %reduce_max3A_187 = vector.broadcast %reduce_max3A_186 : i1 to vector<16xi1>
    %reduce_max3A_188 = tpu.scan <max>, %get3A_185 masked %reduce_max3A_187 : vector<16xf32>, vector<16xi1> -> vector<16xf32>
    %reduce_max3A_189 = vector.extract %reduce_max3A_188[15] : f32 from vector<16xf32>
    %eq3A_190 = arith.constant 0 : i32
    %eq3A_191 = vector.broadcast %eq3A_190 : i32 to vector<16xi32>
    %eq3A_192 = arith.cmpi eq, %iota3A, %eq3A_191 : vector<16xi32>
    %broadcast_in_dim3A_193 = vector.broadcast %reduce_max3A_189 : f32 to vector<16xf32>
    %select_n3A_194 = arith.select %eq3A_192, %broadcast_in_dim3A_193, %broadcast_in_dim3A_183 : vector<16xi1>, vector<16xf32>
    %get3A_195 = arith.constant 272 : index
    %get3A_196 = tpu.vector_load %arg27[%get3A_195] {strides = array<i32>} : memref<640xf32, #tpu.memory_space<vmem>>, vector<16xf32>,
    %reduce_max3A_197 = arith.constant true
    %reduce_max3A_198 = vector.broadcast %reduce_max3A_197 : i1 to vector<16xi1>
    %reduce_max3A_199 = tpu.scan <max>, %get3A_196 masked %reduce_max3A_198 : vector<16xf32>, vector<16xi1> -> vector<16xf32>
    %reduce_max3A_200 = vector.extract %reduce_max3A_199[15] : f32 from vector<16xf32>
    %eq3A_201 = arith.constant 1 : i32
    %eq3A_202 = vector.broadcast %eq3A_201 : i32 to vector<16xi32>
    %eq3A_203 = arith.cmpi eq, %iota3A, %eq3A_202 : vector<16xi32>
    %broadcast_in_dim3A_204 = vector.broadcast %reduce_max3A_200 : f32 to vector<16xf32>
    %select_n3A_205 = arith.select %eq3A_203, %broadcast_in_dim3A_204, %select_n3A_194 : vector<16xi1>, vector<16xf32>
    %get3A_206 = arith.constant 288 : index
    %get3A_207 = tpu.vector_load %arg27[%get3A_206] {strides = array<i32>} : memref<640xf32, #tpu.memory_space<vmem>>, vector<16xf32>,
    %reduce_max3A_208 = arith.constant true
    %reduce_max3A_209 = vector.broadcast %reduce_max3A_208 : i1 to vector<16xi1>
    %reduce_max3A_210 = tpu.scan <max>, %get3A_207 masked %reduce_max3A_209 : vector<16xf32>, vector<16xi1> -> vector<16xf32>
    %reduce_max3A_211 = vector.extract %reduce_max3A_210[15] : f32 from vector<16xf32>
    %eq3A_212 = arith.constant 2 : i32
    %eq3A_213 = vector.broadcast %eq3A_212 : i32 to vector<16xi32>
    %eq3A_214 = arith.cmpi eq, %iota3A, %eq3A_213 : vector<16xi32>
    %broadcast_in_dim3A_215 = vector.broadcast %reduce_max3A_211 : f32 to vector<16xf32>
    %select_n3A_216 = arith.select %eq3A_214, %broadcast_in_dim3A_215, %select_n3A_205 : vector<16xi1>, vector<16xf32>
    %get3A_217 = arith.constant 304 : index
    %get3A_218 = tpu.vector_load %arg27[%get3A_217] {strides = array<i32>} : memref<640xf32, #tpu.memory_space<vmem>>, vector<16xf32>,
    %reduce_max3A_219 = arith.constant true
    %reduce_max3A_220 = vector.broadcast %reduce_max3A_219 : i1 to vector<16xi1>
    %reduce_max3A_221 = tpu.scan <max>, %get3A_218 masked %reduce_max3A_220 : vector<16xf32>, vector<16xi1> -> vector<16xf32>
    %reduce_max3A_222 = vector.extract %reduce_max3A_221[15] : f32 from vector<16xf32>
    %eq3A_223 = arith.constant 3 : i32
    %eq3A_224 = vector.broadcast %eq3A_223 : i32 to vector<16xi32>
    %eq3A_225 = arith.cmpi eq, %iota3A, %eq3A_224 : vector<16xi32>
    %broadcast_in_dim3A_226 = vector.broadcast %reduce_max3A_222 : f32 to vector<16xf32>
    %select_n3A_227 = arith.select %eq3A_225, %broadcast_in_dim3A_226, %select_n3A_216 : vector<16xi1>, vector<16xf32>
    %get3A_228 = arith.constant 320 : index
    %get3A_229 = tpu.vector_load %arg27[%get3A_228] {strides = array<i32>} : memref<640xf32, #tpu.memory_space<vmem>>, vector<16xf32>,
    %reduce_max3A_230 = arith.constant true
    %reduce_max3A_231 = vector.broadcast %reduce_max3A_230 : i1 to vector<16xi1>
    %reduce_max3A_232 = tpu.scan <max>, %get3A_229 masked %reduce_max3A_231 : vector<16xf32>, vector<16xi1> -> vector<16xf32>
    %reduce_max3A_233 = vector.extract %reduce_max3A_232[15] : f32 from vector<16xf32>
    %eq3A_234 = arith.constant 4 : i32
    %eq3A_235 = vector.broadcast %eq3A_234 : i32 to vector<16xi32>
    %eq3A_236 = arith.cmpi eq, %iota3A, %eq3A_235 : vector<16xi32>
    %broadcast_in_dim3A_237 = vector.broadcast %reduce_max3A_233 : f32 to vector<16xf32>
    %select_n3A_238 = arith.select %eq3A_236, %broadcast_in_dim3A_237, %select_n3A_227 : vector<16xi1>, vector<16xf32>
    %get3A_239 = arith.constant 336 : index
    %get3A_240 = tpu.vector_load %arg27[%get3A_239] {strides = array<i32>} : memref<640xf32, #tpu.memory_space<vmem>>, vector<16xf32>,
    %reduce_max3A_241 = arith.constant true
    %reduce_max3A_242 = vector.broadcast %reduce_max3A_241 : i1 to vector<16xi1>
    %reduce_max3A_243 = tpu.scan <max>, %get3A_240 masked %reduce_max3A_242 : vector<16xf32>, vector<16xi1> -> vector<16xf32>
    %reduce_max3A_244 = vector.extract %reduce_max3A_243[15] : f32 from vector<16xf32>
    %eq3A_245 = arith.constant 5 : i32
    %eq3A_246 = vector.broadcast %eq3A_245 : i32 to vector<16xi32>
    %eq3A_247 = arith.cmpi eq, %iota3A, %eq3A_246 : vector<16xi32>
    %broadcast_in_dim3A_248 = vector.broadcast %reduce_max3A_244 : f32 to vector<16xf32>
    %select_n3A_249 = arith.select %eq3A_247, %broadcast_in_dim3A_248, %select_n3A_238 : vector<16xi1>, vector<16xf32>
    %get3A_250 = arith.constant 352 : index
    %get3A_251 = tpu.vector_load %arg27[%get3A_250] {strides = array<i32>} : memref<640xf32, #tpu.memory_space<vmem>>, vector<16xf32>,
    %reduce_max3A_252 = arith.constant true
    %reduce_max3A_253 = vector.broadcast %reduce_max3A_252 : i1 to vector<16xi1>
    %reduce_max3A_254 = tpu.scan <max>, %get3A_251 masked %reduce_max3A_253 : vector<16xf32>, vector<16xi1> -> vector<16xf32>
    %reduce_max3A_255 = vector.extract %reduce_max3A_254[15] : f32 from vector<16xf32>
    %eq3A_256 = arith.constant 6 : i32
    %eq3A_257 = vector.broadcast %eq3A_256 : i32 to vector<16xi32>
    %eq3A_258 = arith.cmpi eq, %iota3A, %eq3A_257 : vector<16xi32>
    %broadcast_in_dim3A_259 = vector.broadcast %reduce_max3A_255 : f32 to vector<16xf32>
    %select_n3A_260 = arith.select %eq3A_258, %broadcast_in_dim3A_259, %select_n3A_249 : vector<16xi1>, vector<16xf32>
    %get3A_261 = arith.constant 368 : index
    %get3A_262 = tpu.vector_load %arg27[%get3A_261] {strides = array<i32>} : memref<640xf32, #tpu.memory_space<vmem>>, vector<16xf32>,
    %reduce_max3A_263 = arith.constant true
    %reduce_max3A_264 = vector.broadcast %reduce_max3A_263 : i1 to vector<16xi1>
    %reduce_max3A_265 = tpu.scan <max>, %get3A_262 masked %reduce_max3A_264 : vector<16xf32>, vector<16xi1> -> vector<16xf32>
    %reduce_max3A_266 = vector.extract %reduce_max3A_265[15] : f32 from vector<16xf32>
    %eq3A_267 = arith.constant 7 : i32
    %eq3A_268 = vector.broadcast %eq3A_267 : i32 to vector<16xi32>
    %eq3A_269 = arith.cmpi eq, %iota3A, %eq3A_268 : vector<16xi32>
    %broadcast_in_dim3A_270 = vector.broadcast %reduce_max3A_266 : f32 to vector<16xf32>
    %select_n3A_271 = arith.select %eq3A_269, %broadcast_in_dim3A_270, %select_n3A_260 : vector<16xi1>, vector<16xf32>
    %get3A_272 = arith.constant 384 : index
    %get3A_273 = tpu.vector_load %arg27[%get3A_272] {strides = array<i32>} : memref<640xf32, #tpu.memory_space<vmem>>, vector<16xf32>,
    %reduce_max3A_274 = arith.constant true
    %reduce_max3A_275 = vector.broadcast %reduce_max3A_274 : i1 to vector<16xi1>
    %reduce_max3A_276 = tpu.scan <max>, %get3A_273 masked %reduce_max3A_275 : vector<16xf32>, vector<16xi1> -> vector<16xf32>
    %reduce_max3A_277 = vector.extract %reduce_max3A_276[15] : f32 from vector<16xf32>
    %eq3A_278 = arith.constant 8 : i32
    %eq3A_279 = vector.broadcast %eq3A_278 : i32 to vector<16xi32>
    %eq3A_280 = arith.cmpi eq, %iota3A, %eq3A_279 : vector<16xi32>
    %broadcast_in_dim3A_281 = vector.broadcast %reduce_max3A_277 : f32 to vector<16xf32>
    %select_n3A_282 = arith.select %eq3A_280, %broadcast_in_dim3A_281, %select_n3A_271 : vector<16xi1>, vector<16xf32>
    %get3A_283 = arith.constant 400 : index
    %get3A_284 = tpu.vector_load %arg27[%get3A_283] {strides = array<i32>} : memref<640xf32, #tpu.memory_space<vmem>>, vector<16xf32>,
    %reduce_max3A_285 = arith.constant true
    %reduce_max3A_286 = vector.broadcast %reduce_max3A_285 : i1 to vector<16xi1>
    %reduce_max3A_287 = tpu.scan <max>, %get3A_284 masked %reduce_max3A_286 : vector<16xf32>, vector<16xi1> -> vector<16xf32>
    %reduce_max3A_288 = vector.extract %reduce_max3A_287[15] : f32 from vector<16xf32>
    %eq3A_289 = arith.constant 9 : i32
    %eq3A_290 = vector.broadcast %eq3A_289 : i32 to vector<16xi32>
    %eq3A_291 = arith.cmpi eq, %iota3A, %eq3A_290 : vector<16xi32>
    %broadcast_in_dim3A_292 = vector.broadcast %reduce_max3A_288 : f32 to vector<16xf32>
    %select_n3A_293 = arith.select %eq3A_291, %broadcast_in_dim3A_292, %select_n3A_282 : vector<16xi1>, vector<16xf32>
    %get3A_294 = arith.constant 416 : index
    %get3A_295 = tpu.vector_load %arg27[%get3A_294] {strides = array<i32>} : memref<640xf32, #tpu.memory_space<vmem>>, vector<16xf32>,
    %reduce_max3A_296 = arith.constant true
    %reduce_max3A_297 = vector.broadcast %reduce_max3A_296 : i1 to vector<16xi1>
    %reduce_max3A_298 = tpu.scan <max>, %get3A_295 masked %reduce_max3A_297 : vector<16xf32>, vector<16xi1> -> vector<16xf32>
    %reduce_max3A_299 = vector.extract %reduce_max3A_298[15] : f32 from vector<16xf32>
    %eq3A_300 = arith.constant 10 : i32
    %eq3A_301 = vector.broadcast %eq3A_300 : i32 to vector<16xi32>
    %eq3A_302 = arith.cmpi eq, %iota3A, %eq3A_301 : vector<16xi32>
    %broadcast_in_dim3A_303 = vector.broadcast %reduce_max3A_299 : f32 to vector<16xf32>
    %select_n3A_304 = arith.select %eq3A_302, %broadcast_in_dim3A_303, %select_n3A_293 : vector<16xi1>, vector<16xf32>
    %get3A_305 = arith.constant 432 : index
    %get3A_306 = tpu.vector_load %arg27[%get3A_305] {strides = array<i32>} : memref<640xf32, #tpu.memory_space<vmem>>, vector<16xf32>,
    %reduce_max3A_307 = arith.constant true
    %reduce_max3A_308 = vector.broadcast %reduce_max3A_307 : i1 to vector<16xi1>
    %reduce_max3A_309 = tpu.scan <max>, %get3A_306 masked %reduce_max3A_308 : vector<16xf32>, vector<16xi1> -> vector<16xf32>
    %reduce_max3A_310 = vector.extract %reduce_max3A_309[15] : f32 from vector<16xf32>
    %eq3A_311 = arith.constant 11 : i32
    %eq3A_312 = vector.broadcast %eq3A_311 : i32 to vector<16xi32>
    %eq3A_313 = arith.cmpi eq, %iota3A, %eq3A_312 : vector<16xi32>
    %broadcast_in_dim3A_314 = vector.broadcast %reduce_max3A_310 : f32 to vector<16xf32>
    %select_n3A_315 = arith.select %eq3A_313, %broadcast_in_dim3A_314, %select_n3A_304 : vector<16xi1>, vector<16xf32>
    %get3A_316 = arith.constant 448 : index
    %get3A_317 = tpu.vector_load %arg27[%get3A_316] {strides = array<i32>} : memref<640xf32, #tpu.memory_space<vmem>>, vector<16xf32>,
    %reduce_max3A_318 = arith.constant true
    %reduce_max3A_319 = vector.broadcast %reduce_max3A_318 : i1 to vector<16xi1>
    %reduce_max3A_320 = tpu.scan <max>, %get3A_317 masked %reduce_max3A_319 : vector<16xf32>, vector<16xi1> -> vector<16xf32>
    %reduce_max3A_321 = vector.extract %reduce_max3A_320[15] : f32 from vector<16xf32>
    %eq3A_322 = arith.constant 12 : i32
    %eq3A_323 = vector.broadcast %eq3A_322 : i32 to vector<16xi32>
    %eq3A_324 = arith.cmpi eq, %iota3A, %eq3A_323 : vector<16xi32>
    %broadcast_in_dim3A_325 = vector.broadcast %reduce_max3A_321 : f32 to vector<16xf32>
    %select_n3A_326 = arith.select %eq3A_324, %broadcast_in_dim3A_325, %select_n3A_315 : vector<16xi1>, vector<16xf32>
    %get3A_327 = arith.constant 464 : index
    %get3A_328 = tpu.vector_load %arg27[%get3A_327] {strides = array<i32>} : memref<640xf32, #tpu.memory_space<vmem>>, vector<16xf32>,
    %reduce_max3A_329 = arith.constant true
    %reduce_max3A_330 = vector.broadcast %reduce_max3A_329 : i1 to vector<16xi1>
    %reduce_max3A_331 = tpu.scan <max>, %get3A_328 masked %reduce_max3A_330 : vector<16xf32>, vector<16xi1> -> vector<16xf32>
    %reduce_max3A_332 = vector.extract %reduce_max3A_331[15] : f32 from vector<16xf32>
    %eq3A_333 = arith.constant 13 : i32
    %eq3A_334 = vector.broadcast %eq3A_333 : i32 to vector<16xi32>
    %eq3A_335 = arith.cmpi eq, %iota3A, %eq3A_334 : vector<16xi32>
    %broadcast_in_dim3A_336 = vector.broadcast %reduce_max3A_332 : f32 to vector<16xf32>
    %select_n3A_337 = arith.select %eq3A_335, %broadcast_in_dim3A_336, %select_n3A_326 : vector<16xi1>, vector<16xf32>
    %get3A_338 = arith.constant 480 : index
    %get3A_339 = tpu.vector_load %arg27[%get3A_338] {strides = array<i32>} : memref<640xf32, #tpu.memory_space<vmem>>, vector<16xf32>,
    %reduce_max3A_340 = arith.constant true
    %reduce_max3A_341 = vector.broadcast %reduce_max3A_340 : i1 to vector<16xi1>
    %reduce_max3A_342 = tpu.scan <max>, %get3A_339 masked %reduce_max3A_341 : vector<16xf32>, vector<16xi1> -> vector<16xf32>
    %reduce_max3A_343 = vector.extract %reduce_max3A_342[15] : f32 from vector<16xf32>
    %eq3A_344 = arith.constant 14 : i32
    %eq3A_345 = vector.broadcast %eq3A_344 : i32 to vector<16xi32>
    %eq3A_346 = arith.cmpi eq, %iota3A, %eq3A_345 : vector<16xi32>
    %broadcast_in_dim3A_347 = vector.broadcast %reduce_max3A_343 : f32 to vector<16xf32>
    %select_n3A_348 = arith.select %eq3A_346, %broadcast_in_dim3A_347, %select_n3A_337 : vector<16xi1>, vector<16xf32>
    %get3A_349 = arith.constant 496 : index
    %get3A_350 = tpu.vector_load %arg27[%get3A_349] {strides = array<i32>} : memref<640xf32, #tpu.memory_space<vmem>>, vector<16xf32>,
    %reduce_max3A_351 = arith.constant true
    %reduce_max3A_352 = vector.broadcast %reduce_max3A_351 : i1 to vector<16xi1>
    %reduce_max3A_353 = tpu.scan <max>, %get3A_350 masked %reduce_max3A_352 : vector<16xf32>, vector<16xi1> -> vector<16xf32>
    %reduce_max3A_354 = vector.extract %reduce_max3A_353[15] : f32 from vector<16xf32>
    %eq3A_355 = arith.constant 15 : i32
    %eq3A_356 = vector.broadcast %eq3A_355 : i32 to vector<16xi32>
    %eq3A_357 = arith.cmpi eq, %iota3A, %eq3A_356 : vector<16xi32>
    %broadcast_in_dim3A_358 = vector.broadcast %reduce_max3A_354 : f32 to vector<16xf32>
    %select_n3A_359 = arith.select %eq3A_357, %broadcast_in_dim3A_358, %select_n3A_348 : vector<16xi1>, vector<16xf32>
    %swap3A_360 = arith.constant 16 : index
    %swap3A_361 = tpu.vector_load %arg28[%swap3A_360] {strides = array<i32>} : memref<48xf32, #tpu.memory_space<vmem>>, vector<16xf32>,
    tpu.vector_store %arg28[%swap3A_360], %select_n3A_359 {strides = array<i32>} : memref<48xf32, #tpu.memory_space<vmem>>, vector<16xf32>,
    %broadcast_in_dim3A_362 = arith.constant -2.000000e+00 : f32
    %broadcast_in_dim3A_363 = vector.broadcast %broadcast_in_dim3A_362 : f32 to vector<16xf32>
    %get3A_364 = arith.constant 512 : index
    %get3A_365 = tpu.vector_load %arg27[%get3A_364] {strides = array<i32>} : memref<640xf32, #tpu.memory_space<vmem>>, vector<16xf32>,
    %reduce_max3A_366 = arith.constant true
    %reduce_max3A_367 = vector.broadcast %reduce_max3A_366 : i1 to vector<16xi1>
    %reduce_max3A_368 = tpu.scan <max>, %get3A_365 masked %reduce_max3A_367 : vector<16xf32>, vector<16xi1> -> vector<16xf32>
    %reduce_max3A_369 = vector.extract %reduce_max3A_368[15] : f32 from vector<16xf32>
    %eq3A_370 = arith.constant 0 : i32
    %eq3A_371 = vector.broadcast %eq3A_370 : i32 to vector<16xi32>
    %eq3A_372 = arith.cmpi eq, %iota3A, %eq3A_371 : vector<16xi32>
    %broadcast_in_dim3A_373 = vector.broadcast %reduce_max3A_369 : f32 to vector<16xf32>
    %select_n3A_374 = arith.select %eq3A_372, %broadcast_in_dim3A_373, %broadcast_in_dim3A_363 : vector<16xi1>, vector<16xf32>
    %get3A_375 = arith.constant 528 : index
    %get3A_376 = tpu.vector_load %arg27[%get3A_375] {strides = array<i32>} : memref<640xf32, #tpu.memory_space<vmem>>, vector<16xf32>,
    %reduce_max3A_377 = arith.constant true
    %reduce_max3A_378 = vector.broadcast %reduce_max3A_377 : i1 to vector<16xi1>
    %reduce_max3A_379 = tpu.scan <max>, %get3A_376 masked %reduce_max3A_378 : vector<16xf32>, vector<16xi1> -> vector<16xf32>
    %reduce_max3A_380 = vector.extract %reduce_max3A_379[15] : f32 from vector<16xf32>
    %eq3A_381 = arith.constant 1 : i32
    %eq3A_382 = vector.broadcast %eq3A_381 : i32 to vector<16xi32>
    %eq3A_383 = arith.cmpi eq, %iota3A, %eq3A_382 : vector<16xi32>
    %broadcast_in_dim3A_384 = vector.broadcast %reduce_max3A_380 : f32 to vector<16xf32>
    %select_n3A_385 = arith.select %eq3A_383, %broadcast_in_dim3A_384, %select_n3A_374 : vector<16xi1>, vector<16xf32>
    %get3A_386 = arith.constant 544 : index
    %get3A_387 = tpu.vector_load %arg27[%get3A_386] {strides = array<i32>} : memref<640xf32, #tpu.memory_space<vmem>>, vector<16xf32>,
    %reduce_max3A_388 = arith.constant true
    %reduce_max3A_389 = vector.broadcast %reduce_max3A_388 : i1 to vector<16xi1>
    %reduce_max3A_390 = tpu.scan <max>, %get3A_387 masked %reduce_max3A_389 : vector<16xf32>, vector<16xi1> -> vector<16xf32>
    %reduce_max3A_391 = vector.extract %reduce_max3A_390[15] : f32 from vector<16xf32>
    %eq3A_392 = arith.constant 2 : i32
    %eq3A_393 = vector.broadcast %eq3A_392 : i32 to vector<16xi32>
    %eq3A_394 = arith.cmpi eq, %iota3A, %eq3A_393 : vector<16xi32>
    %broadcast_in_dim3A_395 = vector.broadcast %reduce_max3A_391 : f32 to vector<16xf32>
    %select_n3A_396 = arith.select %eq3A_394, %broadcast_in_dim3A_395, %select_n3A_385 : vector<16xi1>, vector<16xf32>
    %get3A_397 = arith.constant 560 : index
    %get3A_398 = tpu.vector_load %arg27[%get3A_397] {strides = array<i32>} : memref<640xf32, #tpu.memory_space<vmem>>, vector<16xf32>,
    %reduce_max3A_399 = arith.constant true
    %reduce_max3A_400 = vector.broadcast %reduce_max3A_399 : i1 to vector<16xi1>
    %reduce_max3A_401 = tpu.scan <max>, %get3A_398 masked %reduce_max3A_400 : vector<16xf32>, vector<16xi1> -> vector<16xf32>
    %reduce_max3A_402 = vector.extract %reduce_max3A_401[15] : f32 from vector<16xf32>
    %eq3A_403 = arith.constant 3 : i32
    %eq3A_404 = vector.broadcast %eq3A_403 : i32 to vector<16xi32>
    %eq3A_405 = arith.cmpi eq, %iota3A, %eq3A_404 : vector<16xi32>
    %broadcast_in_dim3A_406 = vector.broadcast %reduce_max3A_402 : f32 to vector<16xf32>
    %select_n3A_407 = arith.select %eq3A_405, %broadcast_in_dim3A_406, %select_n3A_396 : vector<16xi1>, vector<16xf32>
    %get3A_408 = arith.constant 576 : index
    %get3A_409 = tpu.vector_load %arg27[%get3A_408] {strides = array<i32>} : memref<640xf32, #tpu.memory_space<vmem>>, vector<16xf32>,
    %reduce_max3A_410 = arith.constant true
    %reduce_max3A_411 = vector.broadcast %reduce_max3A_410 : i1 to vector<16xi1>
    %reduce_max3A_412 = tpu.scan <max>, %get3A_409 masked %reduce_max3A_411 : vector<16xf32>, vector<16xi1> -> vector<16xf32>
    %reduce_max3A_413 = vector.extract %reduce_max3A_412[15] : f32 from vector<16xf32>
    %eq3A_414 = arith.constant 4 : i32
    %eq3A_415 = vector.broadcast %eq3A_414 : i32 to vector<16xi32>
    %eq3A_416 = arith.cmpi eq, %iota3A, %eq3A_415 : vector<16xi32>
    %broadcast_in_dim3A_417 = vector.broadcast %reduce_max3A_413 : f32 to vector<16xf32>
    %select_n3A_418 = arith.select %eq3A_416, %broadcast_in_dim3A_417, %select_n3A_407 : vector<16xi1>, vector<16xf32>
    %get3A_419 = arith.constant 592 : index
    %get3A_420 = tpu.vector_load %arg27[%get3A_419] {strides = array<i32>} : memref<640xf32, #tpu.memory_space<vmem>>, vector<16xf32>,
    %reduce_max3A_421 = arith.constant true
    %reduce_max3A_422 = vector.broadcast %reduce_max3A_421 : i1 to vector<16xi1>
    %reduce_max3A_423 = tpu.scan <max>, %get3A_420 masked %reduce_max3A_422 : vector<16xf32>, vector<16xi1> -> vector<16xf32>
    %reduce_max3A_424 = vector.extract %reduce_max3A_423[15] : f32 from vector<16xf32>
    %eq3A_425 = arith.constant 5 : i32
    %eq3A_426 = vector.broadcast %eq3A_425 : i32 to vector<16xi32>
    %eq3A_427 = arith.cmpi eq, %iota3A, %eq3A_426 : vector<16xi32>
    %broadcast_in_dim3A_428 = vector.broadcast %reduce_max3A_424 : f32 to vector<16xf32>
    %select_n3A_429 = arith.select %eq3A_427, %broadcast_in_dim3A_428, %select_n3A_418 : vector<16xi1>, vector<16xf32>
    %get3A_430 = arith.constant 608 : index
    %get3A_431 = tpu.vector_load %arg27[%get3A_430] {strides = array<i32>} : memref<640xf32, #tpu.memory_space<vmem>>, vector<16xf32>,
    %reduce_max3A_432 = arith.constant true
    %reduce_max3A_433 = vector.broadcast %reduce_max3A_432 : i1 to vector<16xi1>
    %reduce_max3A_434 = tpu.scan <max>, %get3A_431 masked %reduce_max3A_433 : vector<16xf32>, vector<16xi1> -> vector<16xf32>
    %reduce_max3A_435 = vector.extract %reduce_max3A_434[15] : f32 from vector<16xf32>
    %eq3A_436 = arith.constant 6 : i32
    %eq3A_437 = vector.broadcast %eq3A_436 : i32 to vector<16xi32>
    %eq3A_438 = arith.cmpi eq, %iota3A, %eq3A_437 : vector<16xi32>
    %broadcast_in_dim3A_439 = vector.broadcast %reduce_max3A_435 : f32 to vector<16xf32>
    %select_n3A_440 = arith.select %eq3A_438, %broadcast_in_dim3A_439, %select_n3A_429 : vector<16xi1>, vector<16xf32>
    %get3A_441 = arith.constant 624 : index
    %get3A_442 = tpu.vector_load %arg27[%get3A_441] {strides = array<i32>} : memref<640xf32, #tpu.memory_space<vmem>>, vector<16xf32>,
    %reduce_max3A_443 = arith.constant true
    %reduce_max3A_444 = vector.broadcast %reduce_max3A_443 : i1 to vector<16xi1>
    %reduce_max3A_445 = tpu.scan <max>, %get3A_442 masked %reduce_max3A_444 : vector<16xf32>, vector<16xi1> -> vector<16xf32>
    %reduce_max3A_446 = vector.extract %reduce_max3A_445[15] : f32 from vector<16xf32>
    %eq3A_447 = arith.constant 7 : i32
    %eq3A_448 = vector.broadcast %eq3A_447 : i32 to vector<16xi32>
    %eq3A_449 = arith.cmpi eq, %iota3A, %eq3A_448 : vector<16xi32>
    %broadcast_in_dim3A_450 = vector.broadcast %reduce_max3A_446 : f32 to vector<16xf32>
    %select_n3A_451 = arith.select %eq3A_449, %broadcast_in_dim3A_450, %select_n3A_440 : vector<16xi1>, vector<16xf32>
    %swap3A_452 = arith.constant 32 : index
    %swap3A_453 = tpu.vector_load %arg28[%swap3A_452] {strides = array<i32>} : memref<48xf32, #tpu.memory_space<vmem>>, vector<16xf32>,
    tpu.vector_store %arg28[%swap3A_452], %select_n3A_451 {strides = array<i32>} : memref<48xf32, #tpu.memory_space<vmem>>, vector<16xf32>,
    %run_scoped3A = arith.constant 0 : i32
    "tpu.region"() ({
      %run_scoped3A_462 = tpu.sem_alloc : memref<!tpu.dma_semaphore, #tpu.memory_space<semaphore_mem>>
      %dma_start3A = tpu.memref_slice %arg11[%run_scoped3A, %multiple_of3A] : memref<6x20480xf32, #tpu.memory_space<hbm>> -> memref<1x640xf32, #tpu.memory_space<hbm>>
      %dma_start3A_463 = tpu.memref_squeeze %dma_start3A : memref<1x640xf32, #tpu.memory_space<hbm>> -> memref<640xf32, #tpu.memory_space<hbm>>
      %dma_start3A_464 = tpu.memref_slice %arg11[%run_scoped3A, %multiple_of3A] : memref<6x20480xf32, #tpu.memory_space<hbm>> -> memref<1x640xf32, #tpu.memory_space<hbm>>
      %dma_start3A_465 = tpu.memref_squeeze %dma_start3A_464 : memref<1x640xf32, #tpu.memory_space<hbm>> -> memref<640xf32, #tpu.memory_space<hbm>>
      tpu.enqueue_dma source(%arg22 : memref<640xf32, #tpu.memory_space<vmem>>) target(%dma_start3A_465 : memref<640xf32, #tpu.memory_space<hbm>>) target_semaphore(%run_scoped3A_462 : memref<!tpu.dma_semaphore, #tpu.memory_space<semaphore_mem>>)
      %dma_wait3A = tpu.memref_slice %arg11[%run_scoped3A, %multiple_of3A] : memref<6x20480xf32, #tpu.memory_space<hbm>> -> memref<1x640xf32, #tpu.memory_space<hbm>>
      %dma_wait3A_466 = tpu.memref_squeeze %dma_wait3A : memref<1x640xf32, #tpu.memory_space<hbm>> -> memref<640xf32, #tpu.memory_space<hbm>>
      %dma_wait3A_467 = tpu.memref_slice %arg11[%run_scoped3A, %multiple_of3A] : memref<6x20480xf32, #tpu.memory_space<hbm>> -> memref<1x640xf32, #tpu.memory_space<hbm>>
      %dma_wait3A_468 = tpu.memref_squeeze %dma_wait3A_467 : memref<1x640xf32, #tpu.memory_space<hbm>> -> memref<640xf32, #tpu.memory_space<hbm>>
      tpu.wait_dma2 semaphore(%run_scoped3A_462 : memref<!tpu.dma_semaphore, #tpu.memory_space<semaphore_mem>>) src(%arg22 : memref<640xf32, #tpu.memory_space<vmem>>) dst(%dma_wait3A_468 : memref<640xf32, #tpu.memory_space<hbm>>)
      tpu.yield
    }) : () -> ()
    %run_scoped3A_454 = arith.constant 1 : i32
    "tpu.region"() ({
      %run_scoped3A_462 = tpu.sem_alloc : memref<!tpu.dma_semaphore, #tpu.memory_space<semaphore_mem>>
      %dma_start3A = tpu.memref_slice %arg11[%run_scoped3A_454, %multiple_of3A] : memref<6x20480xf32, #tpu.memory_space<hbm>> -> memref<1x640xf32, #tpu.memory_space<hbm>>
      %dma_start3A_463 = tpu.memref_squeeze %dma_start3A : memref<1x640xf32, #tpu.memory_space<hbm>> -> memref<640xf32, #tpu.memory_space<hbm>>
      %dma_start3A_464 = tpu.memref_slice %arg11[%run_scoped3A_454, %multiple_of3A] : memref<6x20480xf32, #tpu.memory_space<hbm>> -> memref<1x640xf32, #tpu.memory_space<hbm>>
      %dma_start3A_465 = tpu.memref_squeeze %dma_start3A_464 : memref<1x640xf32, #tpu.memory_space<hbm>> -> memref<640xf32, #tpu.memory_space<hbm>>
      tpu.enqueue_dma source(%arg23 : memref<640xf32, #tpu.memory_space<vmem>>) target(%dma_start3A_465 : memref<640xf32, #tpu.memory_space<hbm>>) target_semaphore(%run_scoped3A_462 : memref<!tpu.dma_semaphore, #tpu.memory_space<semaphore_mem>>)
      %dma_wait3A = tpu.memref_slice %arg11[%run_scoped3A_454, %multiple_of3A] : memref<6x20480xf32, #tpu.memory_space<hbm>> -> memref<1x640xf32, #tpu.memory_space<hbm>>
      %dma_wait3A_466 = tpu.memref_squeeze %dma_wait3A : memref<1x640xf32, #tpu.memory_space<hbm>> -> memref<640xf32, #tpu.memory_space<hbm>>
      %dma_wait3A_467 = tpu.memref_slice %arg11[%run_scoped3A_454, %multiple_of3A] : memref<6x20480xf32, #tpu.memory_space<hbm>> -> memref<1x640xf32, #tpu.memory_space<hbm>>
      %dma_wait3A_468 = tpu.memref_squeeze %dma_wait3A_467 : memref<1x640xf32, #tpu.memory_space<hbm>> -> memref<640xf32, #tpu.memory_space<hbm>>
      tpu.wait_dma2 semaphore(%run_scoped3A_462 : memref<!tpu.dma_semaphore, #tpu.memory_space<semaphore_mem>>) src(%arg23 : memref<640xf32, #tpu.memory_space<vmem>>) dst(%dma_wait3A_468 : memref<640xf32, #tpu.memory_space<hbm>>)
      tpu.yield
    }) : () -> ()
    %run_scoped3A_455 = arith.constant 2 : i32
    "tpu.region"() ({
      %run_scoped3A_462 = tpu.sem_alloc : memref<!tpu.dma_semaphore, #tpu.memory_space<semaphore_mem>>
      %dma_start3A = tpu.memref_slice %arg11[%run_scoped3A_455, %multiple_of3A] : memref<6x20480xf32, #tpu.memory_space<hbm>> -> memref<1x640xf32, #tpu.memory_space<hbm>>
      %dma_start3A_463 = tpu.memref_squeeze %dma_start3A : memref<1x640xf32, #tpu.memory_space<hbm>> -> memref<640xf32, #tpu.memory_space<hbm>>
      %dma_start3A_464 = tpu.memref_slice %arg11[%run_scoped3A_455, %multiple_of3A] : memref<6x20480xf32, #tpu.memory_space<hbm>> -> memref<1x640xf32, #tpu.memory_space<hbm>>
      %dma_start3A_465 = tpu.memref_squeeze %dma_start3A_464 : memref<1x640xf32, #tpu.memory_space<hbm>> -> memref<640xf32, #tpu.memory_space<hbm>>
      tpu.enqueue_dma source(%arg24 : memref<640xf32, #tpu.memory_space<vmem>>) target(%dma_start3A_465 : memref<640xf32, #tpu.memory_space<hbm>>) target_semaphore(%run_scoped3A_462 : memref<!tpu.dma_semaphore, #tpu.memory_space<semaphore_mem>>)
      %dma_wait3A = tpu.memref_slice %arg11[%run_scoped3A_455, %multiple_of3A] : memref<6x20480xf32, #tpu.memory_space<hbm>> -> memref<1x640xf32, #tpu.memory_space<hbm>>
      %dma_wait3A_466 = tpu.memref_squeeze %dma_wait3A : memref<1x640xf32, #tpu.memory_space<hbm>> -> memref<640xf32, #tpu.memory_space<hbm>>
      %dma_wait3A_467 = tpu.memref_slice %arg11[%run_scoped3A_455, %multiple_of3A] : memref<6x20480xf32, #tpu.memory_space<hbm>> -> memref<1x640xf32, #tpu.memory_space<hbm>>
      %dma_wait3A_468 = tpu.memref_squeeze %dma_wait3A_467 : memref<1x640xf32, #tpu.memory_space<hbm>> -> memref<640xf32, #tpu.memory_space<hbm>>
      tpu.wait_dma2 semaphore(%run_scoped3A_462 : memref<!tpu.dma_semaphore, #tpu.memory_space<semaphore_mem>>) src(%arg24 : memref<640xf32, #tpu.memory_space<vmem>>) dst(%dma_wait3A_468 : memref<640xf32, #tpu.memory_space<hbm>>)
      tpu.yield
    }) : () -> ()
    %run_scoped3A_456 = arith.constant 3 : i32
    "tpu.region"() ({
      %run_scoped3A_462 = tpu.sem_alloc : memref<!tpu.dma_semaphore, #tpu.memory_space<semaphore_mem>>
      %dma_start3A = tpu.memref_slice %arg11[%run_scoped3A_456, %multiple_of3A] : memref<6x20480xf32, #tpu.memory_space<hbm>> -> memref<1x640xf32, #tpu.memory_space<hbm>>
      %dma_start3A_463 = tpu.memref_squeeze %dma_start3A : memref<1x640xf32, #tpu.memory_space<hbm>> -> memref<640xf32, #tpu.memory_space<hbm>>
      %dma_start3A_464 = tpu.memref_slice %arg11[%run_scoped3A_456, %multiple_of3A] : memref<6x20480xf32, #tpu.memory_space<hbm>> -> memref<1x640xf32, #tpu.memory_space<hbm>>
      %dma_start3A_465 = tpu.memref_squeeze %dma_start3A_464 : memref<1x640xf32, #tpu.memory_space<hbm>> -> memref<640xf32, #tpu.memory_space<hbm>>
      tpu.enqueue_dma source(%arg25 : memref<640xf32, #tpu.memory_space<vmem>>) target(%dma_start3A_465 : memref<640xf32, #tpu.memory_space<hbm>>) target_semaphore(%run_scoped3A_462 : memref<!tpu.dma_semaphore, #tpu.memory_space<semaphore_mem>>)
      %dma_wait3A = tpu.memref_slice %arg11[%run_scoped3A_456, %multiple_of3A] : memref<6x20480xf32, #tpu.memory_space<hbm>> -> memref<1x640xf32, #tpu.memory_space<hbm>>
      %dma_wait3A_466 = tpu.memref_squeeze %dma_wait3A : memref<1x640xf32, #tpu.memory_space<hbm>> -> memref<640xf32, #tpu.memory_space<hbm>>
      %dma_wait3A_467 = tpu.memref_slice %arg11[%run_scoped3A_456, %multiple_of3A] : memref<6x20480xf32, #tpu.memory_space<hbm>> -> memref<1x640xf32, #tpu.memory_space<hbm>>
      %dma_wait3A_468 = tpu.memref_squeeze %dma_wait3A_467 : memref<1x640xf32, #tpu.memory_space<hbm>> -> memref<640xf32, #tpu.memory_space<hbm>>
      tpu.wait_dma2 semaphore(%run_scoped3A_462 : memref<!tpu.dma_semaphore, #tpu.memory_space<semaphore_mem>>) src(%arg25 : memref<640xf32, #tpu.memory_space<vmem>>) dst(%dma_wait3A_468 : memref<640xf32, #tpu.memory_space<hbm>>)
      tpu.yield
    }) : () -> ()
    %run_scoped3A_457 = arith.constant 4 : i32
    "tpu.region"() ({
      %run_scoped3A_462 = tpu.sem_alloc : memref<!tpu.dma_semaphore, #tpu.memory_space<semaphore_mem>>
      %dma_start3A = tpu.memref_slice %arg11[%run_scoped3A_457, %multiple_of3A] : memref<6x20480xf32, #tpu.memory_space<hbm>> -> memref<1x640xf32, #tpu.memory_space<hbm>>
      %dma_start3A_463 = tpu.memref_squeeze %dma_start3A : memref<1x640xf32, #tpu.memory_space<hbm>> -> memref<640xf32, #tpu.memory_space<hbm>>
      %dma_start3A_464 = tpu.memref_slice %arg11[%run_scoped3A_457, %multiple_of3A] : memref<6x20480xf32, #tpu.memory_space<hbm>> -> memref<1x640xf32, #tpu.memory_space<hbm>>
      %dma_start3A_465 = tpu.memref_squeeze %dma_start3A_464 : memref<1x640xf32, #tpu.memory_space<hbm>> -> memref<640xf32, #tpu.memory_space<hbm>>
      tpu.enqueue_dma source(%arg26 : memref<640xf32, #tpu.memory_space<vmem>>) target(%dma_start3A_465 : memref<640xf32, #tpu.memory_space<hbm>>) target_semaphore(%run_scoped3A_462 : memref<!tpu.dma_semaphore, #tpu.memory_space<semaphore_mem>>)
      %dma_wait3A = tpu.memref_slice %arg11[%run_scoped3A_457, %multiple_of3A] : memref<6x20480xf32, #tpu.memory_space<hbm>> -> memref<1x640xf32, #tpu.memory_space<hbm>>
      %dma_wait3A_466 = tpu.memref_squeeze %dma_wait3A : memref<1x640xf32, #tpu.memory_space<hbm>> -> memref<640xf32, #tpu.memory_space<hbm>>
      %dma_wait3A_467 = tpu.memref_slice %arg11[%run_scoped3A_457, %multiple_of3A] : memref<6x20480xf32, #tpu.memory_space<hbm>> -> memref<1x640xf32, #tpu.memory_space<hbm>>
      %dma_wait3A_468 = tpu.memref_squeeze %dma_wait3A_467 : memref<1x640xf32, #tpu.memory_space<hbm>> -> memref<640xf32, #tpu.memory_space<hbm>>
      tpu.wait_dma2 semaphore(%run_scoped3A_462 : memref<!tpu.dma_semaphore, #tpu.memory_space<semaphore_mem>>) src(%arg26 : memref<640xf32, #tpu.memory_space<vmem>>) dst(%dma_wait3A_468 : memref<640xf32, #tpu.memory_space<hbm>>)
      tpu.yield
    }) : () -> ()
    %run_scoped3A_458 = arith.constant 5 : i32
    "tpu.region"() ({
      %run_scoped3A_462 = tpu.sem_alloc : memref<!tpu.dma_semaphore, #tpu.memory_space<semaphore_mem>>
      %dma_start3A = tpu.memref_slice %arg11[%run_scoped3A_458, %multiple_of3A] : memref<6x20480xf32, #tpu.memory_space<hbm>> -> memref<1x640xf32, #tpu.memory_space<hbm>>
      %dma_start3A_463 = tpu.memref_squeeze %dma_start3A : memref<1x640xf32, #tpu.memory_space<hbm>> -> memref<640xf32, #tpu.memory_space<hbm>>
      %dma_start3A_464 = tpu.memref_slice %arg11[%run_scoped3A_458, %multiple_of3A] : memref<6x20480xf32, #tpu.memory_space<hbm>> -> memref<1x640xf32, #tpu.memory_space<hbm>>
      %dma_start3A_465 = tpu.memref_squeeze %dma_start3A_464 : memref<1x640xf32, #tpu.memory_space<hbm>> -> memref<640xf32, #tpu.memory_space<hbm>>
      tpu.enqueue_dma source(%arg27 : memref<640xf32, #tpu.memory_space<vmem>>) target(%dma_start3A_465 : memref<640xf32, #tpu.memory_space<hbm>>) target_semaphore(%run_scoped3A_462 : memref<!tpu.dma_semaphore, #tpu.memory_space<semaphore_mem>>)
      %dma_wait3A = tpu.memref_slice %arg11[%run_scoped3A_458, %multiple_of3A] : memref<6x20480xf32, #tpu.memory_space<hbm>> -> memref<1x640xf32, #tpu.memory_space<hbm>>
      %dma_wait3A_466 = tpu.memref_squeeze %dma_wait3A : memref<1x640xf32, #tpu.memory_space<hbm>> -> memref<640xf32, #tpu.memory_space<hbm>>
      %dma_wait3A_467 = tpu.memref_slice %arg11[%run_scoped3A_458, %multiple_of3A] : memref<6x20480xf32, #tpu.memory_space<hbm>> -> memref<1x640xf32, #tpu.memory_space<hbm>>
      %dma_wait3A_468 = tpu.memref_squeeze %dma_wait3A_467 : memref<1x640xf32, #tpu.memory_space<hbm>> -> memref<640xf32, #tpu.memory_space<hbm>>
      tpu.wait_dma2 semaphore(%run_scoped3A_462 : memref<!tpu.dma_semaphore, #tpu.memory_space<semaphore_mem>>) src(%arg27 : memref<640xf32, #tpu.memory_space<vmem>>) dst(%dma_wait3A_468 : memref<640xf32, #tpu.memory_space<hbm>>)
      tpu.yield
    }) : () -> ()
    %mul3A_459 = arith.constant 40 : i32
    %mul3A_460 = arith.muli %add3A, %mul3A_459 : i32
    %multiple_of3A_461 = tpu.assume_multiple %mul3A_460, 8 : i32
    "tpu.region"() ({
      %run_scoped3A_462 = tpu.sem_alloc : memref<!tpu.dma_semaphore, #tpu.memory_space<semaphore_mem>>
      %dma_start3A = arith.constant 0 : i32
      %dma_start3A_463 = tpu.memref_slice %arg28[%dma_start3A] : memref<48xf32, #tpu.memory_space<vmem>> -> memref<40xf32, #tpu.memory_space<vmem>>
      %dma_start3A_464 = tpu.memref_slice %arg12[%multiple_of3A_461] : memref<1280xf32, #tpu.memory_space<hbm>> -> memref<40xf32, #tpu.memory_space<hbm>>
      %dma_start3A_465 = tpu.memref_slice %arg12[%multiple_of3A_461] : memref<1280xf32, #tpu.memory_space<hbm>> -> memref<40xf32, #tpu.memory_space<hbm>>
      %dma_start3A_466 = arith.constant 0 : i32
      %dma_start3A_467 = tpu.memref_slice %arg28[%dma_start3A_466] : memref<48xf32, #tpu.memory_space<vmem>> -> memref<40xf32, #tpu.memory_space<vmem>>
      tpu.enqueue_dma source(%dma_start3A_467 : memref<40xf32, #tpu.memory_space<vmem>>) target(%dma_start3A_465 : memref<40xf32, #tpu.memory_space<hbm>>) target_semaphore(%run_scoped3A_462 : memref<!tpu.dma_semaphore, #tpu.memory_space<semaphore_mem>>)
      %dma_wait3A = arith.constant 0 : i32
      %dma_wait3A_468 = tpu.memref_slice %arg28[%dma_wait3A] : memref<48xf32, #tpu.memory_space<vmem>> -> memref<40xf32, #tpu.memory_space<vmem>>
      %dma_wait3A_469 = tpu.memref_slice %arg12[%multiple_of3A_461] : memref<1280xf32, #tpu.memory_space<hbm>> -> memref<40xf32, #tpu.memory_space<hbm>>
      %dma_wait3A_470 = tpu.memref_slice %arg12[%multiple_of3A_461] : memref<1280xf32, #tpu.memory_space<hbm>> -> memref<40xf32, #tpu.memory_space<hbm>>
      %dma_wait3A_471 = arith.constant 0 : i32
      %dma_wait3A_472 = tpu.memref_slice %arg28[%dma_wait3A_471] : memref<48xf32, #tpu.memory_space<vmem>> -> memref<40xf32, #tpu.memory_space<vmem>>
      tpu.wait_dma2 semaphore(%run_scoped3A_462 : memref<!tpu.dma_semaphore, #tpu.memory_space<semaphore_mem>>) src(%dma_wait3A_472 : memref<40xf32, #tpu.memory_space<vmem>>) dst(%dma_wait3A_470 : memref<40xf32, #tpu.memory_space<hbm>>)
      tpu.yield
    }) : () -> ()
    return
  }
}

</mosaic_0001>

<sc_bundles>
// kernel: kernel.4.cloned.1.call-start
scs
__scs_entry_jumppad:
0x0: {  	(pc) =	sbr.rel $0x88, $3  }
0x1: {  	(tag) =	ssettag $0x0;
	lr =	simm.s32 $0x1  }
0x2: {  	[smem:$0x3F9E] =	sst lr;
	_ =	strace $0xD0000000  }
0x3: {  	_ = 	snop  }
0x4: {  	_ = 	snop  }
0x5: {  	_ = 	snop  }
0x6: {  	_ = 	snop  }
0x7: {  	_ = 	snop  }
__scs_overlays_trampoline_lowered:
0x8: {  	[smem:$0x3FAD] =	sst s0  }
0x9: {  	[smem:$0x3FAE] =	sst s1  }
0xa: {  	[smem:$0x3FAF] =	sst s2  }
0xb: {  	[smem:$0x3FB0] =	sst s3  }
0xc: {  	[smem:$0x3FB1] =	sst s4  }
0xd: {  	[smem:$0x3FB2] =	sst s5  }
0xe: {  	[smem:$0x3FB3] =	sst s6  }
0xf: {  	[smem:$0x3FB4] =	sst s7  }
0x10: {  	[smem:$0x3FB5] =	sst s8  }
0x11: {  	[smem:$0x3FB6] =	sst s9;
	s0 =	simm.s32 @!p0 $0x0  }
0x12: {  	s1 =	sld [smem:$0x3F9C];
	s0 =	simm.s32 @p0 $0x1  }
0x13: {  	[smem:$0x3FB7] =	sst s0;
	s0 =	simm.s32 @!p1 $0x0  }
0x14: {  	s2 =	sld [smem:$0x3F9B];
	s0 =	simm.s32 @p1 $0x1  }
0x15: {  	[smem:$0x3FB8] =	sst s0;
	s0 =	simm.s32 @!p2 $0x0  }
0x16: {  	s3 =	sld [smem:$0x3FDB];
	s0 =	simm.s32 @p2 $0x1  }
0x17: {  	s4 =	simm.s32 $0x1BF5;
	[smem:$0x3FBA] =	sst s0  }
0x18: {  	s0 =	sld [smem:$0x3F9D];
	_ =	swait.ge [sflag:s4], $0x0  }
0x19: {  	s7 =	sld [smem:$0x3F9E]  }
0x1a: {  	s8 =	sadd.s32 $0xFFFFE003, lr  }
0x1b: {  	s9 =	sadd.s32 $0xFFFFFEF7, lr;
	s5 =	simm.s32 $0xFFFFFFFF;
	p2 =	slt.u32 s8, $0xFFFFF086  }
0x1c: {  	p1 =	slt.u32 s9, $0xF7A;
	s5 =	simm.s32 @!p2 $0x0  }
0x1d: {  	s5 =	simm.s32 @p1 $0x1;
	p0 =	seq.s32 s7, s2  }
0x1e: {  	s7 =	smul.u32 @!p0 $0xF7A, s2;
	p2 =	seq.s32 @!p0 s5, $0x0  }
0x1f: {  	s9 =	smul.u32 $0xF7A, s1;
	s8 =	simm.s32 @!p0 $0x1BF5;
	p2 =	por !p2, p0  }
0x20: {  	[sflag:s8] =	ssyncset.s32 @!p0 $0xFFFFF086;
	s6 =	sadd.s32 @!p0 s3, s7;
	s7 =	simm.s32 @!p0 $0x108  }
0x21: {  	s3 =	sadd.s32 s3, s9;
	s6 =	sadd.s32 @!p0 $0x88, s6;
	s7 =	simm.s32 @p2 $0x1082  }
0x22: {  	[simem:s7], [sflag:s8] =	dma.local @!p0 [hbm:s6], $0xF7A  }
0x23: {  	s9 =	sor.u32 $0xD0000000, s2;
	s6 =	simm.s32 $0x108;
	_ =	swait.ge @!p0 [sflag:s8], $0x0  }
0x24: {  	s3 =	sadd.s32 $0x88, s3;
	s6 =	simm.s32 @!p1 $0x1082;
	[sflag:s4] =	ssyncset.s32 $0xFFFFF086  }
0x25: {  	[simem:s6], [sflag:s4] =	dma.local [hbm:s3], $0xF7A  }
0x26: {  	[smem:$0x3F9E] =	sst s1;
	(tag) =	ssettag s2;
	_ =	strace s9  }
0x27: {  	s1 =	sld [smem:$0x3FAE]  }
0x28: {  	s2 =	sld [smem:$0x3FAF]  }
0x29: {  	s4 =	sld [smem:$0x3FB1]  }
0x2a: {  	p0 =	seq.s32 s5, $0x0;
	s5 =	sld [smem:$0x3FB2]  }
0x2b: {  	s6 =	sld [smem:$0x3FB3]  }
0x2c: {  	s7 =	sld [smem:$0x3FB4]  }
0x2d: {  	s3 =	simm.s32 $0x108;
	s8 =	sld [smem:$0x3FB5]  }
0x2e: {  	s3 =	simm.s32 @!p0 $0x1082;
	s9 =	sld [smem:$0x3FB6]  }
0x2f: {  	lr =	sadd.s32 s0, s3;
	s0 =	sld [smem:$0x3FAD]  }
0x30: {  	s3 =	sld [smem:$0x3FB0]  }
0x31: {  	[smem:$0x3FB9] =	sst s10  }
0x32: {  	s10 =	sld [smem:$0x3FB7];
	_ =	sdelay $0x3  }
0x33: {  	p0 =	seq.s32 s10, $0x1;
	s10 =	sld [smem:$0x3FB9];
	_ =	sdelay $0x3  }
0x34: {  	[smem:$0x3FB9] =	sst s10  }
0x35: {  	s10 =	sld [smem:$0x3FB8];
	_ =	sdelay $0x3  }
0x36: {  	p1 =	seq.s32 s10, $0x1;
	s10 =	sld [smem:$0x3FB9];
	_ =	sdelay $0x3  }
0x37: {  	[smem:$0x3FB9] =	sst s10  }
0x38: {  	s10 =	sld [smem:$0x3FBA]  }
0x39: {  	_ = 	snop;
	(pc) =	sbr.ind lr, $3  }
0x3a: {  	_ = 	snop  }
0x3b: {  	_ = 	snop  }
0x3c: {  	p2 =	seq.s32 s10, $0x1;
	s10 =	sld [smem:$0x3FB9]  }
0x3d: {  	_ =	shalt  }
0x3e: {  	_ =	shalt  }
0x3f: {  	_ =	shalt  }
0x40: {  	_ =	shalt  }
0x41: {  	_ =	shalt  }
0x42: {  	_ =	shalt  }
0x43: {  	_ =	shalt  }
0x44: {  	_ =	shalt  }
0x45: {  	_ =	shalt  }
0x46: {  	_ =	shalt  }
0x47: {  	_ =	shalt  }
0x48: {  	_ =	shalt  }
0x49: {  	_ =	shalt  }
0x4a: {  	_ =	shalt  }
0x4b: {  	_ =	shalt  }
0x4c: {  	_ =	shalt  }
0x4d: {  	_ =	shalt  }
0x4e: {  	_ =	shalt  }
0x4f: {  	_ =	shalt  }
0x50: {  	_ =	shalt  }
0x51: {  	_ =	shalt  }
0x52: {  	_ =	shalt  }
0x53: {  	_ =	shalt  }
0x54: {  	_ =	shalt  }
0x55: {  	_ =	shalt  }
0x56: {  	_ =	shalt  }
0x57: {  	_ =	shalt  }
0x58: {  	_ =	shalt  }
0x59: {  	_ =	shalt  }
0x5a: {  	_ =	shalt  }
0x5b: {  	_ =	shalt  }
0x5c: {  	_ =	shalt  }
0x5d: {  	_ =	shalt  }
0x5e: {  	_ =	shalt  }
0x5f: {  	_ =	shalt  }
0x60: {  	_ =	shalt  }
0x61: {  	_ =	shalt  }
0x62: {  	_ =	shalt  }
0x63: {  	_ =	shalt  }
0x64: {  	_ =	shalt  }
0x65: {  	_ =	shalt  }
0x66: {  	_ =	shalt  }
0x67: {  	_ =	shalt  }
0x68: {  	_ =	shalt  }
0x69: {  	_ =	shalt  }
0x6a: {  	_ =	shalt  }
0x6b: {  	_ =	shalt  }
0x6c: {  	_ =	shalt  }
0x6d: {  	_ =	shalt  }
0x6e: {  	_ =	shalt  }
0x6f: {  	_ =	shalt  }
0x70: {  	_ =	shalt  }
0x71: {  	_ =	shalt  }
0x72: {  	_ =	shalt  }
0x73: {  	_ =	shalt  }
0x74: {  	_ =	shalt  }
0x75: {  	_ =	shalt  }
0x76: {  	_ =	shalt  }
0x77: {  	_ =	shalt  }
0x78: {  	_ =	shalt  }
0x79: {  	_ =	shalt  }
0x7a: {  	_ =	shalt  }
0x7b: {  	_ =	shalt  }
0x7c: {  	_ =	shalt  }
0x7d: {  	_ =	shalt  }
0x7e: {  	_ =	shalt  }
0x7f: {  	_ =	shalt  }
0x80: {  	_ =	shalt  }
0x81: {  	_ =	shalt  }
0x82: {  	_ =	shalt  }
0x83: {  	_ =	shalt  }
0x84: {  	_ =	shalt  }
0x85: {  	_ =	shalt  }
0x86: {  	_ =	shalt  }
0x87: {  	_ =	shalt  }
.Lfunc_end0:
.L_simem_size_0:
called_computation_lowered:
.L_overlay_start_0:
0x88: {  	s2 =	sld [smem:$0x3FD9]  }
0x89: {  	s3 =	sld [smem:$0x3FFE];
	_ =	sdelay $0x1  }
0x8a: {  	s1 =	srdreg.scid  }
0x8b: {  	s0 =	sand.u32 $0x1, s1  }
0x8c: {  	s16 =	sshll.u32 s0, $0xA;
	s2 =	sadd.s32 s3, s2  }
0x8d: {  	s2 =	sadd.s32 s2, s16  }
0x8e: {  	[smem:$0x3FC5] =	sst s2  }
0x8f: {  	_ = 	snop  }
0x90: {  	(tm) =	ssettm $0x1  }
0x91: {  	s17 =	sld [smem:$0x3FFB];
	_ =	sdelay $0x3  }
0x92: {  	_ =	strace s17  }
0x93: {  	s2 =	sld [smem:$0x3FFC];
	_ =	sdelay $0x3  }
0x94: {  	_ =	strace s2  }
0x95: {  	s2 =	sld [smem:$0x3FFD];
	_ =	sdelay $0x3  }
0x96: {  	_ =	strace s2  }
0x97: {  	_ =	strace $0x8FFFFFFF  }
0x98: {  	s18 =	sld [smem:$0x3FDB];
	_ =	sdelay $0x1  }
0x99: {  	s19 =	simm.s32 $_scs_section_size  }
0x9a: {  	s4 =	simm.s32 $_size__tile_overlayer_lowered;
	s5 =	simm.s32 $_tile_overlayer_lowered  }
0x9b: {  	s22 =	simm.s32 $0x1BFF;
	s21 =	sshll.u32 s5, $0x1;
	s2 =	sadd.s32 s19, s18  }
0x9c: {  	s6 =	simm.s32 $0x0;
	s20 =	sshll.u32 s4, $0x1;
	s4 =	sadd.s32 s21, s2  }
0x9d: {  	[timem:s6], [sflag:s22] =	dma.local [hbm:s4], s20  }
0x9e: {  	_ =	swait.ge [sflag:s22], s20  }
0x9f: {  	s3 =	ssub.s32 $0x0, s20;
	[sflag:s22] =	ssyncset.done $0x0  }
0xa0: {  	[sflag:s22] =	ssyncadd.s32 s3;
	_ =	sdelay $0x1  }
0xa1: {  	s23 =	simm.s32 $0x1B8B  }
0xa2: {  	_ =	swait.ge [sflag:s23], $0x1  }
0xa3: {  	[sflag:s23] =	ssyncset.done $0x0  }
0xa4: {  	s25 =	simm.s32 $0x1B8E;
	s24 =	sld [smem:$0x3FFE];
	[sflag:s23] =	ssyncadd.s32 $0xFFFFFFFF  }
0xa5: {  	s26 =	simm.s32 $execute0_lowered;
	[smem:$0x3FD2] =	sst s25  }
0xa6: {  	s4 =	sshll.u32 s26, $0x1;
	_ =	strace $0x80000046;
	[dreg:$0x1] =	wrdreg $0xFFFFFFFF  }
0xa7: {  	s28 =	simm.s32 $_size_execute0_lowered;
	s2 =	sadd.s32 s2, s4;
	[dreg:$0x0] =	wrdreg $0x0  }
0xa8: {  	s4 =	sshll.u32 s28, $0x1;
	[dreg:$0x2] =	wrdreg s2  }
0xa9: {  	[dreg:$0x3] =	wrdreg s4  }
0xaa: {  	[dreg:$0x4] =	wrdreg $0xC0  }
0xab: {  	_ =	task [dreg:s6], $0x5FFFF  }
0xac: {  	[dreg:$0x1] =	wrdreg $0xFFFFFFFF  }
0xad: {  	[dreg:$0x0] =	wrdreg $0x60  }
0xae: {  	[dreg:$0x2] =	wrdreg s24  }
0xaf: {  	[dreg:$0x3] =	wrdreg $0x9  }
0xb0: {  	_ =	task.clear_ibuf [dreg:s6], $0x4FFFF;
	_ =	strace $0x90000046  }
0xb1: {  	s29 =	simm.s32 $0x9;
	_ =	strace $0x80000048  }
0xb2: {  	_ =	swait.ge [sflag:s29], $0x1  }
0xb3: {  	[sflag:s29] =	ssyncadd.s32 $0xFFFFFFFF  }
0xb4: {  	_ =	strace $0x90000048  }
0xb5: {  	_ =	sfence  }
0xb6: {  	s30 =	sld [smem:$0x0];
	_ =	sdelay $0x2  }
0xb7: {  	s31 =	sshll.u32 s1, $0xD;
	s1 =	sshrl.u32 s1, $0x2  }
0xb8: {  	s3 =	sand.u32 $0x4000, s31;
	s1 =	sadd.s32 s1, s30  }
0xb9: {  	s0 =	sor.u32 s3, s0;
	s1 =	sshll.u32 s1, $0x11  }
0xba: {  	s0 =	sor.u32 s1, s0  }
0xbb: {  	s0 =	sadd.s32 $0x8F2B, s0  }
0xbc: {  	[sflag:s0] =	ssyncadd.remote.s32 $0x1  }
0xbd: {  	_ =	sfence.sel $0xFFFF  }
0xbe: {  	[dreg:$0x0] =	wrdreg $0xFFFFFFFF;
	(pc) =	sbr.abs _section_cstart, $3  }
0xbf: {  	[dreg:$0x1] =	wrdreg $0xFFFFFFFF  }
0xc0: {  	_ =	task.clear_ibuf [dreg:s6], $0x2FFFF;
	_ =	strace $0x9FFFFFFF  }
0xc1: {  	(tm) =	ssettm $0x7FFFFFFF  }
tec
execute0_lowered:
.L_overlay_start_1:
0x0: {  	(tag) =	ssettag $0x1  }
0x1: {  	s0 =	srdreg.scid;
	s1 =	stileid.u32  }
0x2: {  	s3 =	rddreg [dreg:$0x0];
	s2 =	simm.s32 $0x0;
	s20 =	simm.s32 $0x1  }
0x3: {  	s30 =	simm.s32 $0x80;
	s31 =	simm.s32 $0x400;
	s21 =	simm.s32 $0x1B80  }
0x4: {  	s22 =	simm.s32 $0x1E00;
	s0 =	sand.u32 $0x1, s0;
	s1 =	sshll.u32 s1, $0x1  }
0x5: {  	s23 =	simm.s32 $0x2080;
	s24 =	simm.s32 $0x2300;
	s1 =	sor.u32 s0, s1  }
0x6: {  	s25 =	simm.s32 $0x2580;
	s26 =	simm.s32 $0x0;
	s4 =	smul.u32 $0x50, s1  }
0x7: {  	vm1 =	vmmov $0x3;
	v1 =	vimm.s32 $0x0;
	[smem:$0x7FF] =	sst s2;
	s0 =	ssub.s32 $0x2, s0;
	s5 =	smul.u32 $0x280, s1  }
0x8: {  	v1 =	vsel vm1, $0xFFFFFFFF, v1;
	_ =	strace $0x80000047;
	s1 =	smul.u32 $0x5, s1;
	s29 =	sshrl.u32 s0, $0x1  }
0x9: {  	v0 =	vimm.s32 $0x0;
	vm1 =	vmmov $0x7;
	[tilespmem:$0x1FFC0] =	vst v1;
	v1 =	vimm.s32 $0x0;
	s0 =	ssub.s32 s0, s29;
	s11 =	sadd.s32 s4, s3;
	s17 =	sadd.s32 s5, s3  }
0xa: {  	vm0 =	vmmov $0x1;
	vm5 =	vmmov $0x3f;
	v1 =	vsel vm1, $0xFFFFFFFF, v1;
	s1 =	sadd.s32 s1, s3;
	s19 =	smax.u32 s0, $0x1;
	s3 =	sadd.s32 $0x5000, s11  }
0xb: {  	vm6 =	vmmov $0x7f;
	vm1 =	vmmov $0xf;
	[tilespmem:$0x1FFD0] =	vst v1;
	v1 =	vimm.s32 $0x0;
	s4 =	sadd.s32 $0x3C00, s11;
	s5 =	sadd.s32 $0x4600, s11;
	s6 =	sadd.s32 $0x3200, s11  }
0xc: {  	vm7 =	vmmov $0xff;
	vm8 =	vmmov $0x1ff;
	v1 =	vsel vm1, $0xFFFFFFFF, v1;
	s7 =	sadd.s32 $0x2800, s11;
	s8 =	sadd.s32 $0x1400, s11;
	s9 =	sadd.s32 $0x1E00, s11  }
0xd: {  	vm9 =	vmmov $0x3ff;
	vm1 =	vmmov $0x1f;
	s10 =	sadd.s32 $0xA00, s11;
	s11 =	sadd.s32 $0x5A00, s11;
	s12 =	sadd.s32 $0x6400, s17;
	[tilespmem:$0x1FFE0] =	vst v1;
	v1 =	vimm.s32 $0x0  }
0xe: {  	vm10 =	vmmov $0x7ff;
	vm11 =	vmmov $0xfff;
	s13 =	sadd.s32 $0x6410, s17;
	s14 =	sadd.s32 $0x6420, s17;
	s15 =	sadd.s32 $0x6430, s17;
	v1 =	vsel vm1, $0xFFFFFFFF, v1  }
0xf: {  	vm12 =	vmmov $0x1fff;
	vm13 =	vmmov $0x3fff;
	vm14 =	vmmov $0x7fff;
	s16 =	sadd.s32 $0x6440, s17;
	s17 =	sadd.s32 $0x6450, s17;
	s18 =	sadd.s32 $0xB400, s1;
	[tilespmem:$0x1FFF0] =	vst v1  }
.LBB2_1:
0x10: {  	[tilespmem:s2], [sflag:$0x1] =	stream.linear.gather [hbm4b:s3+s2], $0x280, $0x38;
	[tilespmem:$0x2600] =	vst v63  }
0x11: {  	_ =	swait.ge [sflag:s20], $0x280  }
0x12: {  	[sflag:s20] =	ssyncset.done $0x0  }
0x13: {  	s0 =	simm.s32 $0x280;
	[sflag:s20] =	ssyncadd.s32 $0xFFFFFD80  }
0x14: {  	[tilespmem:s0], [sflag:$0x1] =	stream.linear.gather [hbm4b:s4+s2], $0x280, $0x38;
	[tilespmem:$0x2600] =	vst v63  }
0x15: {  	_ =	swait.ge [sflag:s20], $0x280  }
0x16: {  	[sflag:s20] =	ssyncset.done $0x0  }
0x17: {  	s1 =	simm.s32 $0x500;
	[sflag:s20] =	ssyncadd.s32 $0xFFFFFD80  }
0x18: {  	[tilespmem:s1], [sflag:$0x1] =	stream.linear.gather [hbm4b:s5+s2], $0x280, $0x38;
	[tilespmem:$0x2600] =	vst v63  }
0x19: {  	_ =	swait.ge [sflag:s20], $0x280  }
0x1a: {  	[sflag:s20] =	ssyncset.done $0x0  }
0x1b: {  	s1 =	simm.s32 $0x780;
	[sflag:s20] =	ssyncadd.s32 $0xFFFFFD80  }
0x1c: {  	[tilespmem:s1], [sflag:$0x1] =	stream.linear.gather [hbm4b:s6+s2], $0x280, $0x38;
	[tilespmem:$0x2600] =	vst v63  }
0x1d: {  	_ =	swait.ge [sflag:s20], $0x280  }
0x1e: {  	[sflag:s20] =	ssyncset.done $0x0  }
0x1f: {  	s1 =	simm.s32 $0xA00;
	[sflag:s20] =	ssyncadd.s32 $0xFFFFFD80  }
0x20: {  	[tilespmem:s1], [sflag:$0x1] =	stream.linear.gather [hbm4b:s7+s2], $0x280, $0x38;
	[tilespmem:$0x2600] =	vst v63  }
0x21: {  	_ =	swait.ge [sflag:s20], $0x280  }
0x22: {  	[sflag:s20] =	ssyncset.done $0x0  }
0x23: {  	s1 =	simm.s32 $0xC80;
	[sflag:s20] =	ssyncadd.s32 $0xFFFFFD80  }
0x24: {  	[tilespmem:s1], [sflag:$0x1] =	stream.linear.gather [hbm4b:s8+s2], $0x280, $0x38;
	[tilespmem:$0x2600] =	vst v63  }
0x25: {  	_ =	swait.ge [sflag:s20], $0x280  }
0x26: {  	[sflag:s20] =	ssyncset.done $0x0  }
0x27: {  	s1 =	simm.s32 $0xF00;
	[sflag:s20] =	ssyncadd.s32 $0xFFFFFD80  }
0x28: {  	[tilespmem:s1], [sflag:$0x1] =	stream.linear.gather [hbm4b:s9+s2], $0x280, $0x38;
	[tilespmem:$0x2600] =	vst v63  }
0x29: {  	_ =	swait.ge [sflag:s20], $0x280  }
0x2a: {  	[sflag:s20] =	ssyncset.done $0x0  }
0x2b: {  	s1 =	simm.s32 $0x1180;
	[sflag:s20] =	ssyncadd.s32 $0xFFFFFD80  }
0x2c: {  	[tilespmem:s1], [sflag:$0x1] =	stream.linear.gather [hbm4b:s10+s2], $0x280, $0x38;
	[tilespmem:$0x2600] =	vst v63  }
0x2d: {  	_ =	swait.ge [sflag:s20], $0x280  }
0x2e: {  	[sflag:s20] =	ssyncset.done $0x0  }
0x2f: {  	s1 =	simm.s32 $0x1400;
	[sflag:s20] =	ssyncadd.s32 $0xFFFFFD80  }
0x30: {  	[tilespmem:s1], [sflag:$0x1] =	stream.linear.gather [hbm4b:s11+s2], $0x280, $0x38;
	[tilespmem:$0x2600] =	vst v63  }
0x31: {  	_ =	swait.ge [sflag:s20], $0x280  }
0x32: {  	[sflag:s20] =	ssyncset.done $0x0  }
0x33: {  	s28 =	simm.s32 $0x0;
	[sflag:s20] =	ssyncadd.s32 $0xFFFFFD80  }
0x34: {  	v1 =	vld [tilespmem:s28+$0xF00]  }
0x35: {  	v2 =	vld [tilespmem:s28+$0x780]  }
0x36: {  	v3 =	vld [tilespmem:s28+$0x280]  }
0x37: {  	v4 =	vld [tilespmem:s28+$0x0]  }
0x38: {  	v6 =	vld [tilespmem:s28+$0x500]  }
0x39: {  	v5 =	vld [tilespmem:s28+$0x1180]  }
0x3a: {  	v7 =	vld [tilespmem:s28+$0x1400]  }
0x3b: {  	v2 =	vmul.f32 $4.000000000e+00, v2  }
0x3c: {  	v3 =	vmul.f32 $4.000000000e+00, v3;
	v4 =	vmul.f32 $4.000000000e+00, v4;
	v1 =	vmax.f32 v1, $-1.000000000e+01  }
0x3d: {  	v6 =	vmul.f32 $4.000000000e+00, v6;
	v1 =	vmin.f32 v1, $1.000000000e+01;
	v8 =	vtrunc.f32 v2  }
0x3e: {  	v5 =	vmax.f32 v5, $-1.000000000e+01;
	v9 =	vtrunc.f32 v3;
	v1 =	vmul.f32 $1.442695020e+00, v1  }
0x3f: {  	vm1 =	vge.f32 v7, $1.000000010e-01;
	v10 =	vtrunc.f32 v4;
	v8 =	vcvt.f32.s32 v8  }
0x40: {  	v5 =	vmin.f32 v5, $1.000000000e+01;
	v12 =	vtrunc.f32 v6;
	v10 =	vcvt.f32.s32 v10  }
0x41: {  	v7 =	vnsel vm1, $0xBF800000, v7;
	v9 =	vcvt.f32.s32 v9;
	v11 =	vcvt.s32.f32 v8  }
0x42: {  	v12 =	vcvt.f32.s32 v12;
	(erf) = vpow2.f32 v1;
	v13 =	vand.u32 $0x1, v8  }
0x43: {  	v14 =	vand.u32 $0x1, v10;
	v2 =	vsub.f32 v2, v11;
	v11 =	vcvt.s32.f32 v10  }
0x44: {  	v51 =	vcvt.s32.f32 v9;
	vm1 =	veq.s32 v13, $0x1;
	vm3 =	veq.s32 v14, $0x1  }
0x45: {  	vm15 =	vgt.f32 v2, $5.000000000e-01;
	vm2 =	veq.f32 v2, $5.000000000e-01;
	v2 =	vsub.f32 v4, v11  }
0x46: {  	v3 =	vsub.f32 v3, v51;
	v11 =	vcvt.s32.f32 v12;
	vm1 =	vmand vm2, vm1  }
0x47: {  	v4 =	vand.u32 $0x1, v9;
	vm1 =	vmor vm15, vm1;
	vm2 =	veq.f32 v2, $5.000000000e-01  }
0x48: {  	v6 =	vsub.f32 v6, v11;
	v52 =	vsel vm1, $0x1, v0;
	vm1 =	vmand vm2, vm3  }
0x49: {  	vm3 =	veq.s32 v4, $0x1;
	v4 =	vmul.f32 $1.442695020e+00, v5;
	v1 =	vadd.s32 v8, v52  }
0x4a: {  	v8 =	vand.u32 $0x1, v12;
	vm15 =	veq.f32 v6, $5.000000000e-01;
	v1 =	vcvt.s32.f32 v1  }
0x4b: {  	s29 =	simm.s32 $0x10;
	[tilespmem:s28+$0x2300] =	vst v7;
	vm4 =	vgt.f32 v6, $5.000000000e-01;
	vm2 =	veq.s32 v8, $0x1;
	(erf) = vpow2.f32 v4  }
0x4c: {  	v4 =	vld [tilespmem:s29+$0x280];
	vm2 =	vmand vm15, vm2;
	vm15 =	veq.f32 v3, $5.000000000e-01;
	v1 =	vmax.f32 v1, $-3.276800000e+04  }
0x4d: {  	v11 =	vld [tilespmem:s29+$0x1400];
	vm3 =	vmand vm15, vm3;
	vm15 =	vgt.f32 v3, $5.000000000e-01;
	vm2 =	vmor vm4, vm2  }
0x4e: {  	vm4 =	vgt.f32 v2, $5.000000000e-01;
	vm3 =	vmor vm15, vm3;
	v2 =	vsel vm2, $0x1, v0  }
0x4f: {  	vm1 =	vmor vm4, vm1;
	v1 =	vmin.f32 v1, $3.276700000e+04;
	v3 =	vsel vm3, $0x1, v0  }
0x50: {  	v6 =	vsel vm1, $0x1, v0;
	v2 =	vadd.s32 v12, v2;
	v3 =	vadd.s32 v9, v3  }
0x51: {  	v7 =	vld [tilespmem:s29+$0x1180];
	v6 =	vadd.s32 v10, v6;
	v2 =	vcvt.s32.f32 v2;
	v4 =	vmul.f32 $4.000000000e+00, v4  }
0x52: {  	vm1 =	vge.f32 v11, $1.000000010e-01;
	v9 =	vld [tilespmem:s29+$0x0];
	v3 =	vcvt.s32.f32 v3;
	v6 =	vcvt.s32.f32 v6  }
0x53: {  	v1 =	vmul.f32 $2.500000000e-01, v1;
	v10 =	vld [tilespmem:s29+$0x500];
	v11 =	vnsel vm1, $0xBF800000, v11;
	v2 =	vmax.f32 v2, $-3.276800000e+04  }
0x54: {  	v8 =	vld [tilespmem:s29+$0x780];
	v54 =	vtrunc.f32 v4;
	v3 =	vmax.f32 v3, $-3.276800000e+04;
	v6 =	vmax.f32 v6, $-3.276800000e+04  }
0x55: {  	v2 =	vmin.f32 v2, $3.276700000e+04;
	v13 =	vcvt.f32.s32 v54;
	v3 =	vmin.f32 v3, $3.276700000e+04  }
0x56: {  	v5 =	vld [tilespmem:s29+$0xF00];
	v6 =	vmin.f32 v6, $3.276700000e+04;
	v2 =	vmul.f32 $2.500000000e-01, v2;
	v3 =	vmul.f32 $2.500000000e-01, v3  }
0x57: {  	[tilespmem:s29+$0x2300] =	vst v11;
	v6 =	vmul.f32 $2.500000000e-01, v6;
	v9 =	vmul.f32 $4.000000000e+00, v9  }
0x58: {  	v20 =	vld [tilespmem:s28+$0xC80];
	v10 =	vmul.f32 $4.000000000e+00, v10;
	v21 =	vcvt.s32.f32 v13  }
0x59: {  	v53 =	vsub.f32 v1, v3;
	v1 =	vmax.f32 v7, $-1.000000000e+01;
	v7 =	vmul.f32 $4.000000000e+00, v8  }
0x5a: {  	v15 =	vpop (erf);
	v2 =	vsub.f32 v2, v6;
	v18 =	vtrunc.f32 v10;
	v8 =	vmin.f32 v1, $1.000000000e+01  }
0x5b: {  	v17 =	vpop (erf);
	v1 =	vmax.f32 v5, $-1.000000000e+01;
	v18 =	vcvt.f32.s32 v18;
	v5 =	vtrunc.f32 v7  }
0x5c: {  	v11 =	vmul.f32 v53, v17;
	v15 =	vmul.f32 v2, v15  }
0x5d: {  	v58 =	vmul.f32 $5.000000000e-01, v53;
	v12 =	vmul.f32 v53, v20  }
0x5e: {  	v1 =	vmin.f32 v1, $1.000000000e+01;
	v8 =	vmul.f32 $1.442695020e+00, v8;
	v5 =	vcvt.f32.s32 v5  }
0x5f: {  	v60 =	vsub.f32 v4, v21;
	v55 =	vmul.f32 $1.442695020e+00, v1;
	v1 =	vtrunc.f32 v9  }
0x60: {  	v59 =	vcvt.s32.f32 v18;
	v61 =	vand.u32 $0x1, v18;
	v16 =	vcvt.s32.f32 v5  }
0x61: {  	v1 =	vcvt.f32.s32 v1;
	v3 =	vadd.f32 v58, v3;
	v19 =	vand.u32 $0x1, v5  }
0x62: {  	(erf) = vpow2.f32 v55;
	v10 =	vsub.f32 v10, v59;
	v7 =	vsub.f32 v7, v16  }
0x63: {  	v56 =	vcvt.s32.f32 v1;
	v57 =	vand.u32 $0x1, v1;
	vm1 =	veq.s32 v19, $0x1  }
0x64: {  	v3 =	vadd.f32 v3, v12;
	(erf) = vpow2.f32 v8;
	vm3 =	veq.f32 v7, $5.000000000e-01  }
0x65: {  	vm4 =	veq.s32 v57, $0x1;
	vm2 =	vgt.f32 v7, $5.000000000e-01;
	vm1 =	vmand vm3, vm1  }
0x66: {  	v7 =	vmul.f32 $5.000000000e-01, v11;
	v11 =	vsub.f32 v9, v56;
	vm1 =	vmor vm2, vm1  }
0x67: {  	v9 =	vand.u32 $0x1, v13;
	vm3 =	vgt.f32 v10, $5.000000000e-01;
	v4 =	vsel vm1, $0x1, v0  }
0x68: {  	vm2 =	veq.f32 v11, $5.000000000e-01;
	v62 =	vsub.f32 v3, v7;
	v4 =	vadd.s32 v5, v4;
	v5 =	vld [tilespmem:s28+$0xA00]  }
0x69: {  	vm15 =	vmand vm2, vm4;
	vm1 =	veq.s32 v61, $0x1;
	vm4 =	veq.f32 v10, $5.000000000e-01  }
0x6a: {  	vm2 =	veq.s32 v9, $0x1;
	vm1 =	vmand vm4, vm1;
	vm4 =	veq.f32 v60, $5.000000000e-01  }
0x6b: {  	vm1 =	vmor vm3, vm1;
	vm3 =	vgt.f32 v60, $5.000000000e-01;
	vm2 =	vmand vm4, vm2  }
0x6c: {  	v63 =	vadd.f32 v3, v7;
	v4 =	vcvt.s32.f32 v4;
	vm2 =	vmor vm3, vm2  }
0x6d: {  	v7 =	vsel vm1, $0x1, v0;
	v5 =	vmul.f32 v2, v5;
	v2 =	vmul.f32 $5.000000000e-01, v2  }
0x6e: {  	vm1 =	vgt.f32 v11, $5.000000000e-01;
	v3 =	vmax.f32 v4, $-3.276800000e+04;
	v10 =	vsel vm2, $0x1, v0  }
0x6f: {  	v4 =	vmul.f32 $5.000000000e-01, v15;
	v3 =	vmin.f32 v3, $3.276700000e+04;
	v10 =	vadd.s32 v13, v10  }
0x70: {  	v7 =	vadd.s32 v18, v7;
	v3 =	vmul.f32 $2.500000000e-01, v3;
	v8 =	vcvt.s32.f32 v10  }
0x71: {  	s1 =	simm.s32 $0x80;
	v10 =	vmax.f32 v62, $0.0e+00;
	v9 =	vadd.f32 v2, v6;
	v6 =	vmax.f32 v63, $0.0e+00;
	v2 =	vpop (erf)  }
.LBB2_2:
0x72: {  	s0 =	sshra.s32 s1, $0x2;
	p0 =	sne.s32 s1, $0x9C0;
	s1 =	sadd.s32 $0x40, s1;
	vm1 =	vmor vm1, vm15;
	v7 =	vcvt.s32.f32 v7;
	v10 =	vmin.f32 v10, $1.023000000e+03  }
0x73: {  	v5 =	vadd.f32 v9, v5;
	v11 =	vld [tilespmem:s0+$0xF00];
	v12 =	vsel vm1, $0x1, v0;
	v8 =	vmax.f32 v8, $-3.276800000e+04;
	[tilespmem:s28+$0x1900] =	vst v10  }
0x74: {  	v9 =	vld [tilespmem:s0+$0x1180];
	v1 =	vadd.s32 v1, v12;
	v8 =	vmin.f32 v8, $3.276700000e+04;
	v7 =	vmax.f32 v7, $-3.276800000e+04  }
0x75: {  	v13 =	vsub.f32 v5, v4;
	v12 =	vld [tilespmem:s0+$0x780];
	v1 =	vcvt.s32.f32 v1;
	v7 =	vmin.f32 v7, $3.276700000e+04  }
0x76: {  	v4 =	vadd.f32 v5, v4;
	v5 =	vmin.f32 v6, $1.023000000e+03;
	v8 =	vmul.f32 $2.500000000e-01, v8;
	v14 =	vld [tilespmem:s0+$0x280]  }
0x77: {  	v7 =	vmul.f32 $2.500000000e-01, v7;
	v6 =	vld [tilespmem:s0+$0x0];
	v1 =	vmax.f32 v1, $-3.276800000e+04;
	[tilespmem:s28+$0x1E00] =	vst v5;
	v5 =	vsub.f32 v5, v10  }
0x78: {  	v13 =	vmax.f32 v13, $0.0e+00;
	v3 =	vsub.f32 v3, v8;
	v10 =	vld [tilespmem:s0+$0x500];
	v1 =	vmin.f32 v1, $3.276700000e+04  }
0x79: {  	v9 =	vmax.f32 v9, $-1.000000000e+01;
	v15 =	vld [tilespmem:s0+$0x1400];
	v16 =	vmul.f32 $2.500000000e-01, v1;
	v17 =	vpop (erf);
	v1 =	vmax.f32 v5, $0.0e+00  }
0x7a: {  	v5 =	vmul.f32 $4.000000000e+00, v12;
	v9 =	vmin.f32 v9, $1.000000000e+01;
	v12 =	vmin.f32 v13, $1.023000000e+03  }
0x7b: {  	v4 =	vmax.f32 v4, $0.0e+00;
	v13 =	vmul.f32 $4.000000000e+00, v14;
	v7 =	vsub.f32 v7, v16;
	[tilespmem:s28+$0x1680] =	vst v12  }
0x7c: {  	v4 =	vmin.f32 v4, $1.023000000e+03;
	v11 =	vmax.f32 v11, $-1.000000000e+01;
	v6 =	vmul.f32 $4.000000000e+00, v6  }
0x7d: {  	v11 =	vmin.f32 v11, $1.000000000e+01;
	v14 =	vtrunc.f32 v5;
	[tilespmem:s28+$0x1B80] =	vst v4;
	v4 =	vsub.f32 v4, v12  }
0x7e: {  	v11 =	vmul.f32 $1.442695020e+00, v11;
	v12 =	vtrunc.f32 v13;
	vm1 =	vge.f32 v15, $1.000000010e-01  }
0x7f: {  	v10 =	vmul.f32 $4.000000000e+00, v10;
	v14 =	vcvt.f32.s32 v14;
	v4 =	vmax.f32 v4, $0.0e+00  }
0x80: {  	v18 =	vtrunc.f32 v6;
	v15 =	vnsel vm1, $0xBF800000, v15;
	v4 =	vmul.f32 v1, v4  }
0x81: {  	v1 =	vcvt.f32.s32 v18;
	v18 =	vcvt.s32.f32 v14;
	[tilespmem:s0+$0x2300] =	vst v15  }
0x82: {  	v17 =	vmul.f32 v3, v17;
	v19 =	vand.u32 $0x1, v14;
	v15 =	vtrunc.f32 v10;
	[tilespmem:s28+$0x2080] =	vst v4;
	s28 =	smov.u32 s29;
	s29 =	smov.u32 s0  }
0x83: {  	v2 =	vmul.f32 v7, v2;
	v12 =	vcvt.f32.s32 v12;
	v4 =	vsub.f32 v5, v18  }
0x84: {  	vm1 =	veq.s32 v19, $0x1;
	v5 =	vcvt.s32.f32 v1;
	v18 =	vand.u32 $0x1, v1;
	v19 =	vld [tilespmem:s28+$0xC80]  }
0x85: {  	v20 =	vmul.f32 $5.000000000e-01, v3;
	v15 =	vcvt.f32.s32 v15;
	vm2 =	vgt.f32 v4, $5.000000000e-01  }
0x86: {  	v21 =	vcvt.s32.f32 v12;
	vm3 =	veq.f32 v4, $5.000000000e-01;
	v4 =	vmul.f32 $5.000000000e-01, v17  }
0x87: {  	vm4 =	veq.s32 v18, $0x1;
	v17 =	vsub.f32 v6, v5;
	v5 =	vand.u32 $0x1, v12  }
0x88: {  	v8 =	vadd.f32 v20, v8;
	v6 =	vcvt.s32.f32 v15;
	vm1 =	vmand vm3, vm1  }
0x89: {  	v13 =	vsub.f32 v13, v21;
	vm1 =	vmor vm2, vm1;
	v3 =	vmul.f32 v3, v19  }
0x8a: {  	vm2 =	veq.f32 v17, $5.000000000e-01;
	v18 =	vsel vm1, $0x1, v0;
	(erf) = vpow2.f32 v11  }
0x8b: {  	v14 =	vadd.s32 v14, v18;
	v11 =	vand.u32 $0x1, v15;
	v18 =	vld [tilespmem:s28+$0xA00];
	v3 =	vadd.f32 v8, v3  }
0x8c: {  	v6 =	vsub.f32 v10, v6;
	vm15 =	vmand vm2, vm4;
	v8 =	vcvt.s32.f32 v14  }
0x8d: {  	vm1 =	veq.s32 v11, $0x1;
	v10 =	vsub.f32 v3, v4;
	v11 =	vadd.f32 v3, v4  }
0x8e: {  	vm2 =	veq.s32 v5, $0x1;
	v3 =	vmax.f32 v8, $-3.276800000e+04  }
0x8f: {  	vm3 =	vgt.f32 v6, $5.000000000e-01;
	vm4 =	veq.f32 v6, $5.000000000e-01;
	v3 =	vmin.f32 v3, $3.276700000e+04  }
0x90: {  	vm1 =	vmand vm4, vm1;
	v3 =	vmul.f32 $2.500000000e-01, v3;
	v5 =	vmul.f32 v7, v18  }
0x91: {  	vm4 =	veq.f32 v13, $5.000000000e-01;
	vm1 =	vmor vm3, vm1;
	v4 =	vmul.f32 $5.000000000e-01, v2  }
.Ltmp0:
0x92: {  	v6 =	vmul.f32 $5.000000000e-01, v7;
	vm3 =	vgt.f32 v13, $5.000000000e-01;
	vm2 =	vmand vm4, vm2;
	(pc) =	sbr.rel @p0 .LBB2_2-.Ltmp0, $4  }
0x93: {  	v8 =	vmul.f32 $1.442695020e+00, v9;
	vm2 =	vmor vm3, vm2;
	v7 =	vsel vm1, $0x1, v0;
	v2 =	vpop (erf)  }
0x94: {  	v9 =	vadd.f32 v6, v16;
	v13 =	vsel vm2, $0x1, v0;
	v7 =	vadd.s32 v15, v7  }
0x95: {  	v6 =	vmax.f32 v11, $0.0e+00;
	v12 =	vadd.s32 v12, v13;
	(erf) = vpow2.f32 v8  }
0x96: {  	v10 =	vmax.f32 v10, $0.0e+00;
	vm1 =	vgt.f32 v17, $5.000000000e-01;
	v8 =	vcvt.s32.f32 v12  }
0x97: {  	v5 =	vadd.f32 v9, v5;
	_ =	sdelay $0x1  }
0x98: {  	v9 =	vsub.f32 v5, v4;
	v16 =	vadd.f32 v5, v4  }
0x99: {  	vm1 =	vmor vm1, vm15  }
0x9a: {  	v17 =	vmin.f32 v10, $1.023000000e+03;
	v9 =	vmax.f32 v9, $0.0e+00;
	v4 =	vmax.f32 v16, $0.0e+00  }
0x9b: {  	v6 =	vmin.f32 v6, $1.023000000e+03;
	v9 =	vmin.f32 v9, $1.023000000e+03;
	v4 =	vmin.f32 v4, $1.023000000e+03  }
0x9c: {  	v18 =	vsel vm1, $0x1, v0;
	v11 =	vsub.f32 v6, v17;
	v12 =	vsub.f32 v4, v9  }
0x9d: {  	v7 =	vcvt.s32.f32 v7;
	[tilespmem:s28+$0x1900] =	vst v17;
	v1 =	vadd.s32 v1, v18  }
0x9e: {  	[tilespmem:s28+$0x1E00] =	vst v6;
	v1 =	vcvt.s32.f32 v1;
	v19 =	vmax.f32 v11, $0.0e+00;
	v20 =	vmax.f32 v12, $0.0e+00  }
0x9f: {  	v8 =	vmax.f32 v8, $-3.276800000e+04;
	[tilespmem:s28+$0x1680] =	vst v9;
	v5 =	vmul.f32 v19, v20  }
0xa0: {  	v21 =	vmin.f32 v8, $3.276700000e+04;
	v7 =	vmax.f32 v7, $-3.276800000e+04;
	v1 =	vmax.f32 v1, $-3.276800000e+04;
	[tilespmem:s28+$0x1B80] =	vst v4  }
0xa1: {  	v22 =	vmin.f32 v7, $3.276700000e+04;
	v6 =	vmul.f32 $2.500000000e-01, v21;
	v1 =	vmin.f32 v1, $3.276700000e+04;
	[tilespmem:s28+$0x2080] =	vst v5  }
0xa2: {  	v4 =	vmul.f32 $2.500000000e-01, v22;
	v1 =	vmul.f32 $2.500000000e-01, v1;
	v5 =	vld [tilespmem:s29+$0xC80]  }
0xa3: {  	v3 =	vsub.f32 v3, v6;
	v23 =	vld [tilespmem:s29+$0xA00]  }
0xa4: {  	v4 =	vsub.f32 v4, v1  }
0xa5: {  	v24 =	vmul.f32 $5.000000000e-01, v3  }
0xa6: {  	v25 =	vpop (erf);
	v26 =	vmul.f32 $5.000000000e-01, v4  }
0xa7: {  	v9 =	vmul.f32 v3, v25;
	v6 =	vadd.f32 v24, v6;
	v3 =	vmul.f32 v3, v5  }
0xa8: {  	v2 =	vmul.f32 v4, v2;
	v1 =	vadd.f32 v26, v1;
	v4 =	vmul.f32 v4, v23  }
0xa9: {  	v27 =	vmul.f32 $5.000000000e-01, v9;
	v3 =	vadd.f32 v6, v3  }
0xaa: {  	v2 =	vmul.f32 $5.000000000e-01, v2;
	v1 =	vadd.f32 v1, v4  }
0xab: {  	v28 =	vsub.f32 v3, v27;
	v3 =	vadd.f32 v3, v27  }
0xac: {  	v29 =	vsub.f32 v1, v2;
	v1 =	vadd.f32 v1, v2  }
0xad: {  	v2 =	vmax.f32 v3, $0.0e+00;
	v3 =	vmax.f32 v28, $0.0e+00  }
0xae: {  	v30 =	vmax.f32 v29, $0.0e+00;
	v1 =	vmax.f32 v1, $0.0e+00;
	v3 =	vmin.f32 v3, $1.023000000e+03  }
0xaf: {  	v2 =	vmin.f32 v2, $1.023000000e+03;
	v4 =	vmin.f32 v30, $1.023000000e+03;
	v1 =	vmin.f32 v1, $1.023000000e+03  }
0xb0: {  	v31 =	vsub.f32 v2, v3;
	v32 =	vsub.f32 v1, v4  }
0xb1: {  	[tilespmem:s29+$0x1900] =	vst v3  }
0xb2: {  	v53 =	vld [tilespmem:$0x1FFD0];
	[tilespmem:s29+$0x1E00] =	vst v2;
	v2 =	vmax.f32 v31, $0.0e+00;
	v3 =	vmax.f32 v32, $0.0e+00  }
0xb3: {  	v57 =	vld [tilespmem:$0x1FFE0];
	[tilespmem:s29+$0x1680] =	vst v4;
	v2 =	vmul.f32 v2, v3  }
0xb4: {  	v61 =	vld [tilespmem:$0x1FFF0];
	[tilespmem:s29+$0x1B80] =	vst v1  }
0xb5: {  	v21 =	vld [tilespmem:$0x1FFC0];
	[tilespmem:s29+$0x2080] =	vst v2  }
0xb6: {  	v1 =	vld [tilespmem:$0x2300]  }
0xb7: {  	v2 =	vld [tilespmem:$0x2310]  }
0xb8: {  	v3 =	vld [tilespmem:$0x2320]  }
0xb9: {  	v4 =	vld [tilespmem:$0x2330]  }
0xba: {  	v33 =	vld [tilespmem:$0x2340]  }
0xbb: {  	(xrf0) =	vmax.scan.msk.f32 $0xffff, v1;
	v1 =	vld [tilespmem:$0x2350]  }
0xbc: {  	(xrf0) =	vmax.scan.msk.f32 $0xffff, v2;
	v2 =	vld [tilespmem:$0x2360]  }
0xbd: {  	(xrf0) =	vmax.scan.msk.f32 $0xffff, v3;
	v3 =	vld [tilespmem:$0x2370]  }
0xbe: {  	v34 =	vld [tilespmem:$0x2380];
	(xrf0) =	vmax.scan.msk.f32 $0xffff, v4  }
0xbf: {  	v35 =	vld [tilespmem:$0x2390];
	(xrf0) =	vmax.scan.msk.f32 $0xffff, v33  }
0xc0: {  	(xrf0) =	vmax.scan.msk.f32 $0xffff, v1;
	v1 =	vld [tilespmem:$0x23A0]  }
0xc1: {  	v36, _, _ =	vpop (xrf0);
	(xrf0) =	vmax.scan.msk.f32 $0xffff, v2;
	v2 =	vld [tilespmem:$0x23B0]  }
0xc2: {  	v37, _, _ =	vpop (xrf0);
	(xrf0) =	vmax.scan.msk.f32 $0xffff, v3;
	v3 =	vld [tilespmem:$0x23C0]  }
0xc3: {  	v39 =	vld [tilespmem:$0x23D0];
	v38, _, _ =	vpop (xrf0);
	(xrf0) =	vmax.scan.msk.f32 $0xffff, v34  }
0xc4: {  	v41 =	vld [tilespmem:$0x23E0];
	v40, _, _ =	vpop (xrf0);
	(xrf0) =	vmax.scan.msk.f32 $0xffff, v35  }
0xc5: {  	v42, _, _ =	vpop (xrf0);
	(xrf0) =	vmax.scan.msk.f32 $0xffff, v1;
	v1 =	vld [tilespmem:$0x23F0]  }
0xc6: {  	v43, _, _ =	vpop (xrf0);
	(xrf0) =	vmax.scan.msk.f32 $0xffff, v2;
	v2 =	vld [tilespmem:$0x2400]  }
0xc7: {  	v44, _, _ =	vpop (xrf0);
	(xrf0) =	vmax.scan.msk.f32 $0xffff, v3;
	v3 =	vld [tilespmem:$0x2410]  }
0xc8: {  	v45 =	vld [tilespmem:$0x2420];
	v13, _, _ =	vpop (xrf0);
	(xrf0) =	vmax.scan.msk.f32 $0xffff, v39  }
0xc9: {  	v46 =	vld [tilespmem:$0x2430];
	v14, _, _ =	vpop (xrf0);
	(xrf0) =	vmax.scan.msk.f32 $0xffff, v41  }
0xca: {  	v15, _, _ =	vpop (xrf0);
	(xrf0) =	vmax.scan.msk.f32 $0xffff, v1;
	v1 =	vld [tilespmem:$0x2440]  }
0xcb: {  	v16, _, _ =	vpop (xrf0);
	(xrf0) =	vmax.scan.msk.f32 $0xffff, v2;
	v2 =	vld [tilespmem:$0x2450]  }
0xcc: {  	v17, _, _ =	vpop (xrf0);
	(xrf0) =	vmax.scan.msk.f32 $0xffff, v3;
	v3 =	vld [tilespmem:$0x2460]  }
0xcd: {  	v47 =	vld [tilespmem:$0x2470];
	v6 =	vbroadcast v36, $0xF;
	v7 =	vbroadcast v37, $0xF;
	v18, _, _ =	vpop (xrf0);
	(xrf0) =	vmax.scan.msk.f32 $0xffff, v45  }
0xce: {  	v48 =	vld [tilespmem:$0x2480];
	v8 =	vbroadcast v38, $0xF;
	v19, _, _ =	vpop (xrf0);
	(xrf0) =	vmax.scan.msk.f32 $0xffff, v46  }
0xcf: {  	vm1 =	vnez.u8 v21;
	v6 =	vsel vm0, v6, v7;
	v49 =	vbroadcast v40, $0xF;
	v20, _, _ =	vpop (xrf0);
	(xrf0) =	vmax.scan.msk.f32 $0xffff, v1;
	v1 =	vld [tilespmem:$0x2490]  }
0xd0: {  	vm2 =	vnez.u8 v53;
	v6 =	vsel vm1, v6, v8;
	v51 =	vbroadcast v42, $0xF;
	v50, _, _ =	vpop (xrf0);
	(xrf0) =	vmax.scan.msk.f32 $0xffff, v2;
	v2 =	vld [tilespmem:$0x24A0]  }
0xd1: {  	vm3 =	vnez.u8 v57;
	v6 =	vsel vm2, v6, v49;
	v54 =	vbroadcast v43, $0xF;
	v52, _, _ =	vpop (xrf0);
	(xrf0) =	vmax.scan.msk.f32 $0xffff, v3;
	v3 =	vld [tilespmem:$0x24B0]  }
0xd2: {  	vm4 =	vnez.u8 v61;
	v56 =	vld [tilespmem:$0x24C0];
	v6 =	vsel vm3, v6, v51;
	v58 =	vbroadcast v44, $0xF;
	v55, _, _ =	vpop (xrf0);
	(xrf0) =	vmax.scan.msk.f32 $0xffff, v47  }
0xd3: {  	v60 =	vld [tilespmem:$0x24D0];
	v6 =	vsel vm4, v6, v54;
	v62 =	vbroadcast v13, $0xF;
	v59, _, _ =	vpop (xrf0);
	(xrf0) =	vmax.scan.msk.f32 $0xffff, v48  }
0xd4: {  	v6 =	vsel vm5, v6, v58;
	v21 =	vbroadcast v14, $0xF;
	v63, _, _ =	vpop (xrf0);
	(xrf0) =	vmax.scan.msk.f32 $0xffff, v1;
	v1 =	vld [tilespmem:$0x24E0]  }
0xd5: {  	v6 =	vsel vm6, v6, v62;
	v23 =	vbroadcast v15, $0xF;
	v22, _, _ =	vpop (xrf0);
	(xrf0) =	vmax.scan.msk.f32 $0xffff, v2;
	v2 =	vld [tilespmem:$0x24F0]  }
0xd6: {  	v6 =	vsel vm7, v6, v21;
	v25 =	vbroadcast v16, $0xF;
	v24, _, _ =	vpop (xrf0);
	(xrf0) =	vmax.scan.msk.f32 $0xffff, v3;
	v3 =	vld [tilespmem:$0x2500]  }
0xd7: {  	v27 =	vld [tilespmem:$0x2510];
	v6 =	vsel vm8, v6, v23;
	v28 =	vbroadcast v52, $0xF;
	v29 =	vbroadcast v55, $0xF;
	v26, _, _ =	vpop (xrf0);
	(xrf0) =	vmax.scan.msk.f32 $0xffff, v56  }
0xd8: {  	v31 =	vld [tilespmem:$0x2520];
	v32 =	vbroadcast v17, $0xF;
	v6 =	vsel vm9, v6, v25;
	v12 =	vbroadcast v59, $0xF;
	v30, _, _ =	vpop (xrf0);
	(xrf0) =	vmax.scan.msk.f32 $0xffff, v60  }
0xd9: {  	v18 =	vbroadcast v18, $0xF;
	v7 =	vsel vm0, v28, v29;
	v34 =	vbroadcast v63, $0xF;
	v33, _, _ =	vpop (xrf0);
	(xrf0) =	vmax.scan.msk.f32 $0xffff, v1;
	v1 =	vld [tilespmem:$0x2530]  }
0xda: {  	v6 =	vsel vm10, v6, v32;
	v7 =	vsel vm1, v7, v12;
	v36 =	vbroadcast v22, $0xF;
	v35, _, _ =	vpop (xrf0);
	(xrf0) =	vmax.scan.msk.f32 $0xffff, v2;
	v2 =	vld [tilespmem:$0x2540]  }
0xdb: {  	v41 =	vbroadcast v19, $0xF;
	v7 =	vsel vm2, v7, v34;
	v38 =	vbroadcast v24, $0xF;
	v37, _, _ =	vpop (xrf0);
	(xrf0) =	vmax.scan.msk.f32 $0xffff, v3;
	v3 =	vld [tilespmem:$0x2550]  }
0xdc: {  	v6 =	vsel vm11, v6, v18;
	v7 =	vsel vm3, v7, v36;
	v42 =	vbroadcast v26, $0xF;
	v39, _, _ =	vpop (xrf0);
	(xrf0) =	vmax.scan.msk.f32 $0xffff, v27  }
0xdd: {  	v40 =	vld [tilespmem:$0x2560];
	v6 =	vsel vm12, v6, v41;
	v7 =	vsel vm4, v7, v38;
	v11 =	vbroadcast v30, $0xF;
	v43, _, _ =	vpop (xrf0);
	(xrf0) =	vmax.scan.msk.f32 $0xffff, v31  }
0xde: {  	v44 =	vld [tilespmem:$0x2570];
	vm1 =	vcmask $0x320;
	v7 =	vsel vm5, v7, v42;
	v45, _, _ =	vpop (xrf0);
	(xrf0) =	vmax.scan.msk.f32 $0xffff, v1;
	v1 =	vbroadcast v20, $0xF  }
0xdf: {  	v47 =	vsel vm6, v7, v11;
	v53 =	vbroadcast v43, $0xF;
	v46, _, _ =	vpop (xrf0);
	(xrf0) =	vmax.scan.msk.f32 $0xffff, v2;
	v2 =	vbroadcast v33, $0xF  }
0xe0: {  	v10 =	vbroadcast v45, $0xF;
	v1 =	vsel vm13, v6, v1;
	v48, _, _ =	vpop (xrf0);
	(xrf0) =	vmax.scan.msk.f32 $0xffff, v3;
	v3 =	vbroadcast v35, $0xF  }
0xe1: {  	v1 =	vsel vm14, v1, v50;
	v2 =	vsel vm7, v47, v2;
	v49, _, _ =	vpop (xrf0);
	v50 =	vbroadcast v37, $0xF  }
0xe2: {  	(xrf0) =	vmax.scan.msk.f32 $0xffff, v40;
	v2 =	vsel vm8, v2, v3;
	v3 =	vbroadcast v39, $0xF;
	v6 =	vbroadcast v49, $0xF;
	v51, _, _ =	vpop (xrf0)  }
0xe3: {  	v8 =	vbroadcast v46, $0xF;
	(xrf0) =	vmax.scan.msk.f32 $0xffff, v44;
	v52, _, _ =	vpop (xrf0);
	v2 =	vsel vm9, v2, v50;
	v9 =	vbroadcast v51, $0xF  }
0xe4: {  	v54, _, _ =	vpop (xrf0);
	v2 =	vsel vm10, v2, v3;
	v3 =	vnsel vm0, $0xC0000000, v6;
	v5 =	vbroadcast v52, $0xF  }
0xe5: {  	v3 =	vsel vm1, v3, v9;
	v56 =	vbroadcast v54, $0xF;
	vm1 =	vcmask $0x720  }
0xe6: {  	v55, _, _ =	vpop (xrf0);
	v2 =	vsel vm11, v2, v53;
	v3 =	vsel vm1, v3, v5;
	vm1 =	vcmask $0xB20  }
0xe7: {  	v57, _, _ =	vpop (xrf0);
	v58 =	vbroadcast v55, $0xF;
	v2 =	vsel vm12, v2, v10;
	v3 =	vsel vm1, v3, v56  }
0xe8: {  	v59, _, _ =	vpop (xrf0);
	v60 =	vbroadcast v57, $0xF;
	vm1 =	vcmask $0xF20;
	v2 =	vsel vm13, v2, v8  }
0xe9: {  	v3 =	vsel vm1, v3, v58;
	v61 =	vbroadcast v59, $0xF;
	v62, _, _ =	vpop (xrf0);
	vm1 =	vcmask $0x1320  }
0xea: {  	v3 =	vsel vm1, v3, v60;
	v63 =	vbroadcast v62, $0xF;
	vm1 =	vcmask $0x1720  }
0xeb: {  	[tilespmem:$0x2580] =	vst v1;
	v1 =	vsel vm14, v2, v48;
	v2 =	vsel vm1, v3, v61;
	vm1 =	vcmask $0x1B20  }
0xec: {  	[tilespmem:$0x2590] =	vst v1;
	v1 =	vsel vm1, v2, v63  }
0xed: {  	s0 =	simm.s32 $0x1680;
	[tilespmem:$0x25A0] =	vst v1  }
0xee: {  	[hbm4b:s12+s30] =	stream.strided.scatter [tilespmem:s0], [sflag:$0x1], $0x280, s31, s30, $0x38;
	[tilespmem:$0x2600] =	vst v63  }
0xef: {  	_ =	swait.ge [sflag:s20], $0x280  }
0xf0: {  	[sflag:s20] =	ssyncset.done $0x0  }
0xf1: {  	s29 =	simm.s32 $0x1900;
	[sflag:s20] =	ssyncadd.s32 $0xFFFFFD80  }
0xf2: {  	[hbm4b:s13+s30] =	stream.strided.scatter [tilespmem:s29], [sflag:$0x1], $0x280, s31, s30, $0x38;
	[tilespmem:$0x2600] =	vst v63  }
0xf3: {  	_ =	swait.ge [sflag:s20], $0x280  }
0xf4: {  	[sflag:s20] =	ssyncset.done $0x0  }
0xf5: {  	[sflag:s20] =	ssyncadd.s32 $0xFFFFFD80  }
0xf6: {  	[hbm4b:s14+s30] =	stream.strided.scatter [tilespmem:s21], [sflag:$0x1], $0x280, s31, s30, $0x38;
	[tilespmem:$0x2600] =	vst v63  }
0xf7: {  	_ =	swait.ge [sflag:s20], $0x280  }
0xf8: {  	[sflag:s20] =	ssyncset.done $0x0  }
0xf9: {  	[sflag:s20] =	ssyncadd.s32 $0xFFFFFD80  }
0xfa: {  	[hbm4b:s15+s30] =	stream.strided.scatter [tilespmem:s22], [sflag:$0x1], $0x280, s31, s30, $0x38;
	[tilespmem:$0x2600] =	vst v63  }
0xfb: {  	_ =	swait.ge [sflag:s20], $0x280  }
0xfc: {  	[sflag:s20] =	ssyncset.done $0x0  }
0xfd: {  	[sflag:s20] =	ssyncadd.s32 $0xFFFFFD80  }
0xfe: {  	[hbm4b:s16+s30] =	stream.strided.scatter [tilespmem:s23], [sflag:$0x1], $0x280, s31, s30, $0x38;
	[tilespmem:$0x2600] =	vst v63  }
0xff: {  	_ =	swait.ge [sflag:s20], $0x280  }
0x100: {  	[sflag:s20] =	ssyncset.done $0x0  }
0x101: {  	[sflag:s20] =	ssyncadd.s32 $0xFFFFFD80  }
0x102: {  	[hbm4b:s17+s30] =	stream.strided.scatter [tilespmem:s24], [sflag:$0x1], $0x280, s31, s30, $0x38;
	[tilespmem:$0x2600] =	vst v63  }
0x103: {  	s26 =	sadd.s32 $0x1, s26;
	_ =	swait.ge [sflag:s20], $0x280  }
0x104: {  	p0 =	sne.s32 s26, s19;
	[sflag:s20] =	ssyncset.done $0x0  }
.Ltmp1:
0x105: {  	[sflag:s20] =	ssyncadd.s32 $0xFFFFFD80;
	(pc) =	sbr.rel @p0 .LBB2_1-.Ltmp1, $4  }
0x106: {  	[hbm4b:s18+s2] =	stream.linear.scatter [tilespmem:s25], [sflag:$0x1], $0x28, $0x38;
	[tilespmem:$0x2600] =	vst v63  }
0x107: {  	_ =	swait.ge [sflag:s20], $0x28  }
0x108: {  	[sflag:s20] =	ssyncset.done $0x0  }
0x109: {  	[sflag:s20] =	ssyncadd.s32 $0xFFFFFFD8  }
0x10a: {  	_ =	sfence.sel $0x180000  }
0x10b: {  	[bflag:$0x0] =	sbarrier.arrive $0xFFFF  }
0x10c: {  	_ =	strace $0x90000047  }
0x10d: {  	s0 =	stileid.u32;
	[bflag:$0x2] =	sbarrier.arrive $0xFFFF  }
0x10e: {  	p0 =	sne.s32 s0, $0x0;
	s0 =	rddreg [dreg:$0x1]  }
0x10f: {  	s0 =	sadd.s32 @!p0 $0x100000, s0  }
0x110: {  	[sflag:s0] =	ssyncadd.tile.s32 @!p0 $0x1;
	_ =	shalt  }
.Lfunc_end2:
_tile_overlayer_lowered:
.L_overlay_start_2:
0x111: {  	(tag) =	ssettag $0x2  }
0x112: {  	s0 =	rddreg [dreg:$0x0];
	s2 =	stileid.u32  }
0x113: {  	s1 =	rddreg [dreg:$0x1];
	p0 =	sne.s32 s2, $0x0  }
0x114: {  	s3 =	rddreg [dreg:$0x2];
	[bflag:$0x3] =	sbarrier.arrive $0xFFFF;
	s2 =	simm.s32 @!p0 $0x1C01  }
0x115: {  	[timem:s3], [sflag:s2] =	dma.local @!p0 [hbm:s0], s1  }
0x116: {  	s0 =	simm.s32 @!p0 $0x1  }
0x117: {  	_ =	swait.ge @!p0 [sflag:s0], s1  }
0x118: {  	s1 =	ssub.s32 @!p0 $0x0, s1;
	[sflag:s0] =	ssyncset.done @!p0 $0x0  }
0x119: {  	[sflag:s0] =	ssyncadd.s32 @!p0 s1  }
0x11a: {  	[bflag:$0x3] =	sbarrier.arrive $0xFFFF  }
0x11b: {  	_ =	shalt  }

// kernel: kernel.7.cloned.1.call-start
scs
__scs_entry_jumppad:
0x0: {  	(pc) =	sbr.rel $0x88, $3  }
0x1: {  	(tag) =	ssettag $0x0;
	lr =	simm.s32 $0x1  }
0x2: {  	[smem:$0x3F9E] =	sst lr;
	_ =	strace $0xD0000000  }
0x3: {  	_ = 	snop  }
0x4: {  	_ = 	snop  }
0x5: {  	_ = 	snop  }
0x6: {  	_ = 	snop  }
0x7: {  	_ = 	snop  }
__scs_overlays_trampoline_lowered:
0x8: {  	[smem:$0x3FAD] =	sst s0  }
0x9: {  	[smem:$0x3FAE] =	sst s1  }
0xa: {  	[smem:$0x3FAF] =	sst s2  }
0xb: {  	[smem:$0x3FB0] =	sst s3  }
0xc: {  	[smem:$0x3FB1] =	sst s4  }
0xd: {  	[smem:$0x3FB2] =	sst s5  }
0xe: {  	[smem:$0x3FB3] =	sst s6  }
0xf: {  	[smem:$0x3FB4] =	sst s7  }
0x10: {  	[smem:$0x3FB5] =	sst s8  }
0x11: {  	[smem:$0x3FB6] =	sst s9;
	s0 =	simm.s32 @!p0 $0x0  }
0x12: {  	s1 =	sld [smem:$0x3F9C];
	s0 =	simm.s32 @p0 $0x1  }
0x13: {  	[smem:$0x3FB7] =	sst s0;
	s0 =	simm.s32 @!p1 $0x0  }
0x14: {  	s2 =	sld [smem:$0x3F9B];
	s0 =	simm.s32 @p1 $0x1  }
0x15: {  	[smem:$0x3FB8] =	sst s0;
	s0 =	simm.s32 @!p2 $0x0  }
0x16: {  	s3 =	sld [smem:$0x3FDB];
	s0 =	simm.s32 @p2 $0x1  }
0x17: {  	s4 =	simm.s32 $0x1BF5;
	[smem:$0x3FBA] =	sst s0  }
0x18: {  	s0 =	sld [smem:$0x3F9D];
	_ =	swait.ge [sflag:s4], $0x0  }
0x19: {  	s7 =	sld [smem:$0x3F9E]  }
0x1a: {  	s8 =	sadd.s32 $0xFFFFE003, lr  }
0x1b: {  	s9 =	sadd.s32 $0xFFFFFEF7, lr;
	s5 =	simm.s32 $0xFFFFFFFF;
	p2 =	slt.u32 s8, $0xFFFFF086  }
0x1c: {  	p1 =	slt.u32 s9, $0xF7A;
	s5 =	simm.s32 @!p2 $0x0  }
0x1d: {  	s5 =	simm.s32 @p1 $0x1;
	p0 =	seq.s32 s7, s2  }
0x1e: {  	s7 =	smul.u32 @!p0 $0xF7A, s2;
	p2 =	seq.s32 @!p0 s5, $0x0  }
0x1f: {  	s9 =	smul.u32 $0xF7A, s1;
	s8 =	simm.s32 @!p0 $0x1BF5;
	p2 =	por !p2, p0  }
0x20: {  	[sflag:s8] =	ssyncset.s32 @!p0 $0xFFFFF086;
	s6 =	sadd.s32 @!p0 s3, s7;
	s7 =	simm.s32 @!p0 $0x108  }
0x21: {  	s3 =	sadd.s32 s3, s9;
	s6 =	sadd.s32 @!p0 $0x88, s6;
	s7 =	simm.s32 @p2 $0x1082  }
0x22: {  	[simem:s7], [sflag:s8] =	dma.local @!p0 [hbm:s6], $0xF7A  }
0x23: {  	s9 =	sor.u32 $0xD0000000, s2;
	s6 =	simm.s32 $0x108;
	_ =	swait.ge @!p0 [sflag:s8], $0x0  }
0x24: {  	s3 =	sadd.s32 $0x88, s3;
	s6 =	simm.s32 @!p1 $0x1082;
	[sflag:s4] =	ssyncset.s32 $0xFFFFF086  }
0x25: {  	[simem:s6], [sflag:s4] =	dma.local [hbm:s3], $0xF7A  }
0x26: {  	[smem:$0x3F9E] =	sst s1;
	(tag) =	ssettag s2;
	_ =	strace s9  }
0x27: {  	s1 =	sld [smem:$0x3FAE]  }
0x28: {  	s2 =	sld [smem:$0x3FAF]  }
0x29: {  	s4 =	sld [smem:$0x3FB1]  }
0x2a: {  	p0 =	seq.s32 s5, $0x0;
	s5 =	sld [smem:$0x3FB2]  }
0x2b: {  	s6 =	sld [smem:$0x3FB3]  }
0x2c: {  	s7 =	sld [smem:$0x3FB4]  }
0x2d: {  	s3 =	simm.s32 $0x108;
	s8 =	sld [smem:$0x3FB5]  }
0x2e: {  	s3 =	simm.s32 @!p0 $0x1082;
	s9 =	sld [smem:$0x3FB6]  }
0x2f: {  	lr =	sadd.s32 s0, s3;
	s0 =	sld [smem:$0x3FAD]  }
0x30: {  	s3 =	sld [smem:$0x3FB0]  }
0x31: {  	[smem:$0x3FB9] =	sst s10  }
0x32: {  	s10 =	sld [smem:$0x3FB7];
	_ =	sdelay $0x3  }
0x33: {  	p0 =	seq.s32 s10, $0x1;
	s10 =	sld [smem:$0x3FB9];
	_ =	sdelay $0x3  }
0x34: {  	[smem:$0x3FB9] =	sst s10  }
0x35: {  	s10 =	sld [smem:$0x3FB8];
	_ =	sdelay $0x3  }
0x36: {  	p1 =	seq.s32 s10, $0x1;
	s10 =	sld [smem:$0x3FB9];
	_ =	sdelay $0x3  }
0x37: {  	[smem:$0x3FB9] =	sst s10  }
0x38: {  	s10 =	sld [smem:$0x3FBA]  }
0x39: {  	_ = 	snop;
	(pc) =	sbr.ind lr, $3  }
0x3a: {  	_ = 	snop  }
0x3b: {  	_ = 	snop  }
0x3c: {  	p2 =	seq.s32 s10, $0x1;
	s10 =	sld [smem:$0x3FB9]  }
0x3d: {  	_ =	shalt  }
0x3e: {  	_ =	shalt  }
0x3f: {  	_ =	shalt  }
0x40: {  	_ =	shalt  }
0x41: {  	_ =	shalt  }
0x42: {  	_ =	shalt  }
0x43: {  	_ =	shalt  }
0x44: {  	_ =	shalt  }
0x45: {  	_ =	shalt  }
0x46: {  	_ =	shalt  }
0x47: {  	_ =	shalt  }
0x48: {  	_ =	shalt  }
0x49: {  	_ =	shalt  }
0x4a: {  	_ =	shalt  }
0x4b: {  	_ =	shalt  }
0x4c: {  	_ =	shalt  }
0x4d: {  	_ =	shalt  }
0x4e: {  	_ =	shalt  }
0x4f: {  	_ =	shalt  }
0x50: {  	_ =	shalt  }
0x51: {  	_ =	shalt  }
0x52: {  	_ =	shalt  }
0x53: {  	_ =	shalt  }
0x54: {  	_ =	shalt  }
0x55: {  	_ =	shalt  }
0x56: {  	_ =	shalt  }
0x57: {  	_ =	shalt  }
0x58: {  	_ =	shalt  }
0x59: {  	_ =	shalt  }
0x5a: {  	_ =	shalt  }
0x5b: {  	_ =	shalt  }
0x5c: {  	_ =	shalt  }
0x5d: {  	_ =	shalt  }
0x5e: {  	_ =	shalt  }
0x5f: {  	_ =	shalt  }
0x60: {  	_ =	shalt  }
0x61: {  	_ =	shalt  }
0x62: {  	_ =	shalt  }
0x63: {  	_ =	shalt  }
0x64: {  	_ =	shalt  }
0x65: {  	_ =	shalt  }
0x66: {  	_ =	shalt  }
0x67: {  	_ =	shalt  }
0x68: {  	_ =	shalt  }
0x69: {  	_ =	shalt  }
0x6a: {  	_ =	shalt  }
0x6b: {  	_ =	shalt  }
0x6c: {  	_ =	shalt  }
0x6d: {  	_ =	shalt  }
0x6e: {  	_ =	shalt  }
0x6f: {  	_ =	shalt  }
0x70: {  	_ =	shalt  }
0x71: {  	_ =	shalt  }
0x72: {  	_ =	shalt  }
0x73: {  	_ =	shalt  }
0x74: {  	_ =	shalt  }
0x75: {  	_ =	shalt  }
0x76: {  	_ =	shalt  }
0x77: {  	_ =	shalt  }
0x78: {  	_ =	shalt  }
0x79: {  	_ =	shalt  }
0x7a: {  	_ =	shalt  }
0x7b: {  	_ =	shalt  }
0x7c: {  	_ =	shalt  }
0x7d: {  	_ =	shalt  }
0x7e: {  	_ =	shalt  }
0x7f: {  	_ =	shalt  }
0x80: {  	_ =	shalt  }
0x81: {  	_ =	shalt  }
0x82: {  	_ =	shalt  }
0x83: {  	_ =	shalt  }
0x84: {  	_ =	shalt  }
0x85: {  	_ =	shalt  }
0x86: {  	_ =	shalt  }
0x87: {  	_ =	shalt  }
.Lfunc_end0:
.L_simem_size_0:
called_computation.1_lowered:
.L_overlay_start_0:
0x88: {  	s2 =	sld [smem:$0x3FD9]  }
0x89: {  	s3 =	sld [smem:$0x3FFE];
	_ =	sdelay $0x1  }
0x8a: {  	s1 =	srdreg.scid  }
0x8b: {  	s0 =	sand.u32 $0x1, s1  }
0x8c: {  	s16 =	sshll.u32 s0, $0xA;
	s2 =	sadd.s32 s3, s2  }
0x8d: {  	s2 =	sadd.s32 s2, s16  }
0x8e: {  	[smem:$0x3FC5] =	sst s2  }
0x8f: {  	_ = 	snop  }
0x90: {  	(tm) =	ssettm $0x1  }
0x91: {  	s17 =	sld [smem:$0x3FFB];
	_ =	sdelay $0x3  }
0x92: {  	_ =	strace s17  }
0x93: {  	s2 =	sld [smem:$0x3FFC];
	_ =	sdelay $0x3  }
0x94: {  	_ =	strace s2  }
0x95: {  	s2 =	sld [smem:$0x3FFD];
	_ =	sdelay $0x3  }
0x96: {  	_ =	strace s2  }
0x97: {  	_ =	strace $0x8FFFFFFF  }
0x98: {  	s18 =	sld [smem:$0x3FDB];
	_ =	sdelay $0x1  }
0x99: {  	s19 =	simm.s32 $_scs_section_size  }
0x9a: {  	s4 =	simm.s32 $_size__tile_overlayer_lowered;
	s5 =	simm.s32 $_tile_overlayer_lowered  }
0x9b: {  	s22 =	simm.s32 $0x1BFF;
	s21 =	sshll.u32 s5, $0x1;
	s2 =	sadd.s32 s19, s18  }
0x9c: {  	s6 =	simm.s32 $0x0;
	s20 =	sshll.u32 s4, $0x1;
	s4 =	sadd.s32 s21, s2  }
0x9d: {  	[timem:s6], [sflag:s22] =	dma.local [hbm:s4], s20  }
0x9e: {  	_ =	swait.ge [sflag:s22], s20  }
0x9f: {  	s3 =	ssub.s32 $0x0, s20;
	[sflag:s22] =	ssyncset.done $0x0  }
0xa0: {  	[sflag:s22] =	ssyncadd.s32 s3;
	_ =	sdelay $0x1  }
0xa1: {  	s23 =	simm.s32 $0x1B8B  }
0xa2: {  	_ =	swait.ge [sflag:s23], $0x1  }
0xa3: {  	[sflag:s23] =	ssyncset.done $0x0  }
0xa4: {  	s25 =	simm.s32 $0x1B8E;
	s24 =	sld [smem:$0x3FFE];
	[sflag:s23] =	ssyncadd.s32 $0xFFFFFFFF  }
0xa5: {  	s26 =	simm.s32 $execute0_lowered;
	[smem:$0x3FD2] =	sst s25  }
0xa6: {  	s4 =	sshll.u32 s26, $0x1;
	_ =	strace $0x80000049;
	[dreg:$0x1] =	wrdreg $0xFFFFFFFF  }
0xa7: {  	s28 =	simm.s32 $_size_execute0_lowered;
	s2 =	sadd.s32 s2, s4;
	[dreg:$0x0] =	wrdreg $0x0  }
0xa8: {  	s4 =	sshll.u32 s28, $0x1;
	[dreg:$0x2] =	wrdreg s2  }
0xa9: {  	[dreg:$0x3] =	wrdreg s4  }
0xaa: {  	[dreg:$0x4] =	wrdreg $0xC0  }
0xab: {  	_ =	task [dreg:s6], $0x5FFFF  }
0xac: {  	[dreg:$0x1] =	wrdreg $0xFFFFFFFF  }
0xad: {  	[dreg:$0x0] =	wrdreg $0x60  }
0xae: {  	[dreg:$0x2] =	wrdreg s24  }
0xaf: {  	[dreg:$0x3] =	wrdreg $0x9  }
0xb0: {  	_ =	task.clear_ibuf [dreg:s6], $0x4FFFF;
	_ =	strace $0x90000049  }
0xb1: {  	s29 =	simm.s32 $0x9;
	_ =	strace $0x8000004B  }
0xb2: {  	_ =	swait.ge [sflag:s29], $0x1  }
0xb3: {  	[sflag:s29] =	ssyncadd.s32 $0xFFFFFFFF  }
0xb4: {  	_ =	strace $0x9000004B  }
0xb5: {  	_ =	sfence  }
0xb6: {  	s30 =	sld [smem:$0x0];
	_ =	sdelay $0x2  }
0xb7: {  	s31 =	sshll.u32 s1, $0xD;
	s1 =	sshrl.u32 s1, $0x2  }
0xb8: {  	s3 =	sand.u32 $0x4000, s31;
	s1 =	sadd.s32 s1, s30  }
0xb9: {  	s0 =	sor.u32 s3, s0;
	s1 =	sshll.u32 s1, $0x11  }
0xba: {  	s0 =	sor.u32 s1, s0  }
0xbb: {  	s0 =	sadd.s32 $0x8F2B, s0  }
0xbc: {  	[sflag:s0] =	ssyncadd.remote.s32 $0x1  }
0xbd: {  	_ =	sfence.sel $0xFFFF  }
0xbe: {  	[dreg:$0x0] =	wrdreg $0xFFFFFFFF;
	(pc) =	sbr.abs _section_cstart, $3  }
0xbf: {  	[dreg:$0x1] =	wrdreg $0xFFFFFFFF  }
0xc0: {  	_ =	task.clear_ibuf [dreg:s6], $0x2FFFF;
	_ =	strace $0x9FFFFFFF  }
0xc1: {  	(tm) =	ssettm $0x7FFFFFFF  }
tec
execute0_lowered:
.L_overlay_start_1:
0x0: {  	(tag) =	ssettag $0x1  }
0x1: {  	s0 =	srdreg.scid  }
0x2: {  	s1 =	stileid.u32;
	s4 =	sand.u32 $0x1, s0  }
0x3: {  	s3 =	sor.u32 s1, s4  }
0x4: {  	p0 =	sne.s32 s3, $0x0  }
.Ltmp0:
0x5: {  	_ = 	snop;
	(pc) =	sbr.rel @p0 .LBB2_7-.Ltmp0, $4  }
0x6: {  	_ = 	snop  }
0x7: {  	s10 =	rddreg [dreg:$0x0];
	s2 =	simm.s32 $0x0  }
0x8: {  	[smem:$0x7FF] =	sst s2  }
0x9: {  	s0 =	rddreg [dreg:$0x1];
	_ =	strace $0x8000004A  }
0xa: {  	vm0 =	vmmov $0x1;
	vm1 =	vmmov $0x3;
	vm2 =	vmmov $0x7  }
0xb: {  	vm3 =	vmmov $0xf;
	vm4 =	vmmov $0x1f;
	s3 =	sadd.s32 $0x6400, s10;
	vm5 =	vmmov $0x3f  }
0xc: {  	s12 =	ssub.s32 $0x2, s4;
	vm6 =	vmmov $0x7f;
	vm7 =	vmmov $0xff;
	s4 =	sadd.s32 $0xB400, s10;
	s5 =	sadd.s32 $0xA00, s10;
	vm8 =	vmmov $0x1ff  }
0xd: {  	vm9 =	vmmov $0x3ff;
	vm10 =	vmmov $0x7ff;
	s6 =	sadd.s32 $0x6410, s10;
	s7 =	sadd.s32 $0x6420, s10;
	s8 =	sadd.s32 $0x6430, s10;
	vm11 =	vmmov $0xfff  }
0xe: {  	vm12 =	vmmov $0x1fff;
	v0 =	vlaneseq.u32;
	s9 =	sadd.s32 $0x6440, s10;
	s10 =	sadd.s32 $0x6450, s10;
	s11 =	simm.s32 $0x400;
	vm13 =	vmmov $0x3fff  }
0xf: {  	vm14 =	vmmov $0x7fff;
	s15 =	simm.s32 $0x5000;
	s16 =	simm.s32 $0xA000;
	s17 =	simm.s32 $0xF000;
	v12 =	vimm.f32 $-1.000000000e+00;
	v13 =	vimm.s32 $0x0  }
0x10: {  	v1 =	vor.u32 $0x80000040, v0;
	v2 =	vor.u32 $0x80000030, v0;
	v3 =	vor.u32 $0x80000020, v0  }
0x11: {  	s14 =	simm.s32 $0x1;
	s18 =	simm.s32 $0x14000;
	s19 =	simm.s32 $0x19000;
	v4 =	vor.u32 $0x80000010, v0;
	v5 =	vor.u32 $0x80000000, v0;
	v6 =	vor.u32 $0x10, v0  }
0x12: {  	s20 =	simm.s32 $0x1E000;
	s21 =	simm.s32 $0x1E880;
	s13 =	sshrl.u32 s12, $0x1;
	v7 =	vor.u32 $0x20, v0;
	v8 =	vor.u32 $0x30, v0;
	v13 =	vsel vm0, $0xFFFFFFFF, v13  }
0x13: {  	s22 =	simm.s32 $0x0;
	v9 =	vor.u32 $0x40, v0;
	v10 =	vor.u32 $0x50, v0;
	v11 =	vor.u32 $0x60, v0;
	s12 =	ssub.s32 s12, s13;
	s13 =	simm.s32 $0x80;
	[tilespmem:$0x1FFF0] =	vst v13  }
.LBB2_2:
0x14: {  	s23 =	simm.s32 $0x0  }
0x15: {  	[tilespmem:s23], [sflag:$0x1] =	stream.strided.gather [hbm4b:s3+s13], $0x5000, s11, s13, $0x38;
	[tilespmem:$0x1EB80] =	vst v63  }
0x16: {  	_ =	swait.ge [sflag:s14], $0x5000  }
0x17: {  	[sflag:s14] =	ssyncset.done $0x0  }
0x18: {  	[sflag:s14] =	ssyncadd.s32 $0xFFFFB000  }
0x19: {  	[tilespmem:s15], [sflag:$0x1] =	stream.strided.gather [hbm4b:s6+s13], $0x5000, s11, s13, $0x38;
	[tilespmem:$0x1EB80] =	vst v63  }
0x1a: {  	_ =	swait.ge [sflag:s14], $0x5000  }
0x1b: {  	[sflag:s14] =	ssyncset.done $0x0  }
0x1c: {  	[sflag:s14] =	ssyncadd.s32 $0xFFFFB000  }
0x1d: {  	[tilespmem:s16], [sflag:$0x1] =	stream.strided.gather [hbm4b:s7+s13], $0x5000, s11, s13, $0x38;
	[tilespmem:$0x1EB80] =	vst v63  }
0x1e: {  	_ =	swait.ge [sflag:s14], $0x5000  }
0x1f: {  	[sflag:s14] =	ssyncset.done $0x0  }
0x20: {  	[sflag:s14] =	ssyncadd.s32 $0xFFFFB000  }
0x21: {  	[tilespmem:s17], [sflag:$0x1] =	stream.strided.gather [hbm4b:s8+s13], $0x5000, s11, s13, $0x38;
	[tilespmem:$0x1EB80] =	vst v63  }
0x22: {  	_ =	swait.ge [sflag:s14], $0x5000  }
0x23: {  	[sflag:s14] =	ssyncset.done $0x0  }
0x24: {  	[sflag:s14] =	ssyncadd.s32 $0xFFFFB000  }
0x25: {  	[tilespmem:s18], [sflag:$0x1] =	stream.strided.gather [hbm4b:s9+s13], $0x5000, s11, s13, $0x38;
	[tilespmem:$0x1EB80] =	vst v63  }
0x26: {  	_ =	swait.ge [sflag:s14], $0x5000  }
0x27: {  	[sflag:s14] =	ssyncset.done $0x0  }
0x28: {  	[sflag:s14] =	ssyncadd.s32 $0xFFFFB000  }
0x29: {  	[tilespmem:s19], [sflag:$0x1] =	stream.strided.gather [hbm4b:s10+s13], $0x5000, s11, s13, $0x38;
	[tilespmem:$0x1EB80] =	vst v63  }
0x2a: {  	_ =	swait.ge [sflag:s14], $0x5000  }
0x2b: {  	[sflag:s14] =	ssyncset.done $0x0  }
0x2c: {  	[sflag:s14] =	ssyncadd.s32 $0xFFFFB000  }
0x2d: {  	[tilespmem:s20], [sflag:$0x1] =	stream.linear.gather [hbm4b:s4+s23], $0x500, $0x38;
	[tilespmem:$0x1EB80] =	vst v63  }
0x2e: {  	_ =	swait.ge [sflag:s14], $0x500  }
0x2f: {  	[sflag:s14] =	ssyncset.done $0x0  }
0x30: {  	s25 =	simm.s32 $0x1E080;
	[sflag:s14] =	ssyncadd.s32 $0xFFFFFB00  }
0x31: {  	v14 =	vld [tilespmem:s25+$0xFFFFFF80]  }
0x32: {  	s26 =	simm.s32 $0x40;
	s24 =	simm.s32 $0x0;
	v13 =	vld [tilespmem:s25+$0xFFFFFF90]  }
.LBB2_3:
0x33: {  	p0 =	sne.s32 s26, $0x100;
	v15 =	vld [tilespmem:s25+$0xFFFFFFA0]  }
0x34: {  	v16 =	vld [tilespmem:s25+$0xFFFFFFB0]  }
0x35: {  	v17 =	vld [tilespmem:s25+$0xFFFFFFC0]  }
0x36: {  	v18 =	vld [tilespmem:s25+$0xFFFFFFD0];
	(xrf0) =	vmax.scan.msk.f32 $0xffff, v14  }
0x37: {  	v14 =	vld [tilespmem:s25+$0xFFFFFFE0];
	(xrf0) =	vmax.scan.msk.f32 $0xffff, v13  }
0x38: {  	v13 =	vld [tilespmem:s25+$0xFFFFFFF0];
	(xrf0) =	vmax.scan.msk.f32 $0xffff, v15  }
0x39: {  	v15 =	vld [tilespmem:s25+$0x0];
	(xrf0) =	vmax.scan.msk.f32 $0xffff, v16  }
0x3a: {  	v16 =	vld [tilespmem:s25+$0x10];
	(xrf0) =	vmax.scan.msk.f32 $0xffff, v17  }
0x3b: {  	v17 =	vld [tilespmem:s25+$0x20];
	(xrf0) =	vmax.scan.msk.f32 $0xffff, v18  }
0x3c: {  	v18 =	vld [tilespmem:s25+$0x30];
	v19, _, _ =	vpop (xrf0);
	(xrf0) =	vmax.scan.msk.f32 $0xffff, v14  }
0x3d: {  	v14 =	vld [tilespmem:s25+$0x40];
	v20, _, _ =	vpop (xrf0);
	(xrf0) =	vmax.scan.msk.f32 $0xffff, v13  }
0x3e: {  	v13 =	vbroadcast v19, $0xF;
	v23 =	vbroadcast v20, $0xF;
	v20 =	vld [tilespmem:s25+$0x50];
	v21, _, _ =	vpop (xrf0);
	(xrf0) =	vmax.scan.msk.f32 $0xffff, v15  }
0x3f: {  	v15 =	vbroadcast v21, $0xF;
	v21 =	vld [tilespmem:s25+$0x60];
	v22, _, _ =	vpop (xrf0);
	(xrf0) =	vmax.scan.msk.f32 $0xffff, v16  }
0x40: {  	v13 =	vsel vm0, v13, v23;
	v16 =	vbroadcast v22, $0xF;
	v19, _, _ =	vpop (xrf0);
	(xrf0) =	vmax.scan.msk.f32 $0xffff, v17  }
0x41: {  	v13 =	vsel vm1, v13, v15;
	v19 =	vbroadcast v19, $0xF;
	v17, _, _ =	vpop (xrf0);
	(xrf0) =	vmax.scan.msk.f32 $0xffff, v18  }
0x42: {  	v13 =	vsel vm2, v13, v16;
	v22 =	vbroadcast v17, $0xF;
	v17 =	vld [tilespmem:s25+$0x70];
	v18, _, _ =	vpop (xrf0);
	(xrf0) =	vmax.scan.msk.f32 $0xffff, v14  }
0x43: {  	v13 =	vsel vm3, v13, v19;
	v14 =	vbroadcast v18, $0xF;
	v15, _, _ =	vpop (xrf0);
	(xrf0) =	vmax.scan.msk.f32 $0xffff, v20  }
0x44: {  	v13 =	vsel vm4, v13, v22;
	v15 =	vbroadcast v15, $0xF;
	v16, _, _ =	vpop (xrf0);
	(xrf0) =	vmax.scan.msk.f32 $0xffff, v21  }
0x45: {  	v13 =	vsel vm5, v13, v14;
	v14 =	vbroadcast v16, $0xF;
	v16, _, _ =	vpop (xrf0)  }
0x46: {  	v13 =	vsel vm6, v13, v15;
	v15 =	vbroadcast v16, $0xF;
	v16, _, _ =	vpop (xrf0)  }
0x47: {  	v13 =	vsel vm7, v13, v14;
	v14 =	vbroadcast v16, $0xF;
	v16, _, _ =	vpop (xrf0);
	(xrf0) =	vmax.scan.msk.f32 $0xffff, v17  }
0x48: {  	v13 =	vsel vm8, v13, v15;
	v15 =	vbroadcast v16, $0xF;
	v16, _, _ =	vpop (xrf0)  }
0x49: {  	v13 =	vsel vm9, v13, v14;
	v14 =	vbroadcast v16, $0xF;
	v16, _, _ =	vpop (xrf0)  }
0x4a: {  	v13 =	vsel vm10, v13, v15;
	v15 =	vbroadcast v16, $0xF;
	v16, _, _ =	vpop (xrf0)  }
0x4b: {  	v13 =	vsel vm11, v13, v14;
	v16 =	vbroadcast v16, $0xF  }
0x4c: {  	v13 =	vsel vm12, v13, v15  }
.Ltmp1:
0x4d: {  	v13 =	vsel vm13, v13, v16;
	v14, _, _ =	vpop (xrf0);
	(pc) =	sbr.rel @p0 .LBB2_3-.Ltmp1, $4  }
0x4e: {  	s28 =	sshra.s32 s24, $0x2;
	s24 =	smov.u32 s26;
	v13 =	vsel vm14, v13, v14  }
0x4f: {  	s25 =	sadd.s32 $0x100, s25;
	[tilespmem:s28+$0x1E500] =	vst v13  }
0x50: {  	v14 =	vld [tilespmem:s25+$0xFFFFFF80]  }
0x51: {  	s26 =	sadd.s32 $0x40, s26;
	v13 =	vld [tilespmem:s25+$0xFFFFFF90]  }
0x52: {  	v15 =	vld [tilespmem:s25+$0xFFFFFFA0]  }
0x53: {  	v16 =	vld [tilespmem:s25+$0xFFFFFFB0]  }
0x54: {  	v17 =	vld [tilespmem:s25+$0xFFFFFFC0]  }
0x55: {  	(xrf0) =	vmax.scan.msk.f32 $0xffff, v14  }
0x56: {  	v18 =	vld [tilespmem:s25+$0xFFFFFFD0];
	(xrf0) =	vmax.scan.msk.f32 $0xffff, v13  }
0x57: {  	v14 =	vld [tilespmem:s25+$0xFFFFFFE0];
	(xrf0) =	vmax.scan.msk.f32 $0xffff, v15  }
0x58: {  	v13 =	vld [tilespmem:s25+$0xFFFFFFF0];
	(xrf0) =	vmax.scan.msk.f32 $0xffff, v16  }
0x59: {  	v15 =	vld [tilespmem:s25+$0x0];
	(xrf0) =	vmax.scan.msk.f32 $0xffff, v17;
	_ =	sdelay $0x1  }
0x5a: {  	v45 =	vld [tilespmem:s25+$0x10];
	(xrf0) =	vmax.scan.msk.f32 $0xffff, v18;
	v19, _, _ =	vpop (xrf0)  }
0x5b: {  	v46 =	vld [tilespmem:s25+$0x20];
	(xrf0) =	vmax.scan.msk.f32 $0xffff, v14;
	v20, _, _ =	vpop (xrf0)  }
0x5c: {  	v47 =	vld [tilespmem:s25+$0x30];
	(xrf0) =	vmax.scan.msk.f32 $0xffff, v13;
	v13 =	vbroadcast v19, $0xF;
	v48 =	vbroadcast v20, $0xF;
	v21, _, _ =	vpop (xrf0)  }
0x5d: {  	v14 =	vld [tilespmem:s25+$0x40];
	(xrf0) =	vmax.scan.msk.f32 $0xffff, v15;
	v15 =	vbroadcast v21, $0xF;
	v22, _, _ =	vpop (xrf0)  }
0x5e: {  	v49 =	vld [tilespmem:s25+$0x50];
	v13 =	vsel vm0, v13, v48;
	v52, _, _ =	vpop (xrf0)  }
0x5f: {  	v50 =	vld [tilespmem:s25+$0x60];
	(xrf0) =	vmax.scan.msk.f32 $0xffff, v45;
	v13 =	vsel vm1, v13, v15;
	v15 =	vbroadcast v52, $0xF  }
0x60: {  	v51 =	vbroadcast v22, $0xF;
	(xrf0) =	vmax.scan.msk.f32 $0xffff, v46  }
0x61: {  	v53, _, _ =	vpop (xrf0);
	(xrf0) =	vmax.scan.msk.f32 $0xffff, v47  }
0x62: {  	v13 =	vsel vm2, v13, v51;
	v54 =	vbroadcast v53, $0xF;
	v56, _, _ =	vpop (xrf0);
	(xrf0) =	vmax.scan.msk.f32 $0xffff, v14  }
0x63: {  	v13 =	vsel vm3, v13, v15;
	v14 =	vbroadcast v56, $0xF;
	v15, _, _ =	vpop (xrf0);
	(xrf0) =	vmax.scan.msk.f32 $0xffff, v49  }
0x64: {  	v55 =	vld [tilespmem:s25+$0x70];
	v13 =	vsel vm4, v13, v54;
	v15 =	vbroadcast v15, $0xF;
	v57, _, _ =	vpop (xrf0);
	(xrf0) =	vmax.scan.msk.f32 $0xffff, v50  }
0x65: {  	v13 =	vsel vm5, v13, v14;
	v14 =	vbroadcast v57, $0xF;
	v58, _, _ =	vpop (xrf0)  }
0x66: {  	v13 =	vsel vm6, v13, v15;
	v15 =	vbroadcast v58, $0xF;
	v59, _, _ =	vpop (xrf0)  }
0x67: {  	v13 =	vsel vm7, v13, v14;
	v14 =	vbroadcast v59, $0xF;
	v60, _, _ =	vpop (xrf0)  }
0x68: {  	v13 =	vsel vm8, v13, v15;
	v15 =	vbroadcast v60, $0xF;
	v61, _, _ =	vpop (xrf0)  }
0x69: {  	(xrf0) =	vmax.scan.msk.f32 $0xffff, v55;
	v13 =	vsel vm9, v13, v14;
	v14 =	vbroadcast v61, $0xF;
	v62, _, _ =	vpop (xrf0)  }
0x6a: {  	v13 =	vsel vm10, v13, v15;
	v63, _, _ =	vpop (xrf0)  }
0x6b: {  	v13 =	vsel vm11, v13, v14;
	v14 =	vbroadcast v63, $0xF  }
0x6c: {  	v15 =	vbroadcast v62, $0xF;
	_ =	sdelay $0x1  }
0x6d: {  	v13 =	vsel vm12, v13, v15  }
0x6e: {  	v13 =	vsel vm13, v13, v14;
	v14, _, _ =	vpop (xrf0)  }
0x6f: {  	s24 =	sshra.s32 s24, $0x2;
	v13 =	vsel vm14, v13, v14  }
0x70: {  	[tilespmem:s24+$0x1E500] =	vst v13;
	s24 =	simm.s32 $0x0  }
.LBB2_5:
0x71: {  	v14 =	vld [tilespmem:$0x1E500]  }
0x72: {  	v15 =	vld [tilespmem:$0x1E510]  }
0x73: {  	v16 =	vld [tilespmem:$0x1E520]  }
0x74: {  	v17 =	vld [tilespmem:$0x1E530];
	_ =	sdelay $0x1  }
0x75: {  	v18 =	vld [tilespmem:$0x1E540];
	_ =	sdelay $0x2  }
0x76: {  	v13 =	vmax.f32 v14, v15;
	v19 =	vmax.f32 v16, v17  }
0x77: {  	v13 =	vmax.f32 v13, v19  }
0x78: {  	v13 =	vmax.f32 v13, v18  }
0x79: {  	(xrf0) =	vmax.scan.msk.f32 $0xffff, v13;
	_ =	sdelay $0x5  }
0x7a: {  	v52, _, _ =	vpop (xrf0)  }
0x7b: {  	v13 =	vbroadcast v52, $0xF;
	_ =	sdelay $0x1  }
0x7c: {  	vm15 =	veq.f32 v18, v13  }
0x7d: {  	vm0 =	veq.f32 v17, v13;
	v53 =	vnsel vm15, $0xC0000000, v1  }
0x7e: {  	vm15 =	veq.f32 v16, v13;
	v54 =	vsel vm0, v2, v53  }
0x7f: {  	vm0 =	veq.f32 v15, v13;
	v15 =	vsel vm15, v3, v54  }
0x80: {  	vm15 =	veq.f32 v14, v13;
	v14 =	vsel vm0, v4, v15  }
0x81: {  	v14 =	vsel vm15, v5, v14  }
0x82: {  	(xrf0) =	vmin.scan.msk.u32 $0xffff, v14;
	_ =	sdelay $0x5  }
0x83: {  	(v2sf) =	vpush v52, $0xF;
	v14, _, _ =	vpop (xrf0)  }
0x84: {  	(v2sf) =	vpush v14, $0xF;
	_ =	sdelay $0xd  }
0x85: {  	s25 =	spop (v2sf)  }
0x86: {  	s26 =	spop (v2sf)  }
0x87: {  	s28 =	sshll.u32 s26, $0x4  }
0x88: {  	v55 =	vld [tilespmem:s28+$0x1E000];
	_ =	sdelay $0x4  }
0x89: {  	v14 =	vxor.u32 s28, v5;
	vm0 =	veq.f32 v55, v13  }
0x8a: {  	v14 =	vnsel vm0, $0xC0000000, v14  }
0x8b: {  	(xrf0) =	vmin.scan.msk.u32 $0xffff, v14;
	_ =	sdelay $0x5  }
0x8c: {  	v14, _, _ =	vpop (xrf0)  }
0x8d: {  	(v2sf) =	vpush v14, $0xF;
	_ =	sdelay $0xe  }
0x8e: {  	s29 =	spop (v2sf)  }
0x8f: {  	s30 =	sshll.u32 s29, $0x4  }
0x90: {  	v14 =	vld [tilespmem:s30+$0x19000];
	_ =	sdelay $0x4  }
0x91: {  	vm0 =	veq.f32 v14, v13  }
0x92: {  	v15 =	vnsel vm0, $0xC0000000, v5  }
0x93: {  	(xrf0) =	vmin.scan.msk.u32 $0xffff, v15;
	_ =	sdelay $0x5  }
0x94: {  	v15, _, _ =	vpop (xrf0)  }
0x95: {  	(v2sf) =	vpush v15, $0xF;
	_ =	sdelay $0xe  }
0x96: {  	s31 =	spop (v2sf)  }
0x97: {  	s31 =	sxor.u32 $0x80000000, s31  }
0x98: {  	v15 =	vmov s31  }
0x99: {  	vm0 =	veq.s32 v15, v0  }
0x9a: {  	v56 =	vsel vm0, $0xC0000000, v14  }
0x9b: {  	(xrf0) =	vmax.scan.msk.f32 $0xffff, v56;
	_ =	sdelay $0x1  }
0x9c: {  	s31 =	sadd.s32 s31, s30  }
0x9d: {  	v57 =	vmov s31;
	_ =	sdelay $0x1  }
0x9e: {  	s29 =	sxor.u32 $0x80000000, s29  }
0x9f: {  	s29 =	ssub.s32 s29, s28;
	s31 =	sxor.u32 $0x80000000, s26;
	v15, _, _ =	vpop (xrf0)  }
0xa0: {  	p1 =	sgt.s32 s26, $0xFFFFFFFF;
	v58 =	vmov s29;
	s26 =	sand.u32 $0xF, s26;
	p0 =	slt.s32 s31, $0x1;
	v20 =	vbroadcast v15, $0xF  }
0xa1: {  	vm0 =	veq.s32 v58, v0;
	s29 =	sshra.s32 s31, $0x1F;
	p4 =	sne.s32 s26, $0x0;
	p0 =	por p1, p0;
	v14 =	vld.idx.msk [tilespmem:v57+s2+$0x0], $0xffff  }
0xa2: {  	s29 =	sshrl.u32 s29, $0x1C;
	p0 =	por !p4, !p0;
	v16 =	vld.idx.msk [tilespmem:v57+s16+$0x0], $0xffff;
	v20 =	vsel vm0, v20, v55  }
0xa3: {  	s26 =	sadd.s32 s29, s31;
	s29 =	simm.s32 $0x1;
	p0 =	por !p0, !p0;
	v17 =	vld.idx.msk [tilespmem:v57+s17+$0x0], $0xffff;
	(xrf0) =	vmax.scan.msk.f32 $0xffff, v20  }
0xa4: {  	s26 =	sshrl.u32 s26, $0x4;
	v18 =	vld.idx.msk [tilespmem:v57+s18+$0x0], $0xffff;
	s29 =	simm.s32 @!p0 $0x0  }
0xa5: {  	s26 =	ssub.s32 s26, s29;
	v15 =	vld.idx.msk [tilespmem:v57+s15+$0x0], $0xffff;
	[tilespmem:s30+$0x19000] =	vst v56  }
0xa6: {  	s26 =	sshll.u32 s26, $0x4;
	[tilespmem:s28+$0x1E000] =	vst v20  }
0xa7: {  	v19 =	vld [tilespmem:s26+$0x1E500];
	_ =	sdelay $0x1  }
0xa8: {  	s31 =	ssub.s32 s31, s26;
	v59, _, _ =	vpop (xrf0)  }
0xa9: {  	v21 =	vmov s31;
	v20 =	vbroadcast v59, $0xF  }
0xaa: {  	vm0 =	veq.s32 v21, v0  }
0xab: {  	v19 =	vsel vm0, v20, v19  }
0xac: {  	[tilespmem:s26+$0x1E500] =	vst v19  }
0xad: {  	v19 =	vld [tilespmem:$0x1E580]  }
0xae: {  	v60 =	vld [tilespmem:$0x1E600]  }
0xaf: {  	v61 =	vld [tilespmem:$0x1E680]  }
0xb0: {  	v22 =	vld [tilespmem:$0x1E700]  }
0xb1: {  	v23 =	vld [tilespmem:$0x1E800]  }
0xb2: {  	v24 =	vld [tilespmem:$0x1E590]  }
0xb3: {  	v25 =	vld [tilespmem:$0x1E610]  }
0xb4: {  	v26 =	vld [tilespmem:$0x1E690]  }
0xb5: {  	v27 =	vld [tilespmem:$0x1E710]  }
0xb6: {  	v28 =	vld [tilespmem:$0x1E810]  }
0xb7: {  	v29 =	vld [tilespmem:$0x1E5A0]  }
0xb8: {  	v30 =	vld [tilespmem:$0x1E620]  }
0xb9: {  	v62 =	vld [tilespmem:$0x1E6A0]  }
0xba: {  	v63 =	vld [tilespmem:$0x1E720]  }
0xbb: {  	v31 =	vld [tilespmem:$0x1E820]  }
0xbc: {  	v32 =	vld [tilespmem:$0x1E5B0]  }
0xbd: {  	v37 =	vld [tilespmem:$0x1E630]  }
0xbe: {  	v39 =	vld [tilespmem:$0x1E6B0]  }
0xbf: {  	v41 =	vld [tilespmem:$0x1E730]  }
0xc0: {  	v33 =	vld [tilespmem:$0x1E830]  }
0xc1: {  	v44 =	vld [tilespmem:$0x1E640]  }
0xc2: {  	v45 =	vld [tilespmem:$0x1E6C0];
	v19 =	vmax.f32 v19, v14  }
0xc3: {  	v47 =	vld [tilespmem:$0x1E740];
	v21 =	vmin.f32 v61, v16;
	v20 =	vmax.f32 v60, v15;
	v22 =	vmin.f32 v22, v17  }
0xc4: {  	v34 =	vld [tilespmem:$0x1E5D0];
	v24 =	vmax.f32 v24, v14;
	v26 =	vmin.f32 v26, v16;
	v23 =	vadd.f32 v23, v18  }
0xc5: {  	v35 =	vld [tilespmem:$0x1E750];
	v25 =	vmax.f32 v25, v15;
	v38 =	vmin.f32 v27, v17;
	v40 =	vmax.f32 v29, v14  }
0xc6: {  	v42 =	vld [tilespmem:$0x1E5C0];
	v30 =	vmax.f32 v30, v15;
	v43 =	vadd.f32 v28, v18;
	v46 =	vadd.f32 v31, v18  }
0xc7: {  	v51 =	vld [tilespmem:$0x1E5E0];
	v32 =	vmax.f32 v32, v14;
	v27 =	vmin.f32 v39, v16;
	v29 =	vmin.f32 v41, v17  }
0xc8: {  	v53 =	vld [tilespmem:$0x1E660];
	v52 =	vmin.f32 v45, v16;
	v28 =	vmax.f32 v44, v15;
	v31 =	vmin.f32 v47, v17  }
0xc9: {  	v55 =	vld [tilespmem:$0x1E760];
	v57 =	vadd.f32 v33, v18;
	v60 =	vmax.f32 v34, v14;
	v19 =	vsub.f32 v21, v19  }
0xca: {  	v54 =	vld [tilespmem:$0x1E6E0];
	v61 =	vmin.f32 v35, v17;
	v20 =	vsub.f32 v22, v20;
	v36 =	vsub.f32 v26, v24  }
0xcb: {  	v25 =	vsub.f32 v38, v25;
	v21 =	vmin.f32 v62, v16;
	v22 =	vmin.f32 v63, v17  }
0xcc: {  	v24 =	vmax.f32 v37, v15;
	v27 =	vsub.f32 v27, v32;
	v26 =	vmax.f32 v42, v14  }
0xcd: {  	v59 =	vld [tilespmem:$0x1E840];
	v28 =	vsub.f32 v31, v28;
	v32 =	vmax.f32 v51, v14;
	v21 =	vsub.f32 v21, v40  }
0xce: {  	v31 =	vmin.f32 v55, v17;
	v22 =	vsub.f32 v22, v30;
	v24 =	vsub.f32 v29, v24  }
0xcf: {  	v26 =	vsub.f32 v52, v26;
	v30 =	vmax.f32 v53, v15;
	v29 =	vmin.f32 v54, v16  }
0xd0: {  	v49 =	vld [tilespmem:$0x1E650];
	v19 =	vmax.f32 v19, $0.0e+00;
	v20 =	vmax.f32 v20, $0.0e+00;
	v25 =	vmax.f32 v25, $0.0e+00  }
0xd1: {  	v62 =	vld [tilespmem:$0x1E850];
	v27 =	vmax.f32 v27, $0.0e+00;
	v58 =	vmax.f32 v28, $0.0e+00;
	v37 =	vsub.f32 v31, v30  }
0xd2: {  	v63 =	vld [tilespmem:$0x1E860];
	v28 =	vadd.f32 v59, v18;
	v19 =	vmul.f32 v20, v19;
	v20 =	vmax.f32 v36, $0.0e+00  }
0xd3: {  	v50 =	vld [tilespmem:$0x1E6D0];
	v21 =	vmax.f32 v21, $0.0e+00;
	v22 =	vmax.f32 v22, $0.0e+00;
	v24 =	vmax.f32 v24, $0.0e+00  }
0xd4: {  	v26 =	vmax.f32 v26, $0.0e+00;
	v20 =	vmul.f32 v25, v20;
	v23 =	vsub.f32 v23, v19  }
0xd5: {  	v36 =	vsub.f32 v29, v32;
	v21 =	vmul.f32 v22, v21;
	v56 =	vmul.f32 v24, v27  }
0xd6: {  	v26 =	vmul.f32 v58, v26;
	v25 =	vsub.f32 v43, v20;
	v23 =	vmax.f32 v23, $9.999999710e-10  }
0xd7: {  	v39 =	vadd.f32 v62, v18;
	v40 =	vadd.f32 v63, v18;
	(erf) = vrcp.f32 v23  }
0xd8: {  	v48 =	vmax.f32 v25, $9.999999710e-10;
	v25 =	vmax.f32 v49, v15;
	v23 =	vmin.f32 v50, v16  }
0xd9: {  	v29 =	vmax.f32 v37, $0.0e+00;
	v23 =	vsub.f32 v23, v60;
	v25 =	vsub.f32 v61, v25  }
0xda: {  	v27 =	vmax.f32 v36, $0.0e+00;
	v22 =	vsub.f32 v46, v21;
	v24 =	vsub.f32 v57, v56  }
0xdb: {  	v38 =	vmul.f32 v29, v27;
	v23 =	vmax.f32 v23, $0.0e+00;
	v25 =	vmax.f32 v25, $0.0e+00  }
0xdc: {  	v22 =	vmax.f32 v22, $9.999999710e-10;
	(erf) = vrcp.f32 v48;
	v23 =	vmul.f32 v25, v23  }
0xdd: {  	v28 =	vsub.f32 v28, v26;
	v24 =	vmax.f32 v24, $9.999999710e-10;
	(erf) = vrcp.f32 v22  }
0xde: {  	(erf) = vrcp.f32 v24;
	v41 =	vsub.f32 v39, v23  }
0xdf: {  	v42 =	vmax.f32 v28, $9.999999710e-10;
	v43 =	vsub.f32 v40, v38  }
0xe0: {  	(erf) = vrcp.f32 v42;
	v24 =	vmax.f32 v41, $9.999999710e-10  }
0xe1: {  	v44 =	vmax.f32 v43, $9.999999710e-10;
	(erf) = vrcp.f32 v24  }
0xe2: {  	(erf) = vrcp.f32 v44  }
0xe3: {  	v45 =	vpop (erf)  }
0xe4: {  	v19 =	vmul.f32 v45, v19  }
0xe5: {  	v47 =	vmov s24;
	v46 =	vpop (erf)  }
0xe6: {  	vm0 =	vgt.u32 v47, v0;
	v48 =	vpop (erf);
	v20 =	vmul.f32 v46, v20;
	v19 =	vmax.f32 v19, $0.0e+00  }
0xe7: {  	v49 =	vpop (erf);
	v21 =	vmul.f32 v48, v21;
	v19 =	vnsel vm0, $0x0, v19;
	vm0 =	vgt.u32 v47, v6  }
0xe8: {  	v22 =	vmul.f32 v49, v56;
	v20 =	vnsel vm0, $0x0, v20;
	vm0 =	vgt.u32 v47, v7  }
0xe9: {  	v50 =	vpop (erf);
	v19 =	vmax.f32 v19, v20;
	v51 =	vnsel vm0, $0x0, v21;
	vm0 =	vgt.u32 v47, v8  }
0xea: {  	v53 =	vmul.f32 v50, v26;
	v19 =	vmax.f32 v19, v51;
	v22 =	vnsel vm0, $0x0, v22;
	v52 =	vpop (erf)  }
0xeb: {  	vm0 =	vgt.u32 v47, v9;
	v19 =	vmax.f32 v19, v22;
	v21 =	vmul.f32 v52, v23;
	v54 =	vpop (erf)  }
0xec: {  	v20 =	vnsel vm0, $0x0, v53;
	vm0 =	vgt.u32 v47, v10;
	v22 =	vmul.f32 v54, v38  }
0xed: {  	v19 =	vmax.f32 v19, v20;
	v55 =	vnsel vm0, $0x0, v21;
	vm0 =	vgt.u32 v47, v11  }
0xee: {  	v19 =	vmax.f32 v19, v55;
	v56 =	vnsel vm0, $0x0, v22  }
0xef: {  	v19 =	vmax.f32 v19, v56  }
0xf0: {  	(xrf0) =	vmax.scan.msk.f32 $0xffff, v19;
	_ =	sdelay $0x5  }
0xf1: {  	v19, _, _ =	vpop (xrf0)  }
0xf2: {  	(v2sf) =	vpush v19, $0xF;
	_ =	sdelay $0xe  }
0xf3: {  	s29 =	spop (v2sf)  }
0xf4: {  	p5 =	sge.f32 s25, $1.000000010e-01;
	p6 =	sle.f32 s29, $3.000000120e-01  }
0xf5: {  	_ = 	snop  }
0xf6: {  	p0 =	por !p5, !p6  }
0xf7: {  	s30 =	sand.u32 $0x7FFFFFF0, s24;
	s28 =	simm.s32 $0x1;
	p0 =	por !p0, !p0  }
0xf8: {  	v57 =	vld [tilespmem:s30+$0x1E580];
	vm0 =	vmxor vm0, vm0;
	s28 =	simm.s32 @!p0 $0x0  }
0xf9: {  	s31 =	sand.u32 $0xF, s24;
	v62 =	vld [tilespmem:s30+$0x1E780];
	vm0 =	vmneg @p0 vm0;
	p0 =	sgt.u32 s23, $0x7CE;
	s24 =	sadd.s32 s28, s24  }
0xfa: {  	v59 =	vmov s31;
	v58 =	vld [tilespmem:s30+$0x1E600];
	p1 =	sgt.u32 @!p0 s24, $0x63  }
0xfb: {  	vm15 =	veq.s32 v59, v0;
	v63 =	vld [tilespmem:s30+$0x1E800];
	p0 =	por p0, p1  }
0xfc: {  	v60 =	vld [tilespmem:s30+$0x1E680];
	vm0 =	vmand vm15, vm0;
	p1 =	sge.f32 @!p0 s25, $1.000000010e-01  }
0xfd: {  	v61 =	vld [tilespmem:s30+$0x1E700];
	v14 =	vsel vm0, v14, v57  }
0xfe: {  	v13 =	vsel vm0, v13, v62;
	[tilespmem:s30+$0x1E580] =	vst v14;
	p0 =	por p0, !p1  }
.Ltmp2:
0xff: {  	v14 =	vsel vm0, v15, v58;
	[tilespmem:s30+$0x1E780] =	vst v13;
	(pc) =	sbr.rel @!p0 .LBB2_5-.Ltmp2, $4  }
0x100: {  	v13 =	vsel vm0, v18, v63;
	[tilespmem:s30+$0x1E600] =	vst v14  }
0x101: {  	v14 =	vsel vm0, v16, v60;
	[tilespmem:s30+$0x1E800] =	vst v13  }
0x102: {  	[tilespmem:s30+$0x1E680] =	vst v14;
	v14 =	vsel vm0, v17, v61  }
0x103: {  	s23 =	sadd.s32 $0x1, s23;
	[tilespmem:s30+$0x1E700] =	vst v14  }
0x104: {  	v13 =	vld [tilespmem:$0x1E580]  }
0x105: {  	v14 =	vld [tilespmem:$0x1E590]  }
0x106: {  	v16 =	vmov s24  }
0x107: {  	v15 =	vld [tilespmem:$0x1E5A0];
	v19 =	vimm.s32 $0x0;
	vm0 =	vgt.u32 v16, v6  }
0x108: {  	vm15 =	vgt.u32 v16, v0;
	v19 =	vsel vm0, $0xFFFFFFFF, v19  }
0x109: {  	v17 =	vld [tilespmem:$0x1E5B0];
	[tilespmem:$0x1FFA0] =	vst v19;
	v13 =	vnsel vm15, $0xBF800000, v13  }
0x10a: {  	v18 =	vld [tilespmem:$0x1E5C0];
	[tilespmem:$0x1E880] =	vst v13;
	v13 =	vnsel vm0, $0xBF800000, v14;
	vm0 =	vgt.u32 v16, v7;
	v14 =	vimm.s32 $0x0  }
0x10b: {  	v43 =	vld [tilespmem:$0x1E5D0];
	v14 =	vsel vm0, $0xFFFFFFFF, v14;
	[tilespmem:$0x1E890] =	vst v13  }
0x10c: {  	v13 =	vnsel vm0, $0xBF800000, v15;
	vm0 =	vgt.u32 v16, v8;
	v15 =	vimm.s32 $0x0;
	[tilespmem:$0x1FFB0] =	vst v14;
	v14 =	vld [tilespmem:$0x1E5E0]  }
0x10d: {  	v44 =	vimm.s32 $0x0;
	v15 =	vsel vm0, $0xFFFFFFFF, v15;
	[tilespmem:$0x1E8A0] =	vst v13  }
0x10e: {  	v47 =	vimm.s32 $0x0;
	v13 =	vnsel vm0, $0xBF800000, v17;
	vm0 =	vgt.u32 v16, v9;
	[tilespmem:$0x1FFC0] =	vst v15  }
0x10f: {  	v15 =	vld [tilespmem:$0x1E600];
	v17 =	vsel vm0, $0xFFFFFFFF, v44;
	[tilespmem:$0x1E8B0] =	vst v13;
	v13 =	vnsel vm0, $0xBF800000, v18;
	vm0 =	vgt.u32 v16, v10  }
0x110: {  	[tilespmem:$0x1E8C0] =	vst v13;
	v13 =	vnsel vm0, $0xBF800000, v43;
	v19 =	vsel vm0, $0xFFFFFFFF, v47;
	vm0 =	vgt.u32 v16, v11  }
0x111: {  	[tilespmem:$0x1E8D0] =	vst v13;
	v13 =	vnsel vm0, $0xBF800000, v14  }
0x112: {  	[tilespmem:$0x1E8E0] =	vst v13;
	v13 =	vimm.s32 $0x0  }
0x113: {  	v13 =	vsel vm15, $0xFFFFFFFF, v13  }
0x114: {  	[tilespmem:$0x1FF90] =	vst v13;
	v13 =	vnsel vm15, $0xBF800000, v15  }
0x115: {  	[tilespmem:$0x1E8F0] =	vst v13;
	v13 =	vld [tilespmem:$0x1FFA0]  }
0x116: {  	v45 =	vld [tilespmem:$0x1E610];
	_ =	sdelay $0x3  }
0x117: {  	vm15 =	vnez.u8 v13  }
0x118: {  	v13 =	vnsel vm15, $0xBF800000, v45  }
0x119: {  	[tilespmem:$0x1E900] =	vst v13;
	v13 =	vld [tilespmem:$0x1FFB0]  }
0x11a: {  	v46 =	vld [tilespmem:$0x1E620];
	_ =	sdelay $0x2  }
0x11b: {  	v48 =	vimm.s32 $0x0  }
0x11c: {  	v16 =	vsel vm0, $0xFFFFFFFF, v48;
	vm0 =	vnez.u8 v13  }
0x11d: {  	v13 =	vnsel vm0, $0xBF800000, v46  }
0x11e: {  	[tilespmem:$0x1E910] =	vst v13;
	v13 =	vld [tilespmem:$0x1FFC0]  }
0x11f: {  	v49 =	vld [tilespmem:$0x1E630];
	_ =	sdelay $0x3  }
0x120: {  	vm0 =	vnez.u8 v13  }
0x121: {  	[tilespmem:$0x1FFD0] =	vst v17;
	v13 =	vnsel vm0, $0xBF800000, v49  }
0x122: {  	[tilespmem:$0x1E920] =	vst v13;
	v13 =	vld [tilespmem:$0x1FFD0]  }
0x123: {  	v14 =	vld [tilespmem:$0x1E640];
	_ =	sdelay $0x3  }
0x124: {  	vm0 =	vnez.u8 v13  }
0x125: {  	[tilespmem:$0x1FFE0] =	vst v19;
	v13 =	vnsel vm0, $0xBF800000, v14  }
0x126: {  	[tilespmem:$0x1E930] =	vst v13;
	v13 =	vld [tilespmem:$0x1FFE0]  }
0x127: {  	v15 =	vld [tilespmem:$0x1E650];
	_ =	sdelay $0x3  }
0x128: {  	vm0 =	vnez.u8 v13  }
0x129: {  	[tilespmem:$0x1FF80] =	vst v16;
	v13 =	vnsel vm0, $0xBF800000, v15  }
0x12a: {  	[tilespmem:$0x1E940] =	vst v13;
	v13 =	vld [tilespmem:$0x1FF80]  }
0x12b: {  	v50 =	vld [tilespmem:$0x1E660];
	_ =	sdelay $0x3  }
0x12c: {  	vm0 =	vnez.u8 v13  }
0x12d: {  	v13 =	vnsel vm0, $0xBF800000, v50  }
0x12e: {  	[tilespmem:$0x1E950] =	vst v13;
	v13 =	vld [tilespmem:$0x1FF90]  }
0x12f: {  	v51 =	vld [tilespmem:$0x1E680]  }
0x130: {  	v52 =	vld [tilespmem:$0x1E690];
	_ =	sdelay $0x2  }
0x131: {  	vm0 =	vnez.u8 v13  }
0x132: {  	v13 =	vnsel vm0, $0xBF800000, v51  }
0x133: {  	[tilespmem:$0x1E960] =	vst v13;
	v13 =	vnsel vm15, $0xBF800000, v52  }
0x134: {  	[tilespmem:$0x1E970] =	vst v13;
	v13 =	vld [tilespmem:$0x1FFB0]  }
0x135: {  	v14 =	vld [tilespmem:$0x1E6A0];
	_ =	sdelay $0x3  }
0x136: {  	vm0 =	vnez.u8 v13  }
0x137: {  	v13 =	vnsel vm0, $0xBF800000, v14  }
0x138: {  	[tilespmem:$0x1E980] =	vst v13;
	v13 =	vld [tilespmem:$0x1FFC0]  }
0x139: {  	v15 =	vld [tilespmem:$0x1E6B0];
	_ =	sdelay $0x3  }
0x13a: {  	vm15 =	vnez.u8 v13  }
0x13b: {  	v13 =	vnsel vm15, $0xBF800000, v15  }
0x13c: {  	[tilespmem:$0x1E990] =	vst v13;
	v13 =	vld [tilespmem:$0x1FFD0]  }
0x13d: {  	v53 =	vld [tilespmem:$0x1E6C0];
	_ =	sdelay $0x3  }
0x13e: {  	vm15 =	vnez.u8 v13  }
0x13f: {  	v13 =	vnsel vm15, $0xBF800000, v53  }
0x140: {  	[tilespmem:$0x1E9A0] =	vst v13;
	v13 =	vld [tilespmem:$0x1FFE0]  }
0x141: {  	v54 =	vld [tilespmem:$0x1E6D0];
	_ =	sdelay $0x3  }
0x142: {  	vm15 =	vnez.u8 v13  }
0x143: {  	v13 =	vnsel vm15, $0xBF800000, v54  }
0x144: {  	[tilespmem:$0x1E9B0] =	vst v13;
	v13 =	vld [tilespmem:$0x1FF80]  }
0x145: {  	v55 =	vld [tilespmem:$0x1E6E0];
	_ =	sdelay $0x3  }
0x146: {  	vm15 =	vnez.u8 v13  }
0x147: {  	v13 =	vnsel vm15, $0xBF800000, v55  }
0x148: {  	[tilespmem:$0x1E9C0] =	vst v13;
	v13 =	vld [tilespmem:$0x1FF90]  }
0x149: {  	v14 =	vld [tilespmem:$0x1E700];
	_ =	sdelay $0x3  }
0x14a: {  	vm15 =	vnez.u8 v13  }
0x14b: {  	v13 =	vnsel vm15, $0xBF800000, v14  }
0x14c: {  	[tilespmem:$0x1E9D0] =	vst v13;
	v13 =	vld [tilespmem:$0x1FFA0]  }
0x14d: {  	v15 =	vld [tilespmem:$0x1E710]  }
0x14e: {  	v56 =	vld [tilespmem:$0x1E720];
	_ =	sdelay $0x2  }
0x14f: {  	vm15 =	vnez.u8 v13  }
0x150: {  	v13 =	vnsel vm15, $0xBF800000, v15  }
0x151: {  	[tilespmem:$0x1E9E0] =	vst v13;
	v13 =	vnsel vm0, $0xBF800000, v56  }
0x152: {  	[tilespmem:$0x1E9F0] =	vst v13;
	v13 =	vld [tilespmem:$0x1FFC0]  }
0x153: {  	v57 =	vld [tilespmem:$0x1E730];
	_ =	sdelay $0x3  }
0x154: {  	vm0 =	vnez.u8 v13  }
0x155: {  	v13 =	vnsel vm0, $0xBF800000, v57  }
0x156: {  	[tilespmem:$0x1EA00] =	vst v13;
	v13 =	vld [tilespmem:$0x1FFD0]  }
0x157: {  	v58 =	vld [tilespmem:$0x1E740];
	_ =	sdelay $0x3  }
0x158: {  	vm15 =	vnez.u8 v13  }
0x159: {  	v13 =	vnsel vm15, $0xBF800000, v58  }
0x15a: {  	[tilespmem:$0x1EA10] =	vst v13;
	v13 =	vld [tilespmem:$0x1FFE0]  }
0x15b: {  	v14 =	vld [tilespmem:$0x1E750];
	_ =	sdelay $0x3  }
0x15c: {  	vm0 =	vnez.u8 v13  }
0x15d: {  	v13 =	vnsel vm0, $0xBF800000, v14  }
0x15e: {  	[tilespmem:$0x1EA20] =	vst v13;
	v13 =	vld [tilespmem:$0x1FF80]  }
0x15f: {  	v15 =	vld [tilespmem:$0x1E760];
	_ =	sdelay $0x3  }
0x160: {  	vm15 =	vnez.u8 v13  }
0x161: {  	v13 =	vnsel vm15, $0xBF800000, v15  }
0x162: {  	[tilespmem:$0x1EA30] =	vst v13;
	v13 =	vld [tilespmem:$0x1FF90]  }
0x163: {  	v59 =	vld [tilespmem:$0x1E780];
	_ =	sdelay $0x3  }
0x164: {  	vm15 =	vnez.u8 v13  }
0x165: {  	v13 =	vnsel vm15, $0xBF800000, v59  }
0x166: {  	[tilespmem:$0x1EA40] =	vst v13;
	v13 =	vld [tilespmem:$0x1FFA0]  }
0x167: {  	v60 =	vld [tilespmem:$0x1E790];
	_ =	sdelay $0x3  }
0x168: {  	vm15 =	vnez.u8 v13  }
0x169: {  	v13 =	vnsel vm15, $0xBF800000, v60  }
0x16a: {  	[tilespmem:$0x1EA50] =	vst v13;
	v13 =	vld [tilespmem:$0x1FFB0]  }
0x16b: {  	v61 =	vld [tilespmem:$0x1E7A0];
	_ =	sdelay $0x3  }
0x16c: {  	vm15 =	vnez.u8 v13  }
0x16d: {  	v13 =	vnsel vm15, $0xBF800000, v61  }
0x16e: {  	[tilespmem:$0x1EA60] =	vst v13;
	v13 =	vld [tilespmem:$0x1FFC0]  }
0x16f: {  	v14 =	vld [tilespmem:$0x1E7B0];
	_ =	sdelay $0x3  }
0x170: {  	vm15 =	vnez.u8 v13  }
0x171: {  	v13 =	vnsel vm15, $0xBF800000, v14  }
0x172: {  	[tilespmem:$0x1EA70] =	vst v13;
	v13 =	vld [tilespmem:$0x1FFD0]  }
0x173: {  	v15 =	vld [tilespmem:$0x1E7C0]  }
0x174: {  	v62 =	vld [tilespmem:$0x1E7D0];
	_ =	sdelay $0x2  }
0x175: {  	vm15 =	vnez.u8 v13  }
0x176: {  	v13 =	vnsel vm15, $0xBF800000, v15  }
0x177: {  	[tilespmem:$0x1EA80] =	vst v13;
	v13 =	vnsel vm0, $0xBF800000, v62  }
0x178: {  	[tilespmem:$0x1EA90] =	vst v13;
	v13 =	vld [tilespmem:$0x1FF80]  }
0x179: {  	v63 =	vld [tilespmem:$0x1E7E0];
	_ =	sdelay $0x3  }
0x17a: {  	vm0 =	vnez.u8 v13  }
0x17b: {  	v13 =	vnsel vm0, $0xBF800000, v63  }
0x17c: {  	[tilespmem:$0x1EAA0] =	vst v13;
	v13 =	vld [tilespmem:$0x1FF90];
	_ =	sdelay $0x4  }
0x17d: {  	vm15 =	vnez.u8 v13  }
0x17e: {  	v13 =	vsel vm15, $0x3F800000, v12  }
0x17f: {  	[tilespmem:$0x1EAB0] =	vst v13;
	v13 =	vld [tilespmem:$0x1FFA0];
	_ =	sdelay $0x4  }
0x180: {  	vm15 =	vnez.u8 v13  }
0x181: {  	v13 =	vsel vm15, $0x3F800000, v12  }
0x182: {  	[tilespmem:$0x1EAC0] =	vst v13;
	v13 =	vld [tilespmem:$0x1FFB0];
	_ =	sdelay $0x4  }
0x183: {  	vm15 =	vnez.u8 v13  }
0x184: {  	v13 =	vsel vm15, $0x3F800000, v12  }
0x185: {  	[tilespmem:$0x1EAD0] =	vst v13;
	v13 =	vld [tilespmem:$0x1FFC0];
	_ =	sdelay $0x4  }
0x186: {  	vm15 =	vnez.u8 v13  }
0x187: {  	v13 =	vsel vm15, $0x3F800000, v12  }
0x188: {  	[tilespmem:$0x1EAE0] =	vst v13;
	v13 =	vld [tilespmem:$0x1FFD0];
	_ =	sdelay $0x4  }
0x189: {  	vm15 =	vnez.u8 v13  }
0x18a: {  	v13 =	vsel vm15, $0x3F800000, v12  }
0x18b: {  	[tilespmem:$0x1EAF0] =	vst v13;
	v13 =	vld [tilespmem:$0x1FFE0];
	_ =	sdelay $0x4  }
0x18c: {  	vm15 =	vnez.u8 v13  }
0x18d: {  	v13 =	vsel vm15, $0x3F800000, v12  }
0x18e: {  	[tilespmem:$0x1EB00] =	vst v13;
	v13 =	vsel vm0, $0x3F800000, v12  }
0x18f: {  	[tilespmem:$0x1EB10] =	vst v13  }
0x190: {  	[hbm4b:s5+s2] =	stream.linear.scatter [tilespmem:s21], [sflag:$0x1], $0x300, $0x38;
	[tilespmem:$0x1EB80] =	vst v63  }
0x191: {  	s22 =	sadd.s32 $0x1, s22;
	_ =	swait.ge [sflag:s14], $0x300  }
0x192: {  	p0 =	sne.s32 s22, s12;
	v13 =	vld [tilespmem:$0x1FFF0]  }
.Ltmp3:
0x193: {  	_ = 	snop;
	(pc) =	sbr.rel @p0 .LBB2_2-.Ltmp3, $3  }
0x194: {  	_ =	sdelay $0x1  }
0x195: {  	[sflag:s14] =	ssyncset.done $0x0  }
0x196: {  	[sflag:s14] =	ssyncadd.s32 $0xFFFFFD00;
	vm0 =	vnez.u8 v13  }
.LBB2_7:
0x197: {  	_ =	sfence.sel $0x180000  }
0x198: {  	[bflag:$0x0] =	sbarrier.arrive $0xFFFF  }
0x199: {  	p0 =	sne.s32 s1, $0x0;
	_ =	strace $0x9000004A  }
0x19a: {  	s0 =	sadd.s32 @!p0 $0x100000, s0;
	[bflag:$0x2] =	sbarrier.arrive $0xFFFF  }
0x19b: {  	[sflag:s0] =	ssyncadd.tile.s32 @!p0 $0x1;
	_ =	shalt  }
.Lfunc_end2:
_tile_overlayer_lowered:
.L_overlay_start_2:
0x19c: {  	(tag) =	ssettag $0x2  }
0x19d: {  	s0 =	rddreg [dreg:$0x0];
	s2 =	stileid.u32  }
0x19e: {  	s1 =	rddreg [dreg:$0x1];
	p0 =	sne.s32 s2, $0x0  }
0x19f: {  	s3 =	rddreg [dreg:$0x2];
	[bflag:$0x3] =	sbarrier.arrive $0xFFFF;
	s2 =	simm.s32 @!p0 $0x1C01  }
0x1a0: {  	[timem:s3], [sflag:s2] =	dma.local @!p0 [hbm:s0], s1  }
0x1a1: {  	s0 =	simm.s32 @!p0 $0x1  }
0x1a2: {  	_ =	swait.ge @!p0 [sflag:s0], s1  }
0x1a3: {  	s1 =	ssub.s32 @!p0 $0x0, s1;
	[sflag:s0] =	ssyncset.done @!p0 $0x0  }
0x1a4: {  	[sflag:s0] =	ssyncadd.s32 @!p0 s1  }
0x1a5: {  	[bflag:$0x3] =	sbarrier.arrive $0xFFFF  }
0x1a6: {  	_ =	shalt  }

</sc_bundles>
